<compile_context>
chip_gen: v7x
topology: tpu7x:2x2x1
jax: 0.10.2.dev20260603
libtpu: 0.0.44.dev20260713+nightly
codegen_flags: <defaults>
</compile_context>

<pallas_src>
import functools
import math

import jax
import jax.numpy as jnp
from jax import lax
from jax.experimental import pallas as pl
from jax.experimental.pallas import tpu as pltpu
from jax.experimental.pallas import tpu_sc as plsc

ALPHA = 0.1
LAMDA = 0.5

_NC = 2
_NS = 16
_NW = _NC * _NS
_K = 96
_IB = 6
_ZROWS = 64


@functools.cache
def _make_spmm(n, d, nblk):
  assert n % (_NS * _ZROWS) == 0
  assert nblk % 2 == 0 and nblk >= 4
  rows_pt = n // _NS
  nchunk = nblk * _IB
  mesh = plsc.VectorSubcoreMesh(core_axis_name="c", subcore_axis_name="s")

  @functools.partial(
      pl.kernel,
      out_type=jax.ShapeDtypeStruct((_NC, n, d), jnp.float32),
      mesh=mesh,
      scratch_types=[
          pltpu.VMEM((_IB, _K), jnp.int32),
          pltpu.VMEM((_IB, _K), jnp.int32),
          pltpu.VMEM((_IB, _K), jnp.int32),
          pltpu.VMEM((_IB, _K), jnp.int32),
          pltpu.VMEM((_K, d), jnp.float32),
          pltpu.VMEM((_K, d), jnp.float32),
          pltpu.VMEM((_K, d), jnp.float32),
          pltpu.VMEM_SHARED((n, d), jnp.float32),
          pltpu.SemaphoreType.DMA,
          pltpu.SemaphoreType.DMA,
          pltpu.SemaphoreType.DMA,
          pltpu.SemaphoreType.DMA,
      ],
  )
  def spmm(
      hs, srcs, dsts, out, sb0, sb1, db0, db1, buf0, buf1, buf2, agg,
      g0, g1, g2, isem
  ):
    c = lax.axis_index("c")
    s = lax.axis_index("s")
    wid = s * _NC + c

    z16 = jnp.zeros((16,), jnp.float32)

    def zrow(i, carry):
      for cc in range(d // 16):
        buf0[i, pl.ds(cc * 16, 16)] = z16
      return carry

    lax.fori_loop(0, _ZROWS, zrow, 0)
    row0 = s * rows_pt
    for r in range(rows_pt // _ZROWS):
      pltpu.sync_copy(
          buf0.at[pl.ds(0, _ZROWS)], agg.at[pl.ds(row0 + r * _ZROWS, _ZROWS)]
      )
    plsc.subcore_barrier()

    bufs = (buf0, buf1, buf2)
    gsems = (g0, g1, g2)
    sbs = (sb0, sb1)
    dbs = (db0, db1)

    def load_idx(bi, pb):
      pltpu.async_copy(srcs.at[wid, bi], sbs[pb], isem)
      pltpu.async_copy(dsts.at[wid, bi], dbs[pb], isem)

    def wait_idx(pb):
      pltpu.make_async_copy(srcs.at[wid, 0], sbs[pb], isem).wait()
      pltpu.make_async_copy(dsts.at[wid, 0], dbs[pb], isem).wait()

    def fire(pb, jj, b):
      pltpu.async_copy(hs.at[sbs[pb].at[jj]], bufs[b], gsems[b])

    pltpu.sync_copy(srcs.at[wid, 0], sb0)
    pltpu.sync_copy(dsts.at[wid, 0], db0)
    fire(0, 0, 0)
    fire(0, 1, 1)
    fire(0, 2, 2)

    def pair(t, carry):
      for m in range(2 * _IB):
        j = t * (2 * _IB) + m
        b = m % 3
        pb, row = (0, m) if m < _IB else (1, m - _IB)
        if m == 0:

          @pl.when(2 * t + 1 < nblk)
          def _():
            load_idx(2 * t + 1, 1)

        elif m == 3:

          @pl.when(2 * t + 1 < nblk)
          def _():
            wait_idx(1)

        elif m == _IB:

          @pl.when(2 * t + 2 < nblk)
          def _():
            load_idx(2 * t + 2, 0)

        elif m == _IB + 3:

          @pl.when(2 * t + 2 < nblk)
          def _():
            wait_idx(0)

        pltpu.make_async_copy(hs.at[sbs[pb].at[row]], bufs[b], gsems[b]).wait()
        pltpu.sync_copy(bufs[b], agg.at[dbs[pb].at[row]], add=True)
        if m < _IB - 3:
          ft = (0, m + 3)
        elif m < 2 * _IB - 3:
          ft = (1, m + 3 - _IB)
        else:
          ft = (0, m + 3 - 2 * _IB)

        @pl.when(j + 3 < nchunk)
        def _():
          fire(ft[0], ft[1], b)

      return carry

    lax.fori_loop(0, nblk // 2, pair, 0)
    plsc.subcore_barrier()
    pltpu.sync_copy(
        agg.at[pl.ds(row0, rows_pt)], out.at[c, pl.ds(row0, rows_pt)]
    )

  return spmm


@functools.cache
def _make_deg(n, nblk):
  assert n % (_NS * 8) == 0
  rows_pt = n // _NS
  nchunk = nblk * _IB
  mesh = plsc.VectorSubcoreMesh(core_axis_name="c", subcore_axis_name="s")

  @functools.partial(
      pl.kernel,
      out_type=jax.ShapeDtypeStruct((_NC, n), jnp.float32),
      mesh=mesh,
      scratch_types=[
          pltpu.VMEM((nblk, _IB, _K), jnp.int32),
          pltpu.VMEM((_K,), jnp.float32),
          pltpu.VMEM((rows_pt,), jnp.float32),
          pltpu.VMEM_SHARED((n,), jnp.float32),
      ],
  )
  def deg(dsts, out, dst_idx, ones, zbuf, acc):
    c = lax.axis_index("c")
    s = lax.axis_index("s")
    wid = s * _NC + c
    pltpu.sync_copy(dsts.at[wid], dst_idx)
    one16 = jnp.ones((16,), jnp.float32)
    z16 = jnp.zeros((16,), jnp.float32)
    for i in range(_K // 16):
      ones[pl.ds(i * 16, 16)] = one16
    for i in range(rows_pt // 16):
      zbuf[pl.ds(i * 16, 16)] = z16
    row0 = s * rows_pt
    pltpu.sync_copy(zbuf, acc.at[pl.ds(row0, rows_pt)])
    plsc.subcore_barrier()

    def step(bi, carry):
      for jj in range(_IB):
        pltpu.sync_copy(ones, acc.at[dst_idx.at[bi, jj]], add=True)
      return carry

    lax.fori_loop(0, nblk, step, 0)
    plsc.subcore_barrier()
    pltpu.sync_copy(acc.at[pl.ds(row0, rows_pt)], out.at[c, pl.ds(row0, rows_pt)])

  return deg


_BR = 1000


def _pre_body(x, w0, b0, d0, d1, h0_o, hs0_o, dinv_o):
  deg = d0[...] + d1[...] + 1.0
  dinv = lax.rsqrt(deg)
  h = jnp.dot(x[...], w0[...].T, preferred_element_type=jnp.float32)
  h = jnp.maximum(h + b0[...], 0.0)
  h0_o[...] = h
  hs0_o[...] = dinv * h
  dinv_o[...] = dinv


def _tc_pre(x, w0, b0, d0, d1):
  n, d = x.shape
  grid = (n // _BR,)
  return pl.pallas_call(
      _pre_body,
      grid=grid,
      in_specs=[
          pl.BlockSpec((_BR, d), lambda i: (i, 0)),
          pl.BlockSpec((d, d), lambda i: (0, 0)),
          pl.BlockSpec((1, d), lambda i: (0, 0)),
          pl.BlockSpec((_BR, 1), lambda i: (i, 0)),
          pl.BlockSpec((_BR, 1), lambda i: (i, 0)),
      ],
      out_specs=[
          pl.BlockSpec((_BR, d), lambda i: (i, 0)),
          pl.BlockSpec((_BR, d), lambda i: (i, 0)),
          pl.BlockSpec((_BR, 1), lambda i: (i, 0)),
      ],
      out_shape=[
          jax.ShapeDtypeStruct((n, d), jnp.float32),
          jax.ShapeDtypeStruct((n, d), jnp.float32),
          jax.ShapeDtypeStruct((n, 1), jnp.float32),
      ],
  )(x, w0, b0, d0, d1)


def _layer_body(p, h, h0, dinv_r, w, beta_r, hn_o, hsn_o):
  dinv = dinv_r[...]
  s = p[0] + p[1]
  agg = dinv * s + (dinv * dinv) * h[...]
  support = (1.0 - ALPHA) * agg + ALPHA * h0[...]
  t = jnp.dot(support, w[...], preferred_element_type=jnp.float32)
  beta = beta_r[0, 0]
  hn = jnp.maximum(support + beta * (t - support), 0.0)
  hn_o[...] = hn
  hsn_o[...] = dinv * hn


def _tc_layer(p, h, h0, dinv, w, beta):
  n, d = h.shape
  grid = (n // _BR,)
  return pl.pallas_call(
      _layer_body,
      grid=grid,
      in_specs=[
          pl.BlockSpec((_NC, _BR, d), lambda i: (0, i, 0)),
          pl.BlockSpec((_BR, d), lambda i: (i, 0)),
          pl.BlockSpec((_BR, d), lambda i: (i, 0)),
          pl.BlockSpec((_BR, 1), lambda i: (i, 0)),
          pl.BlockSpec((d, d), lambda i: (0, 0)),
          pl.BlockSpec((1, 1), lambda i: (0, 0)),
      ],
      out_specs=[
          pl.BlockSpec((_BR, d), lambda i: (i, 0)),
          pl.BlockSpec((_BR, d), lambda i: (i, 0)),
      ],
      out_shape=[
          jax.ShapeDtypeStruct((n, d), jnp.float32),
          jax.ShapeDtypeStruct((n, d), jnp.float32),
      ],
  )(p, h, h0, dinv, w, beta)


def _out_body(h, wt, b, o):
  o[...] = jnp.dot(h[...], wt[...], preferred_element_type=jnp.float32) + b[...]


def _tc_out(h, wt_pad, b_pad):
  n, d = h.shape
  grid = (n // _BR,)
  return pl.pallas_call(
      _out_body,
      grid=grid,
      in_specs=[
          pl.BlockSpec((_BR, d), lambda i: (i, 0)),
          pl.BlockSpec((d, d), lambda i: (0, 0)),
          pl.BlockSpec((1, d), lambda i: (0, 0)),
      ],
      out_specs=pl.BlockSpec((_BR, d), lambda i: (i, 0)),
      out_shape=jax.ShapeDtypeStruct((n, d), jnp.float32),
  )(h, wt_pad, b_pad)


def kernel(x, edge_index, W0, b0, Ws, Wout, bout):
  n, d = x.shape
  e = edge_index.shape[1]
  n_layers = Ws.shape[0]
  n_classes = Wout.shape[0]
  np_ = -(-n // (_NS * _ZROWS)) * (_NS * _ZROWS)
  assert np_ > n

  grain = _NW * _IB * _K
  nblk = -(-e // grain)
  nblk += nblk % 2
  nblk = max(nblk, 4)
  e_pad = nblk * grain
  nchunk = nblk * _IB
  src_p = jnp.concatenate(
      [edge_index[0], jnp.zeros((e_pad - e,), edge_index.dtype)]
  )
  dst_p = jnp.concatenate(
      [edge_index[1], jnp.full((e_pad - e,), n, edge_index.dtype)]
  )
  srcs = src_p.reshape(_NW, nblk, _IB, _K)
  dsts = dst_p.reshape(_NW, nblk, _IB, _K)

  spmm = _make_spmm(np_, d, nblk)

  deg_p = _make_deg(np_, nblk)(dsts)
  d0 = deg_p[0, :n, None]
  d1 = deg_p[1, :n, None]

  h0, hs0, dinv = _tc_pre(x, W0, b0.reshape(1, d), d0, d1)

  betas = jnp.array(
      [math.log(LAMDA / (i + 1) + 1.0) for i in range(n_layers)], jnp.float32
  )

  def body(i, carry):
    h, hs = carry
    p = spmm(hs, srcs, dsts)
    w = lax.dynamic_index_in_dim(Ws, i, 0, keepdims=False)
    beta = lax.dynamic_slice(betas, (i,), (1,)).reshape(1, 1)
    hn, hsn = _tc_layer(p, h, h0, dinv, w, beta)
    return hn, hsn

  h, _ = lax.fori_loop(0, n_layers, body, (h0, hs0))

  wt_pad = jnp.zeros((d, d), jnp.float32).at[:, :n_classes].set(Wout.T)
  b_pad = jnp.zeros((1, d), jnp.float32).at[0, :n_classes].set(bout)
  out = _tc_out(h, wt_pad, b_pad)
  return out[:, :n_classes]

# --- scband reference (transcript-rebuilt; emitter-appended) ---
"""Pipeline reference for scband-gcnii-73933567034044 (READ-ONLY COPY).

The authoritative reference and input builder live on the scoring server;
editing this copy changes nothing except your own understanding.
"""

import jax, jax.numpy as jnp
import numpy as np
import math

N = 10000
E = 320000
D_IN = 128
D_H = 128
N_LAYERS = 16
N_CLASSES = 40
ALPHA = 0.1
LAMDA = 0.5


def setup_inputs(seed: int = 0) -> dict:
    key = jax.random.key(seed)
    ks = jax.random.split(key, 8)
    x = jax.random.normal(ks[0], (N, D_IN), dtype=jnp.float32)
    edge_index = jax.random.randint(ks[1], (2, E), 0, N, dtype=jnp.int32)
    W0 = jax.random.normal(ks[2], (D_H, D_IN), dtype=jnp.float32) * (1.0 / math.sqrt(D_IN))
    b0 = jnp.zeros((D_H,), dtype=jnp.float32)
    Ws = jax.random.normal(ks[3], (N_LAYERS, D_H, D_H), dtype=jnp.float32) * (1.0 / math.sqrt(D_H))
    Wout = jax.random.normal(ks[4], (N_CLASSES, D_H), dtype=jnp.float32) * (1.0 / math.sqrt(D_H))
    bout = jnp.zeros((N_CLASSES,), dtype=jnp.float32)
    return {"x": x, "edge_index": edge_index, "W0": W0, "b0": b0, "Ws": Ws, "Wout": Wout, "bout": bout}


def _gcn_norm(edge_index, n):
    # add self loops, then symmetric normalization D^{-1/2} A D^{-1/2}
    loop = jnp.arange(n, dtype=edge_index.dtype)
    src = jnp.concatenate([edge_index[0], loop])
    dst = jnp.concatenate([edge_index[1], loop])
    deg = jnp.zeros((n,), jnp.float32).at[dst].add(1.0)
    dinv = jnp.where(deg > 0, 1.0 / jnp.sqrt(deg), 0.0)
    norm = dinv[src] * dinv[dst]
    return src, dst, norm


def reference(x, edge_index, W0, b0, Ws, Wout, bout):
    # eval-mode forward of GCNII (dropout = identity; file/energy logging side effects omitted)
    n = x.shape[0]
    src, dst, norm = _gcn_norm(edge_index, n)
    h = jax.nn.relu(x @ W0.T + b0)
    h0 = h
    for i in range(N_LAYERS):
        beta = math.log(LAMDA / (i + 1) + 1.0)
        msg = norm[:, None] * jnp.take(h, src, axis=0)
        agg = jnp.zeros_like(h).at[dst].add(msg)
        support = (1.0 - ALPHA) * agg + ALPHA * h0
        h = jax.nn.relu(beta * (support @ Ws[i]) + (1.0 - beta) * support)
    out = h @ Wout.T + bout
    return out

if __name__ == "__main__":
    import jax
    _d = setup_inputs()
    print(jax.jit(kernel)(*tuple(_d.values())))

</pallas_src>

<mosaic_0001>
#map = affine_map<(d0, d1) -> (0, 0, 0, 0)>
#map1 = affine_map<(d0, d1) -> (0, 0)>
module attributes {stable_mosaic.version = 14 : i64} {
  func.func @deg(%arg0: i32, %arg1: i32, %arg2: memref<32x18x6x96xi32, #tpu.memory_space<hbm>>, %arg3: memref<2x10240xf32, #tpu.memory_space<hbm>>, %arg4: memref<18x6x96xi32, #tpu.memory_space<vmem>>, %arg5: memref<96xf32, #tpu.memory_space<vmem>>, %arg6: memref<640xf32, #tpu.memory_space<vmem>>, %arg7: memref<10240xf32, #tpu.memory_space<vmem_shared>>) attributes {dimension_semantics = [#tpu.dimension_semantics<core_parallel>, #tpu.dimension_semantics<subcore_parallel>], iteration_bounds = array<i64: 2, 16>, scalar_prefetch = 0 : i64, scratch_operands = 4 : i64, tpu.core_type = #tpu.core_type<sc_vector_subcore>, window_params = [{transform_indices = #map}, {transform_indices = #map1}]} {
    %mul3A = arith.constant 2 : i32
    %mul3A_0 = arith.muli %arg1, %mul3A : i32
    %add3A = arith.addi %mul3A_0, %arg0 : i32
    "tpu.region"() ({
      %run_scoped3A = tpu.sem_alloc : memref<!tpu.dma_semaphore, #tpu.memory_space<semaphore_mem>>
      %dma_start3A = arith.constant 0 : i32
      %dma_start3A_195 = arith.constant 0 : i32
      %dma_start3A_196 = arith.constant 0 : i32
      %dma_start3A_197 = tpu.memref_slice %arg2[%add3A, %dma_start3A, %dma_start3A_195, %dma_start3A_196] : memref<32x18x6x96xi32, #tpu.memory_space<hbm>> -> memref<1x18x6x96xi32, #tpu.memory_space<hbm>>
      %dma_start3A_198 = tpu.memref_squeeze %dma_start3A_197 : memref<1x18x6x96xi32, #tpu.memory_space<hbm>> -> memref<18x6x96xi32, #tpu.memory_space<hbm>>
      %dma_start3A_199 = arith.constant 0 : i32
      %dma_start3A_200 = arith.constant 0 : i32
      %dma_start3A_201 = arith.constant 0 : i32
      %dma_start3A_202 = tpu.memref_slice %arg2[%add3A, %dma_start3A_199, %dma_start3A_200, %dma_start3A_201] : memref<32x18x6x96xi32, #tpu.memory_space<hbm>> -> memref<1x18x6x96xi32, #tpu.memory_space<hbm>>
      %dma_start3A_203 = tpu.memref_squeeze %dma_start3A_202 : memref<1x18x6x96xi32, #tpu.memory_space<hbm>> -> memref<18x6x96xi32, #tpu.memory_space<hbm>>
      tpu.enqueue_dma source(%dma_start3A_203 : memref<18x6x96xi32, #tpu.memory_space<hbm>>) target(%arg4 : memref<18x6x96xi32, #tpu.memory_space<vmem>>) target_semaphore(%run_scoped3A : memref<!tpu.dma_semaphore, #tpu.memory_space<semaphore_mem>>)
      %dma_wait3A = arith.constant 0 : i32
      %dma_wait3A_204 = arith.constant 0 : i32
      %dma_wait3A_205 = arith.constant 0 : i32
      %dma_wait3A_206 = tpu.memref_slice %arg2[%add3A, %dma_wait3A, %dma_wait3A_204, %dma_wait3A_205] : memref<32x18x6x96xi32, #tpu.memory_space<hbm>> -> memref<1x18x6x96xi32, #tpu.memory_space<hbm>>
      %dma_wait3A_207 = tpu.memref_squeeze %dma_wait3A_206 : memref<1x18x6x96xi32, #tpu.memory_space<hbm>> -> memref<18x6x96xi32, #tpu.memory_space<hbm>>
      %dma_wait3A_208 = arith.constant 0 : i32
      %dma_wait3A_209 = arith.constant 0 : i32
      %dma_wait3A_210 = arith.constant 0 : i32
      %dma_wait3A_211 = tpu.memref_slice %arg2[%add3A, %dma_wait3A_208, %dma_wait3A_209, %dma_wait3A_210] : memref<32x18x6x96xi32, #tpu.memory_space<hbm>> -> memref<1x18x6x96xi32, #tpu.memory_space<hbm>>
      %dma_wait3A_212 = tpu.memref_squeeze %dma_wait3A_211 : memref<1x18x6x96xi32, #tpu.memory_space<hbm>> -> memref<18x6x96xi32, #tpu.memory_space<hbm>>
      tpu.wait_dma2 semaphore(%run_scoped3A : memref<!tpu.dma_semaphore, #tpu.memory_space<semaphore_mem>>) src(%dma_wait3A_212 : memref<18x6x96xi32, #tpu.memory_space<hbm>>) dst(%arg4 : memref<18x6x96xi32, #tpu.memory_space<vmem>>)
      tpu.yield
    }) : () -> ()
    %broadcast_in_dim3A = arith.constant 1.000000e+00 : f32
    %broadcast_in_dim3A_1 = vector.broadcast %broadcast_in_dim3A : f32 to vector<16xf32>
    %broadcast_in_dim3A_2 = arith.constant 0.000000e+00 : f32
    %broadcast_in_dim3A_3 = vector.broadcast %broadcast_in_dim3A_2 : f32 to vector<16xf32>
    %swap3A = arith.constant 0 : index
    %swap3A_4 = tpu.vector_load %arg5[%swap3A] {strides = array<i32>} : memref<96xf32, #tpu.memory_space<vmem>>, vector<16xf32>,
    %swap3A_5 = vector.shape_cast %swap3A_4 : vector<16xf32> to vector<16xf32>
    %swap3A_6 = vector.shape_cast %broadcast_in_dim3A_1 : vector<16xf32> to vector<16xf32>
    tpu.vector_store %arg5[%swap3A], %swap3A_6 {strides = array<i32>} : memref<96xf32, #tpu.memory_space<vmem>>, vector<16xf32>,
    %swap3A_7 = arith.constant 16 : index
    %swap3A_8 = tpu.vector_load %arg5[%swap3A_7] {strides = array<i32>} : memref<96xf32, #tpu.memory_space<vmem>>, vector<16xf32>,
    %swap3A_9 = vector.shape_cast %swap3A_8 : vector<16xf32> to vector<16xf32>
    %swap3A_10 = vector.shape_cast %broadcast_in_dim3A_1 : vector<16xf32> to vector<16xf32>
    tpu.vector_store %arg5[%swap3A_7], %swap3A_10 {strides = array<i32>} : memref<96xf32, #tpu.memory_space<vmem>>, vector<16xf32>,
    %swap3A_11 = arith.constant 32 : index
    %swap3A_12 = tpu.vector_load %arg5[%swap3A_11] {strides = array<i32>} : memref<96xf32, #tpu.memory_space<vmem>>, vector<16xf32>,
    %swap3A_13 = vector.shape_cast %swap3A_12 : vector<16xf32> to vector<16xf32>
    %swap3A_14 = vector.shape_cast %broadcast_in_dim3A_1 : vector<16xf32> to vector<16xf32>
    tpu.vector_store %arg5[%swap3A_11], %swap3A_14 {strides = array<i32>} : memref<96xf32, #tpu.memory_space<vmem>>, vector<16xf32>,
    %swap3A_15 = arith.constant 48 : index
    %swap3A_16 = tpu.vector_load %arg5[%swap3A_15] {strides = array<i32>} : memref<96xf32, #tpu.memory_space<vmem>>, vector<16xf32>,
    %swap3A_17 = vector.shape_cast %swap3A_16 : vector<16xf32> to vector<16xf32>
    %swap3A_18 = vector.shape_cast %broadcast_in_dim3A_1 : vector<16xf32> to vector<16xf32>
    tpu.vector_store %arg5[%swap3A_15], %swap3A_18 {strides = array<i32>} : memref<96xf32, #tpu.memory_space<vmem>>, vector<16xf32>,
    %swap3A_19 = arith.constant 64 : index
    %swap3A_20 = tpu.vector_load %arg5[%swap3A_19] {strides = array<i32>} : memref<96xf32, #tpu.memory_space<vmem>>, vector<16xf32>,
    %swap3A_21 = vector.shape_cast %swap3A_20 : vector<16xf32> to vector<16xf32>
    %swap3A_22 = vector.shape_cast %broadcast_in_dim3A_1 : vector<16xf32> to vector<16xf32>
    tpu.vector_store %arg5[%swap3A_19], %swap3A_22 {strides = array<i32>} : memref<96xf32, #tpu.memory_space<vmem>>, vector<16xf32>,
    %swap3A_23 = arith.constant 80 : index
    %swap3A_24 = tpu.vector_load %arg5[%swap3A_23] {strides = array<i32>} : memref<96xf32, #tpu.memory_space<vmem>>, vector<16xf32>,
    %swap3A_25 = vector.shape_cast %swap3A_24 : vector<16xf32> to vector<16xf32>
    %swap3A_26 = vector.shape_cast %broadcast_in_dim3A_1 : vector<16xf32> to vector<16xf32>
    tpu.vector_store %arg5[%swap3A_23], %swap3A_26 {strides = array<i32>} : memref<96xf32, #tpu.memory_space<vmem>>, vector<16xf32>,
    %swap3A_27 = arith.constant 0 : index
    %swap3A_28 = tpu.vector_load %arg6[%swap3A_27] {strides = array<i32>} : memref<640xf32, #tpu.memory_space<vmem>>, vector<16xf32>,
    %swap3A_29 = vector.shape_cast %swap3A_28 : vector<16xf32> to vector<16xf32>
    %swap3A_30 = vector.shape_cast %broadcast_in_dim3A_3 : vector<16xf32> to vector<16xf32>
    tpu.vector_store %arg6[%swap3A_27], %swap3A_30 {strides = array<i32>} : memref<640xf32, #tpu.memory_space<vmem>>, vector<16xf32>,
    %swap3A_31 = arith.constant 16 : index
    %swap3A_32 = tpu.vector_load %arg6[%swap3A_31] {strides = array<i32>} : memref<640xf32, #tpu.memory_space<vmem>>, vector<16xf32>,
    %swap3A_33 = vector.shape_cast %swap3A_32 : vector<16xf32> to vector<16xf32>
    %swap3A_34 = vector.shape_cast %broadcast_in_dim3A_3 : vector<16xf32> to vector<16xf32>
    tpu.vector_store %arg6[%swap3A_31], %swap3A_34 {strides = array<i32>} : memref<640xf32, #tpu.memory_space<vmem>>, vector<16xf32>,
    %swap3A_35 = arith.constant 32 : index
    %swap3A_36 = tpu.vector_load %arg6[%swap3A_35] {strides = array<i32>} : memref<640xf32, #tpu.memory_space<vmem>>, vector<16xf32>,
    %swap3A_37 = vector.shape_cast %swap3A_36 : vector<16xf32> to vector<16xf32>
    %swap3A_38 = vector.shape_cast %broadcast_in_dim3A_3 : vector<16xf32> to vector<16xf32>
    tpu.vector_store %arg6[%swap3A_35], %swap3A_38 {strides = array<i32>} : memref<640xf32, #tpu.memory_space<vmem>>, vector<16xf32>,
    %swap3A_39 = arith.constant 48 : index
    %swap3A_40 = tpu.vector_load %arg6[%swap3A_39] {strides = array<i32>} : memref<640xf32, #tpu.memory_space<vmem>>, vector<16xf32>,
    %swap3A_41 = vector.shape_cast %swap3A_40 : vector<16xf32> to vector<16xf32>
    %swap3A_42 = vector.shape_cast %broadcast_in_dim3A_3 : vector<16xf32> to vector<16xf32>
    tpu.vector_store %arg6[%swap3A_39], %swap3A_42 {strides = array<i32>} : memref<640xf32, #tpu.memory_space<vmem>>, vector<16xf32>,
    %swap3A_43 = arith.constant 64 : index
    %swap3A_44 = tpu.vector_load %arg6[%swap3A_43] {strides = array<i32>} : memref<640xf32, #tpu.memory_space<vmem>>, vector<16xf32>,
    %swap3A_45 = vector.shape_cast %swap3A_44 : vector<16xf32> to vector<16xf32>
    %swap3A_46 = vector.shape_cast %broadcast_in_dim3A_3 : vector<16xf32> to vector<16xf32>
    tpu.vector_store %arg6[%swap3A_43], %swap3A_46 {strides = array<i32>} : memref<640xf32, #tpu.memory_space<vmem>>, vector<16xf32>,
    %swap3A_47 = arith.constant 80 : index
    %swap3A_48 = tpu.vector_load %arg6[%swap3A_47] {strides = array<i32>} : memref<640xf32, #tpu.memory_space<vmem>>, vector<16xf32>,
    %swap3A_49 = vector.shape_cast %swap3A_48 : vector<16xf32> to vector<16xf32>
    %swap3A_50 = vector.shape_cast %broadcast_in_dim3A_3 : vector<16xf32> to vector<16xf32>
    tpu.vector_store %arg6[%swap3A_47], %swap3A_50 {strides = array<i32>} : memref<640xf32, #tpu.memory_space<vmem>>, vector<16xf32>,
    %swap3A_51 = arith.constant 96 : index
    %swap3A_52 = tpu.vector_load %arg6[%swap3A_51] {strides = array<i32>} : memref<640xf32, #tpu.memory_space<vmem>>, vector<16xf32>,
    %swap3A_53 = vector.shape_cast %swap3A_52 : vector<16xf32> to vector<16xf32>
    %swap3A_54 = vector.shape_cast %broadcast_in_dim3A_3 : vector<16xf32> to vector<16xf32>
    tpu.vector_store %arg6[%swap3A_51], %swap3A_54 {strides = array<i32>} : memref<640xf32, #tpu.memory_space<vmem>>, vector<16xf32>,
    %swap3A_55 = arith.constant 112 : index
    %swap3A_56 = tpu.vector_load %arg6[%swap3A_55] {strides = array<i32>} : memref<640xf32, #tpu.memory_space<vmem>>, vector<16xf32>,
    %swap3A_57 = vector.shape_cast %swap3A_56 : vector<16xf32> to vector<16xf32>
    %swap3A_58 = vector.shape_cast %broadcast_in_dim3A_3 : vector<16xf32> to vector<16xf32>
    tpu.vector_store %arg6[%swap3A_55], %swap3A_58 {strides = array<i32>} : memref<640xf32, #tpu.memory_space<vmem>>, vector<16xf32>,
    %swap3A_59 = arith.constant 128 : index
    %swap3A_60 = tpu.vector_load %arg6[%swap3A_59] {strides = array<i32>} : memref<640xf32, #tpu.memory_space<vmem>>, vector<16xf32>,
    %swap3A_61 = vector.shape_cast %swap3A_60 : vector<16xf32> to vector<16xf32>
    %swap3A_62 = vector.shape_cast %broadcast_in_dim3A_3 : vector<16xf32> to vector<16xf32>
    tpu.vector_store %arg6[%swap3A_59], %swap3A_62 {strides = array<i32>} : memref<640xf32, #tpu.memory_space<vmem>>, vector<16xf32>,
    %swap3A_63 = arith.constant 144 : index
    %swap3A_64 = tpu.vector_load %arg6[%swap3A_63] {strides = array<i32>} : memref<640xf32, #tpu.memory_space<vmem>>, vector<16xf32>,
    %swap3A_65 = vector.shape_cast %swap3A_64 : vector<16xf32> to vector<16xf32>
    %swap3A_66 = vector.shape_cast %broadcast_in_dim3A_3 : vector<16xf32> to vector<16xf32>
    tpu.vector_store %arg6[%swap3A_63], %swap3A_66 {strides = array<i32>} : memref<640xf32, #tpu.memory_space<vmem>>, vector<16xf32>,
    %swap3A_67 = arith.constant 160 : index
    %swap3A_68 = tpu.vector_load %arg6[%swap3A_67] {strides = array<i32>} : memref<640xf32, #tpu.memory_space<vmem>>, vector<16xf32>,
    %swap3A_69 = vector.shape_cast %swap3A_68 : vector<16xf32> to vector<16xf32>
    %swap3A_70 = vector.shape_cast %broadcast_in_dim3A_3 : vector<16xf32> to vector<16xf32>
    tpu.vector_store %arg6[%swap3A_67], %swap3A_70 {strides = array<i32>} : memref<640xf32, #tpu.memory_space<vmem>>, vector<16xf32>,
    %swap3A_71 = arith.constant 176 : index
    %swap3A_72 = tpu.vector_load %arg6[%swap3A_71] {strides = array<i32>} : memref<640xf32, #tpu.memory_space<vmem>>, vector<16xf32>,
    %swap3A_73 = vector.shape_cast %swap3A_72 : vector<16xf32> to vector<16xf32>
    %swap3A_74 = vector.shape_cast %broadcast_in_dim3A_3 : vector<16xf32> to vector<16xf32>
    tpu.vector_store %arg6[%swap3A_71], %swap3A_74 {strides = array<i32>} : memref<640xf32, #tpu.memory_space<vmem>>, vector<16xf32>,
    %swap3A_75 = arith.constant 192 : index
    %swap3A_76 = tpu.vector_load %arg6[%swap3A_75] {strides = array<i32>} : memref<640xf32, #tpu.memory_space<vmem>>, vector<16xf32>,
    %swap3A_77 = vector.shape_cast %swap3A_76 : vector<16xf32> to vector<16xf32>
    %swap3A_78 = vector.shape_cast %broadcast_in_dim3A_3 : vector<16xf32> to vector<16xf32>
    tpu.vector_store %arg6[%swap3A_75], %swap3A_78 {strides = array<i32>} : memref<640xf32, #tpu.memory_space<vmem>>, vector<16xf32>,
    %swap3A_79 = arith.constant 208 : index
    %swap3A_80 = tpu.vector_load %arg6[%swap3A_79] {strides = array<i32>} : memref<640xf32, #tpu.memory_space<vmem>>, vector<16xf32>,
    %swap3A_81 = vector.shape_cast %swap3A_80 : vector<16xf32> to vector<16xf32>
    %swap3A_82 = vector.shape_cast %broadcast_in_dim3A_3 : vector<16xf32> to vector<16xf32>
    tpu.vector_store %arg6[%swap3A_79], %swap3A_82 {strides = array<i32>} : memref<640xf32, #tpu.memory_space<vmem>>, vector<16xf32>,
    %swap3A_83 = arith.constant 224 : index
    %swap3A_84 = tpu.vector_load %arg6[%swap3A_83] {strides = array<i32>} : memref<640xf32, #tpu.memory_space<vmem>>, vector<16xf32>,
    %swap3A_85 = vector.shape_cast %swap3A_84 : vector<16xf32> to vector<16xf32>
    %swap3A_86 = vector.shape_cast %broadcast_in_dim3A_3 : vector<16xf32> to vector<16xf32>
    tpu.vector_store %arg6[%swap3A_83], %swap3A_86 {strides = array<i32>} : memref<640xf32, #tpu.memory_space<vmem>>, vector<16xf32>,
    %swap3A_87 = arith.constant 240 : index
    %swap3A_88 = tpu.vector_load %arg6[%swap3A_87] {strides = array<i32>} : memref<640xf32, #tpu.memory_space<vmem>>, vector<16xf32>,
    %swap3A_89 = vector.shape_cast %swap3A_88 : vector<16xf32> to vector<16xf32>
    %swap3A_90 = vector.shape_cast %broadcast_in_dim3A_3 : vector<16xf32> to vector<16xf32>
    tpu.vector_store %arg6[%swap3A_87], %swap3A_90 {strides = array<i32>} : memref<640xf32, #tpu.memory_space<vmem>>, vector<16xf32>,
    %swap3A_91 = arith.constant 256 : index
    %swap3A_92 = tpu.vector_load %arg6[%swap3A_91] {strides = array<i32>} : memref<640xf32, #tpu.memory_space<vmem>>, vector<16xf32>,
    %swap3A_93 = vector.shape_cast %swap3A_92 : vector<16xf32> to vector<16xf32>
    %swap3A_94 = vector.shape_cast %broadcast_in_dim3A_3 : vector<16xf32> to vector<16xf32>
    tpu.vector_store %arg6[%swap3A_91], %swap3A_94 {strides = array<i32>} : memref<640xf32, #tpu.memory_space<vmem>>, vector<16xf32>,
    %swap3A_95 = arith.constant 272 : index
    %swap3A_96 = tpu.vector_load %arg6[%swap3A_95] {strides = array<i32>} : memref<640xf32, #tpu.memory_space<vmem>>, vector<16xf32>,
    %swap3A_97 = vector.shape_cast %swap3A_96 : vector<16xf32> to vector<16xf32>
    %swap3A_98 = vector.shape_cast %broadcast_in_dim3A_3 : vector<16xf32> to vector<16xf32>
    tpu.vector_store %arg6[%swap3A_95], %swap3A_98 {strides = array<i32>} : memref<640xf32, #tpu.memory_space<vmem>>, vector<16xf32>,
    %swap3A_99 = arith.constant 288 : index
    %swap3A_100 = tpu.vector_load %arg6[%swap3A_99] {strides = array<i32>} : memref<640xf32, #tpu.memory_space<vmem>>, vector<16xf32>,
    %swap3A_101 = vector.shape_cast %swap3A_100 : vector<16xf32> to vector<16xf32>
    %swap3A_102 = vector.shape_cast %broadcast_in_dim3A_3 : vector<16xf32> to vector<16xf32>
    tpu.vector_store %arg6[%swap3A_99], %swap3A_102 {strides = array<i32>} : memref<640xf32, #tpu.memory_space<vmem>>, vector<16xf32>,
    %swap3A_103 = arith.constant 304 : index
    %swap3A_104 = tpu.vector_load %arg6[%swap3A_103] {strides = array<i32>} : memref<640xf32, #tpu.memory_space<vmem>>, vector<16xf32>,
    %swap3A_105 = vector.shape_cast %swap3A_104 : vector<16xf32> to vector<16xf32>
    %swap3A_106 = vector.shape_cast %broadcast_in_dim3A_3 : vector<16xf32> to vector<16xf32>
    tpu.vector_store %arg6[%swap3A_103], %swap3A_106 {strides = array<i32>} : memref<640xf32, #tpu.memory_space<vmem>>, vector<16xf32>,
    %swap3A_107 = arith.constant 320 : index
    %swap3A_108 = tpu.vector_load %arg6[%swap3A_107] {strides = array<i32>} : memref<640xf32, #tpu.memory_space<vmem>>, vector<16xf32>,
    %swap3A_109 = vector.shape_cast %swap3A_108 : vector<16xf32> to vector<16xf32>
    %swap3A_110 = vector.shape_cast %broadcast_in_dim3A_3 : vector<16xf32> to vector<16xf32>
    tpu.vector_store %arg6[%swap3A_107], %swap3A_110 {strides = array<i32>} : memref<640xf32, #tpu.memory_space<vmem>>, vector<16xf32>,
    %swap3A_111 = arith.constant 336 : index
    %swap3A_112 = tpu.vector_load %arg6[%swap3A_111] {strides = array<i32>} : memref<640xf32, #tpu.memory_space<vmem>>, vector<16xf32>,
    %swap3A_113 = vector.shape_cast %swap3A_112 : vector<16xf32> to vector<16xf32>
    %swap3A_114 = vector.shape_cast %broadcast_in_dim3A_3 : vector<16xf32> to vector<16xf32>
    tpu.vector_store %arg6[%swap3A_111], %swap3A_114 {strides = array<i32>} : memref<640xf32, #tpu.memory_space<vmem>>, vector<16xf32>,
    %swap3A_115 = arith.constant 352 : index
    %swap3A_116 = tpu.vector_load %arg6[%swap3A_115] {strides = array<i32>} : memref<640xf32, #tpu.memory_space<vmem>>, vector<16xf32>,
    %swap3A_117 = vector.shape_cast %swap3A_116 : vector<16xf32> to vector<16xf32>
    %swap3A_118 = vector.shape_cast %broadcast_in_dim3A_3 : vector<16xf32> to vector<16xf32>
    tpu.vector_store %arg6[%swap3A_115], %swap3A_118 {strides = array<i32>} : memref<640xf32, #tpu.memory_space<vmem>>, vector<16xf32>,
    %swap3A_119 = arith.constant 368 : index
    %swap3A_120 = tpu.vector_load %arg6[%swap3A_119] {strides = array<i32>} : memref<640xf32, #tpu.memory_space<vmem>>, vector<16xf32>,
    %swap3A_121 = vector.shape_cast %swap3A_120 : vector<16xf32> to vector<16xf32>
    %swap3A_122 = vector.shape_cast %broadcast_in_dim3A_3 : vector<16xf32> to vector<16xf32>
    tpu.vector_store %arg6[%swap3A_119], %swap3A_122 {strides = array<i32>} : memref<640xf32, #tpu.memory_space<vmem>>, vector<16xf32>,
    %swap3A_123 = arith.constant 384 : index
    %swap3A_124 = tpu.vector_load %arg6[%swap3A_123] {strides = array<i32>} : memref<640xf32, #tpu.memory_space<vmem>>, vector<16xf32>,
    %swap3A_125 = vector.shape_cast %swap3A_124 : vector<16xf32> to vector<16xf32>
    %swap3A_126 = vector.shape_cast %broadcast_in_dim3A_3 : vector<16xf32> to vector<16xf32>
    tpu.vector_store %arg6[%swap3A_123], %swap3A_126 {strides = array<i32>} : memref<640xf32, #tpu.memory_space<vmem>>, vector<16xf32>,
    %swap3A_127 = arith.constant 400 : index
    %swap3A_128 = tpu.vector_load %arg6[%swap3A_127] {strides = array<i32>} : memref<640xf32, #tpu.memory_space<vmem>>, vector<16xf32>,
    %swap3A_129 = vector.shape_cast %swap3A_128 : vector<16xf32> to vector<16xf32>
    %swap3A_130 = vector.shape_cast %broadcast_in_dim3A_3 : vector<16xf32> to vector<16xf32>
    tpu.vector_store %arg6[%swap3A_127], %swap3A_130 {strides = array<i32>} : memref<640xf32, #tpu.memory_space<vmem>>, vector<16xf32>,
    %swap3A_131 = arith.constant 416 : index
    %swap3A_132 = tpu.vector_load %arg6[%swap3A_131] {strides = array<i32>} : memref<640xf32, #tpu.memory_space<vmem>>, vector<16xf32>,
    %swap3A_133 = vector.shape_cast %swap3A_132 : vector<16xf32> to vector<16xf32>
    %swap3A_134 = vector.shape_cast %broadcast_in_dim3A_3 : vector<16xf32> to vector<16xf32>
    tpu.vector_store %arg6[%swap3A_131], %swap3A_134 {strides = array<i32>} : memref<640xf32, #tpu.memory_space<vmem>>, vector<16xf32>,
    %swap3A_135 = arith.constant 432 : index
    %swap3A_136 = tpu.vector_load %arg6[%swap3A_135] {strides = array<i32>} : memref<640xf32, #tpu.memory_space<vmem>>, vector<16xf32>,
    %swap3A_137 = vector.shape_cast %swap3A_136 : vector<16xf32> to vector<16xf32>
    %swap3A_138 = vector.shape_cast %broadcast_in_dim3A_3 : vector<16xf32> to vector<16xf32>
    tpu.vector_store %arg6[%swap3A_135], %swap3A_138 {strides = array<i32>} : memref<640xf32, #tpu.memory_space<vmem>>, vector<16xf32>,
    %swap3A_139 = arith.constant 448 : index
    %swap3A_140 = tpu.vector_load %arg6[%swap3A_139] {strides = array<i32>} : memref<640xf32, #tpu.memory_space<vmem>>, vector<16xf32>,
    %swap3A_141 = vector.shape_cast %swap3A_140 : vector<16xf32> to vector<16xf32>
    %swap3A_142 = vector.shape_cast %broadcast_in_dim3A_3 : vector<16xf32> to vector<16xf32>
    tpu.vector_store %arg6[%swap3A_139], %swap3A_142 {strides = array<i32>} : memref<640xf32, #tpu.memory_space<vmem>>, vector<16xf32>,
    %swap3A_143 = arith.constant 464 : index
    %swap3A_144 = tpu.vector_load %arg6[%swap3A_143] {strides = array<i32>} : memref<640xf32, #tpu.memory_space<vmem>>, vector<16xf32>,
    %swap3A_145 = vector.shape_cast %swap3A_144 : vector<16xf32> to vector<16xf32>
    %swap3A_146 = vector.shape_cast %broadcast_in_dim3A_3 : vector<16xf32> to vector<16xf32>
    tpu.vector_store %arg6[%swap3A_143], %swap3A_146 {strides = array<i32>} : memref<640xf32, #tpu.memory_space<vmem>>, vector<16xf32>,
    %swap3A_147 = arith.constant 480 : index
    %swap3A_148 = tpu.vector_load %arg6[%swap3A_147] {strides = array<i32>} : memref<640xf32, #tpu.memory_space<vmem>>, vector<16xf32>,
    %swap3A_149 = vector.shape_cast %swap3A_148 : vector<16xf32> to vector<16xf32>
    %swap3A_150 = vector.shape_cast %broadcast_in_dim3A_3 : vector<16xf32> to vector<16xf32>
    tpu.vector_store %arg6[%swap3A_147], %swap3A_150 {strides = array<i32>} : memref<640xf32, #tpu.memory_space<vmem>>, vector<16xf32>,
    %swap3A_151 = arith.constant 496 : index
    %swap3A_152 = tpu.vector_load %arg6[%swap3A_151] {strides = array<i32>} : memref<640xf32, #tpu.memory_space<vmem>>, vector<16xf32>,
    %swap3A_153 = vector.shape_cast %swap3A_152 : vector<16xf32> to vector<16xf32>
    %swap3A_154 = vector.shape_cast %broadcast_in_dim3A_3 : vector<16xf32> to vector<16xf32>
    tpu.vector_store %arg6[%swap3A_151], %swap3A_154 {strides = array<i32>} : memref<640xf32, #tpu.memory_space<vmem>>, vector<16xf32>,
    %swap3A_155 = arith.constant 512 : index
    %swap3A_156 = tpu.vector_load %arg6[%swap3A_155] {strides = array<i32>} : memref<640xf32, #tpu.memory_space<vmem>>, vector<16xf32>,
    %swap3A_157 = vector.shape_cast %swap3A_156 : vector<16xf32> to vector<16xf32>
    %swap3A_158 = vector.shape_cast %broadcast_in_dim3A_3 : vector<16xf32> to vector<16xf32>
    tpu.vector_store %arg6[%swap3A_155], %swap3A_158 {strides = array<i32>} : memref<640xf32, #tpu.memory_space<vmem>>, vector<16xf32>,
    %swap3A_159 = arith.constant 528 : index
    %swap3A_160 = tpu.vector_load %arg6[%swap3A_159] {strides = array<i32>} : memref<640xf32, #tpu.memory_space<vmem>>, vector<16xf32>,
    %swap3A_161 = vector.shape_cast %swap3A_160 : vector<16xf32> to vector<16xf32>
    %swap3A_162 = vector.shape_cast %broadcast_in_dim3A_3 : vector<16xf32> to vector<16xf32>
    tpu.vector_store %arg6[%swap3A_159], %swap3A_162 {strides = array<i32>} : memref<640xf32, #tpu.memory_space<vmem>>, vector<16xf32>,
    %swap3A_163 = arith.constant 544 : index
    %swap3A_164 = tpu.vector_load %arg6[%swap3A_163] {strides = array<i32>} : memref<640xf32, #tpu.memory_space<vmem>>, vector<16xf32>,
    %swap3A_165 = vector.shape_cast %swap3A_164 : vector<16xf32> to vector<16xf32>
    %swap3A_166 = vector.shape_cast %broadcast_in_dim3A_3 : vector<16xf32> to vector<16xf32>
    tpu.vector_store %arg6[%swap3A_163], %swap3A_166 {strides = array<i32>} : memref<640xf32, #tpu.memory_space<vmem>>, vector<16xf32>,
    %swap3A_167 = arith.constant 560 : index
    %swap3A_168 = tpu.vector_load %arg6[%swap3A_167] {strides = array<i32>} : memref<640xf32, #tpu.memory_space<vmem>>, vector<16xf32>,
    %swap3A_169 = vector.shape_cast %swap3A_168 : vector<16xf32> to vector<16xf32>
    %swap3A_170 = vector.shape_cast %broadcast_in_dim3A_3 : vector<16xf32> to vector<16xf32>
    tpu.vector_store %arg6[%swap3A_167], %swap3A_170 {strides = array<i32>} : memref<640xf32, #tpu.memory_space<vmem>>, vector<16xf32>,
    %swap3A_171 = arith.constant 576 : index
    %swap3A_172 = tpu.vector_load %arg6[%swap3A_171] {strides = array<i32>} : memref<640xf32, #tpu.memory_space<vmem>>, vector<16xf32>,
    %swap3A_173 = vector.shape_cast %swap3A_172 : vector<16xf32> to vector<16xf32>
    %swap3A_174 = vector.shape_cast %broadcast_in_dim3A_3 : vector<16xf32> to vector<16xf32>
    tpu.vector_store %arg6[%swap3A_171], %swap3A_174 {strides = array<i32>} : memref<640xf32, #tpu.memory_space<vmem>>, vector<16xf32>,
    %swap3A_175 = arith.constant 592 : index
    %swap3A_176 = tpu.vector_load %arg6[%swap3A_175] {strides = array<i32>} : memref<640xf32, #tpu.memory_space<vmem>>, vector<16xf32>,
    %swap3A_177 = vector.shape_cast %swap3A_176 : vector<16xf32> to vector<16xf32>
    %swap3A_178 = vector.shape_cast %broadcast_in_dim3A_3 : vector<16xf32> to vector<16xf32>
    tpu.vector_store %arg6[%swap3A_175], %swap3A_178 {strides = array<i32>} : memref<640xf32, #tpu.memory_space<vmem>>, vector<16xf32>,
    %swap3A_179 = arith.constant 608 : index
    %swap3A_180 = tpu.vector_load %arg6[%swap3A_179] {strides = array<i32>} : memref<640xf32, #tpu.memory_space<vmem>>, vector<16xf32>,
    %swap3A_181 = vector.shape_cast %swap3A_180 : vector<16xf32> to vector<16xf32>
    %swap3A_182 = vector.shape_cast %broadcast_in_dim3A_3 : vector<16xf32> to vector<16xf32>
    tpu.vector_store %arg6[%swap3A_179], %swap3A_182 {strides = array<i32>} : memref<640xf32, #tpu.memory_space<vmem>>, vector<16xf32>,
    %swap3A_183 = arith.constant 624 : index
    %swap3A_184 = tpu.vector_load %arg6[%swap3A_183] {strides = array<i32>} : memref<640xf32, #tpu.memory_space<vmem>>, vector<16xf32>,
    %swap3A_185 = vector.shape_cast %swap3A_184 : vector<16xf32> to vector<16xf32>
    %swap3A_186 = vector.shape_cast %broadcast_in_dim3A_3 : vector<16xf32> to vector<16xf32>
    tpu.vector_store %arg6[%swap3A_183], %swap3A_186 {strides = array<i32>} : memref<640xf32, #tpu.memory_space<vmem>>, vector<16xf32>,
    %mul3A_187 = arith.constant 640 : i32
    %mul3A_188 = arith.muli %arg1, %mul3A_187 : i32
    "tpu.region"() ({
      %run_scoped3A = tpu.sem_alloc : memref<!tpu.dma_semaphore, #tpu.memory_space<semaphore_mem>>
      %dma_start3A = tpu.memref_slice %arg7[%mul3A_188] : memref<10240xf32, #tpu.memory_space<vmem_shared>> -> memref<640xf32, #tpu.memory_space<vmem_shared>>
      %dma_start3A_195 = tpu.memref_slice %arg7[%mul3A_188] : memref<10240xf32, #tpu.memory_space<vmem_shared>> -> memref<640xf32, #tpu.memory_space<vmem_shared>>
      tpu.enqueue_dma source(%arg6 : memref<640xf32, #tpu.memory_space<vmem>>) target(%dma_start3A_195 : memref<640xf32, #tpu.memory_space<vmem_shared>>) target_semaphore(%run_scoped3A : memref<!tpu.dma_semaphore, #tpu.memory_space<semaphore_mem>>)
      %dma_wait3A = tpu.memref_slice %arg7[%mul3A_188] : memref<10240xf32, #tpu.memory_space<vmem_shared>> -> memref<640xf32, #tpu.memory_space<vmem_shared>>
      %dma_wait3A_196 = tpu.memref_slice %arg7[%mul3A_188] : memref<10240xf32, #tpu.memory_space<vmem_shared>> -> memref<640xf32, #tpu.memory_space<vmem_shared>>
      tpu.wait_dma2 semaphore(%run_scoped3A : memref<!tpu.dma_semaphore, #tpu.memory_space<semaphore_mem>>) src(%arg6 : memref<640xf32, #tpu.memory_space<vmem>>) dst(%dma_wait3A_196 : memref<640xf32, #tpu.memory_space<vmem_shared>>)
      tpu.yield
    }) : () -> ()
    %barrier3A = arith.constant 0 : index
    tpu.barrier barrier_id(%barrier3A)
    %scan3A = arith.constant 0 : i32
    %scan3A_189 = arith.constant 0 : i32
    %scan3A_190 = arith.constant 18 : i32
    %scan3A_191 = arith.addi %scan3A_189, %scan3A_190 : i32
    %scan3A_192 = arith.constant 1 : i32
    scf.for %scan3A_195 = %scan3A_189 to %scan3A_191 step %scan3A_192  : i32 {
      %run_scoped3A = arith.constant 0 : i32
      "tpu.region"() ({
        %run_scoped3A_201 = tpu.sem_alloc : memref<!tpu.dma_semaphore, #tpu.memory_space<semaphore_mem>>
        %dma_start3A = arith.constant 0 : i32
        %dma_start3A_202 = tpu.memref_slice %arg4[%scan3A_195, %run_scoped3A, %dma_start3A] : memref<18x6x96xi32, #tpu.memory_space<vmem>> -> memref<1x1x96xi32, #tpu.memory_space<vmem>>
        %dma_start3A_203 = tpu.memref_squeeze %dma_start3A_202 : memref<1x1x96xi32, #tpu.memory_space<vmem>> -> memref<96xi32, #tpu.memory_space<vmem>>
        %dma_start3A_204 = arith.constant 0 : i32
        %dma_start3A_205 = tpu.memref_slice %arg7[%dma_start3A_204] : memref<10240xf32, #tpu.memory_space<vmem_shared>> -> memref<10240xf32, #tpu.memory_space<vmem_shared>>
        tpu.enqueue_indirect_dma source(%arg5 : memref<96xf32, #tpu.memory_space<vmem>>) target(%dma_start3A_205 : memref<10240xf32, #tpu.memory_space<vmem_shared>>) offsets(%dma_start3A_203 : memref<96xi32, #tpu.memory_space<vmem>>) semaphore(%run_scoped3A_201 : memref<!tpu.dma_semaphore, #tpu.memory_space<semaphore_mem>>) {add = true}
        %dma_wait3A = arith.constant 0 : i32
        %dma_wait3A_206 = tpu.memref_slice %arg4[%scan3A_195, %run_scoped3A, %dma_wait3A] : memref<18x6x96xi32, #tpu.memory_space<vmem>> -> memref<1x1x96xi32, #tpu.memory_space<vmem>>
        %dma_wait3A_207 = tpu.memref_squeeze %dma_wait3A_206 : memref<1x1x96xi32, #tpu.memory_space<vmem>> -> memref<96xi32, #tpu.memory_space<vmem>>
        %dma_wait3A_208 = arith.constant 0 : i32
        %dma_wait3A_209 = tpu.memref_slice %arg7[%dma_wait3A_208] : memref<10240xf32, #tpu.memory_space<vmem_shared>> -> memref<10240xf32, #tpu.memory_space<vmem_shared>>
        tpu.wait_indirect_dma semaphore(%run_scoped3A_201 : memref<!tpu.dma_semaphore, #tpu.memory_space<semaphore_mem>>) src(%arg5 : memref<96xf32, #tpu.memory_space<vmem>>) dst(%dma_wait3A_209 : memref<10240xf32, #tpu.memory_space<vmem_shared>>)
        tpu.yield
      }) : () -> ()
      %run_scoped3A_196 = arith.constant 1 : i32
      "tpu.region"() ({
        %run_scoped3A_201 = tpu.sem_alloc : memref<!tpu.dma_semaphore, #tpu.memory_space<semaphore_mem>>
        %dma_start3A = arith.constant 0 : i32
        %dma_start3A_202 = tpu.memref_slice %arg4[%scan3A_195, %run_scoped3A_196, %dma_start3A] : memref<18x6x96xi32, #tpu.memory_space<vmem>> -> memref<1x1x96xi32, #tpu.memory_space<vmem>>
        %dma_start3A_203 = tpu.memref_squeeze %dma_start3A_202 : memref<1x1x96xi32, #tpu.memory_space<vmem>> -> memref<96xi32, #tpu.memory_space<vmem>>
        %dma_start3A_204 = arith.constant 0 : i32
        %dma_start3A_205 = tpu.memref_slice %arg7[%dma_start3A_204] : memref<10240xf32, #tpu.memory_space<vmem_shared>> -> memref<10240xf32, #tpu.memory_space<vmem_shared>>
        tpu.enqueue_indirect_dma source(%arg5 : memref<96xf32, #tpu.memory_space<vmem>>) target(%dma_start3A_205 : memref<10240xf32, #tpu.memory_space<vmem_shared>>) offsets(%dma_start3A_203 : memref<96xi32, #tpu.memory_space<vmem>>) semaphore(%run_scoped3A_201 : memref<!tpu.dma_semaphore, #tpu.memory_space<semaphore_mem>>) {add = true}
        %dma_wait3A = arith.constant 0 : i32
        %dma_wait3A_206 = tpu.memref_slice %arg4[%scan3A_195, %run_scoped3A_196, %dma_wait3A] : memref<18x6x96xi32, #tpu.memory_space<vmem>> -> memref<1x1x96xi32, #tpu.memory_space<vmem>>
        %dma_wait3A_207 = tpu.memref_squeeze %dma_wait3A_206 : memref<1x1x96xi32, #tpu.memory_space<vmem>> -> memref<96xi32, #tpu.memory_space<vmem>>
        %dma_wait3A_208 = arith.constant 0 : i32
        %dma_wait3A_209 = tpu.memref_slice %arg7[%dma_wait3A_208] : memref<10240xf32, #tpu.memory_space<vmem_shared>> -> memref<10240xf32, #tpu.memory_space<vmem_shared>>
        tpu.wait_indirect_dma semaphore(%run_scoped3A_201 : memref<!tpu.dma_semaphore, #tpu.memory_space<semaphore_mem>>) src(%arg5 : memref<96xf32, #tpu.memory_space<vmem>>) dst(%dma_wait3A_209 : memref<10240xf32, #tpu.memory_space<vmem_shared>>)
        tpu.yield
      }) : () -> ()
      %run_scoped3A_197 = arith.constant 2 : i32
      "tpu.region"() ({
        %run_scoped3A_201 = tpu.sem_alloc : memref<!tpu.dma_semaphore, #tpu.memory_space<semaphore_mem>>
        %dma_start3A = arith.constant 0 : i32
        %dma_start3A_202 = tpu.memref_slice %arg4[%scan3A_195, %run_scoped3A_197, %dma_start3A] : memref<18x6x96xi32, #tpu.memory_space<vmem>> -> memref<1x1x96xi32, #tpu.memory_space<vmem>>
        %dma_start3A_203 = tpu.memref_squeeze %dma_start3A_202 : memref<1x1x96xi32, #tpu.memory_space<vmem>> -> memref<96xi32, #tpu.memory_space<vmem>>
        %dma_start3A_204 = arith.constant 0 : i32
        %dma_start3A_205 = tpu.memref_slice %arg7[%dma_start3A_204] : memref<10240xf32, #tpu.memory_space<vmem_shared>> -> memref<10240xf32, #tpu.memory_space<vmem_shared>>
        tpu.enqueue_indirect_dma source(%arg5 : memref<96xf32, #tpu.memory_space<vmem>>) target(%dma_start3A_205 : memref<10240xf32, #tpu.memory_space<vmem_shared>>) offsets(%dma_start3A_203 : memref<96xi32, #tpu.memory_space<vmem>>) semaphore(%run_scoped3A_201 : memref<!tpu.dma_semaphore, #tpu.memory_space<semaphore_mem>>) {add = true}
        %dma_wait3A = arith.constant 0 : i32
        %dma_wait3A_206 = tpu.memref_slice %arg4[%scan3A_195, %run_scoped3A_197, %dma_wait3A] : memref<18x6x96xi32, #tpu.memory_space<vmem>> -> memref<1x1x96xi32, #tpu.memory_space<vmem>>
        %dma_wait3A_207 = tpu.memref_squeeze %dma_wait3A_206 : memref<1x1x96xi32, #tpu.memory_space<vmem>> -> memref<96xi32, #tpu.memory_space<vmem>>
        %dma_wait3A_208 = arith.constant 0 : i32
        %dma_wait3A_209 = tpu.memref_slice %arg7[%dma_wait3A_208] : memref<10240xf32, #tpu.memory_space<vmem_shared>> -> memref<10240xf32, #tpu.memory_space<vmem_shared>>
        tpu.wait_indirect_dma semaphore(%run_scoped3A_201 : memref<!tpu.dma_semaphore, #tpu.memory_space<semaphore_mem>>) src(%arg5 : memref<96xf32, #tpu.memory_space<vmem>>) dst(%dma_wait3A_209 : memref<10240xf32, #tpu.memory_space<vmem_shared>>)
        tpu.yield
      }) : () -> ()
      %run_scoped3A_198 = arith.constant 3 : i32
      "tpu.region"() ({
        %run_scoped3A_201 = tpu.sem_alloc : memref<!tpu.dma_semaphore, #tpu.memory_space<semaphore_mem>>
        %dma_start3A = arith.constant 0 : i32
        %dma_start3A_202 = tpu.memref_slice %arg4[%scan3A_195, %run_scoped3A_198, %dma_start3A] : memref<18x6x96xi32, #tpu.memory_space<vmem>> -> memref<1x1x96xi32, #tpu.memory_space<vmem>>
        %dma_start3A_203 = tpu.memref_squeeze %dma_start3A_202 : memref<1x1x96xi32, #tpu.memory_space<vmem>> -> memref<96xi32, #tpu.memory_space<vmem>>
        %dma_start3A_204 = arith.constant 0 : i32
        %dma_start3A_205 = tpu.memref_slice %arg7[%dma_start3A_204] : memref<10240xf32, #tpu.memory_space<vmem_shared>> -> memref<10240xf32, #tpu.memory_space<vmem_shared>>
        tpu.enqueue_indirect_dma source(%arg5 : memref<96xf32, #tpu.memory_space<vmem>>) target(%dma_start3A_205 : memref<10240xf32, #tpu.memory_space<vmem_shared>>) offsets(%dma_start3A_203 : memref<96xi32, #tpu.memory_space<vmem>>) semaphore(%run_scoped3A_201 : memref<!tpu.dma_semaphore, #tpu.memory_space<semaphore_mem>>) {add = true}
        %dma_wait3A = arith.constant 0 : i32
        %dma_wait3A_206 = tpu.memref_slice %arg4[%scan3A_195, %run_scoped3A_198, %dma_wait3A] : memref<18x6x96xi32, #tpu.memory_space<vmem>> -> memref<1x1x96xi32, #tpu.memory_space<vmem>>
        %dma_wait3A_207 = tpu.memref_squeeze %dma_wait3A_206 : memref<1x1x96xi32, #tpu.memory_space<vmem>> -> memref<96xi32, #tpu.memory_space<vmem>>
        %dma_wait3A_208 = arith.constant 0 : i32
        %dma_wait3A_209 = tpu.memref_slice %arg7[%dma_wait3A_208] : memref<10240xf32, #tpu.memory_space<vmem_shared>> -> memref<10240xf32, #tpu.memory_space<vmem_shared>>
        tpu.wait_indirect_dma semaphore(%run_scoped3A_201 : memref<!tpu.dma_semaphore, #tpu.memory_space<semaphore_mem>>) src(%arg5 : memref<96xf32, #tpu.memory_space<vmem>>) dst(%dma_wait3A_209 : memref<10240xf32, #tpu.memory_space<vmem_shared>>)
        tpu.yield
      }) : () -> ()
      %run_scoped3A_199 = arith.constant 4 : i32
      "tpu.region"() ({
        %run_scoped3A_201 = tpu.sem_alloc : memref<!tpu.dma_semaphore, #tpu.memory_space<semaphore_mem>>
        %dma_start3A = arith.constant 0 : i32
        %dma_start3A_202 = tpu.memref_slice %arg4[%scan3A_195, %run_scoped3A_199, %dma_start3A] : memref<18x6x96xi32, #tpu.memory_space<vmem>> -> memref<1x1x96xi32, #tpu.memory_space<vmem>>
        %dma_start3A_203 = tpu.memref_squeeze %dma_start3A_202 : memref<1x1x96xi32, #tpu.memory_space<vmem>> -> memref<96xi32, #tpu.memory_space<vmem>>
        %dma_start3A_204 = arith.constant 0 : i32
        %dma_start3A_205 = tpu.memref_slice %arg7[%dma_start3A_204] : memref<10240xf32, #tpu.memory_space<vmem_shared>> -> memref<10240xf32, #tpu.memory_space<vmem_shared>>
        tpu.enqueue_indirect_dma source(%arg5 : memref<96xf32, #tpu.memory_space<vmem>>) target(%dma_start3A_205 : memref<10240xf32, #tpu.memory_space<vmem_shared>>) offsets(%dma_start3A_203 : memref<96xi32, #tpu.memory_space<vmem>>) semaphore(%run_scoped3A_201 : memref<!tpu.dma_semaphore, #tpu.memory_space<semaphore_mem>>) {add = true}
        %dma_wait3A = arith.constant 0 : i32
        %dma_wait3A_206 = tpu.memref_slice %arg4[%scan3A_195, %run_scoped3A_199, %dma_wait3A] : memref<18x6x96xi32, #tpu.memory_space<vmem>> -> memref<1x1x96xi32, #tpu.memory_space<vmem>>
        %dma_wait3A_207 = tpu.memref_squeeze %dma_wait3A_206 : memref<1x1x96xi32, #tpu.memory_space<vmem>> -> memref<96xi32, #tpu.memory_space<vmem>>
        %dma_wait3A_208 = arith.constant 0 : i32
        %dma_wait3A_209 = tpu.memref_slice %arg7[%dma_wait3A_208] : memref<10240xf32, #tpu.memory_space<vmem_shared>> -> memref<10240xf32, #tpu.memory_space<vmem_shared>>
        tpu.wait_indirect_dma semaphore(%run_scoped3A_201 : memref<!tpu.dma_semaphore, #tpu.memory_space<semaphore_mem>>) src(%arg5 : memref<96xf32, #tpu.memory_space<vmem>>) dst(%dma_wait3A_209 : memref<10240xf32, #tpu.memory_space<vmem_shared>>)
        tpu.yield
      }) : () -> ()
      %run_scoped3A_200 = arith.constant 5 : i32
      "tpu.region"() ({
        %run_scoped3A_201 = tpu.sem_alloc : memref<!tpu.dma_semaphore, #tpu.memory_space<semaphore_mem>>
        %dma_start3A = arith.constant 0 : i32
        %dma_start3A_202 = tpu.memref_slice %arg4[%scan3A_195, %run_scoped3A_200, %dma_start3A] : memref<18x6x96xi32, #tpu.memory_space<vmem>> -> memref<1x1x96xi32, #tpu.memory_space<vmem>>
        %dma_start3A_203 = tpu.memref_squeeze %dma_start3A_202 : memref<1x1x96xi32, #tpu.memory_space<vmem>> -> memref<96xi32, #tpu.memory_space<vmem>>
        %dma_start3A_204 = arith.constant 0 : i32
        %dma_start3A_205 = tpu.memref_slice %arg7[%dma_start3A_204] : memref<10240xf32, #tpu.memory_space<vmem_shared>> -> memref<10240xf32, #tpu.memory_space<vmem_shared>>
        tpu.enqueue_indirect_dma source(%arg5 : memref<96xf32, #tpu.memory_space<vmem>>) target(%dma_start3A_205 : memref<10240xf32, #tpu.memory_space<vmem_shared>>) offsets(%dma_start3A_203 : memref<96xi32, #tpu.memory_space<vmem>>) semaphore(%run_scoped3A_201 : memref<!tpu.dma_semaphore, #tpu.memory_space<semaphore_mem>>) {add = true}
        %dma_wait3A = arith.constant 0 : i32
        %dma_wait3A_206 = tpu.memref_slice %arg4[%scan3A_195, %run_scoped3A_200, %dma_wait3A] : memref<18x6x96xi32, #tpu.memory_space<vmem>> -> memref<1x1x96xi32, #tpu.memory_space<vmem>>
        %dma_wait3A_207 = tpu.memref_squeeze %dma_wait3A_206 : memref<1x1x96xi32, #tpu.memory_space<vmem>> -> memref<96xi32, #tpu.memory_space<vmem>>
        %dma_wait3A_208 = arith.constant 0 : i32
        %dma_wait3A_209 = tpu.memref_slice %arg7[%dma_wait3A_208] : memref<10240xf32, #tpu.memory_space<vmem_shared>> -> memref<10240xf32, #tpu.memory_space<vmem_shared>>
        tpu.wait_indirect_dma semaphore(%run_scoped3A_201 : memref<!tpu.dma_semaphore, #tpu.memory_space<semaphore_mem>>) src(%arg5 : memref<96xf32, #tpu.memory_space<vmem>>) dst(%dma_wait3A_209 : memref<10240xf32, #tpu.memory_space<vmem_shared>>)
        tpu.yield
      }) : () -> ()
    }
    %scan3A_193 = arith.constant 18 : i32
    %barrier3A_194 = arith.constant 0 : index
    tpu.barrier barrier_id(%barrier3A_194)
    "tpu.region"() ({
      %run_scoped3A = tpu.sem_alloc : memref<!tpu.dma_semaphore, #tpu.memory_space<semaphore_mem>>
      %dma_start3A = tpu.memref_slice %arg3[%arg0, %mul3A_188] : memref<2x10240xf32, #tpu.memory_space<hbm>> -> memref<1x640xf32, #tpu.memory_space<hbm>>
      %dma_start3A_195 = tpu.memref_squeeze %dma_start3A : memref<1x640xf32, #tpu.memory_space<hbm>> -> memref<640xf32, #tpu.memory_space<hbm>>
      %dma_start3A_196 = tpu.memref_slice %arg7[%mul3A_188] : memref<10240xf32, #tpu.memory_space<vmem_shared>> -> memref<640xf32, #tpu.memory_space<vmem_shared>>
      tpu.enqueue_dma source(%dma_start3A_196 : memref<640xf32, #tpu.memory_space<vmem_shared>>) target(%dma_start3A_195 : memref<640xf32, #tpu.memory_space<hbm>>) target_semaphore(%run_scoped3A : memref<!tpu.dma_semaphore, #tpu.memory_space<semaphore_mem>>)
      %dma_wait3A = tpu.memref_slice %arg3[%arg0, %mul3A_188] : memref<2x10240xf32, #tpu.memory_space<hbm>> -> memref<1x640xf32, #tpu.memory_space<hbm>>
      %dma_wait3A_197 = tpu.memref_squeeze %dma_wait3A : memref<1x640xf32, #tpu.memory_space<hbm>> -> memref<640xf32, #tpu.memory_space<hbm>>
      %dma_wait3A_198 = tpu.memref_slice %arg7[%mul3A_188] : memref<10240xf32, #tpu.memory_space<vmem_shared>> -> memref<640xf32, #tpu.memory_space<vmem_shared>>
      tpu.wait_dma2 semaphore(%run_scoped3A : memref<!tpu.dma_semaphore, #tpu.memory_space<semaphore_mem>>) src(%dma_wait3A_198 : memref<640xf32, #tpu.memory_space<vmem_shared>>) dst(%dma_wait3A_197 : memref<640xf32, #tpu.memory_space<hbm>>)
      tpu.yield
    }) : () -> ()
    return
  }
}

#map = affine_map<(d0, d1) -> (0, 0)>
#map1 = affine_map<(d0, d1) -> (0, 0, 0, 0)>
#map2 = affine_map<(d0, d1) -> (0, 0, 0)>
module attributes {stable_mosaic.version = 14 : i64} {
  func.func @spmm(%arg0: i32, %arg1: i32, %arg2: memref<10000x128xf32, #tpu.memory_space<hbm>>, %arg3: memref<32x18x6x96xi32, #tpu.memory_space<hbm>>, %arg4: memref<32x18x6x96xi32, #tpu.memory_space<hbm>>, %arg5: memref<2x10240x128xf32, #tpu.memory_space<hbm>>, %arg6: memref<6x96xi32, #tpu.memory_space<vmem>>, %arg7: memref<6x96xi32, #tpu.memory_space<vmem>>, %arg8: memref<6x96xi32, #tpu.memory_space<vmem>>, %arg9: memref<6x96xi32, #tpu.memory_space<vmem>>, %arg10: memref<96x128xf32, #tpu.memory_space<vmem>>, %arg11: memref<96x128xf32, #tpu.memory_space<vmem>>, %arg12: memref<96x128xf32, #tpu.memory_space<vmem>>, %arg13: memref<10240x128xf32, #tpu.memory_space<vmem_shared>>, %arg14: memref<!tpu.dma_semaphore, #tpu.memory_space<semaphore_mem>>, %arg15: memref<!tpu.dma_semaphore, #tpu.memory_space<semaphore_mem>>, %arg16: memref<!tpu.dma_semaphore, #tpu.memory_space<semaphore_mem>>, %arg17: memref<!tpu.dma_semaphore, #tpu.memory_space<semaphore_mem>>) attributes {dimension_semantics = [#tpu.dimension_semantics<core_parallel>, #tpu.dimension_semantics<subcore_parallel>], iteration_bounds = array<i64: 2, 16>, scalar_prefetch = 0 : i64, scratch_operands = 12 : i64, tpu.core_type = #tpu.core_type<sc_vector_subcore>, window_params = [{transform_indices = #map}, {transform_indices = #map1}, {transform_indices = #map1}, {transform_indices = #map2}]} {
    %mul3A = arith.constant 2 : i32
    %mul3A_0 = arith.muli %arg1, %mul3A : i32
    %add3A = arith.addi %mul3A_0, %arg0 : i32
    %broadcast_in_dim3A = arith.constant 0.000000e+00 : f32
    %broadcast_in_dim3A_1 = vector.broadcast %broadcast_in_dim3A : f32 to vector<16xf32>
    %scan3A = arith.constant 0 : i32
    %scan3A_2 = arith.constant 0 : i32
    %scan3A_3 = arith.constant 64 : i32
    %scan3A_4 = arith.addi %scan3A_2, %scan3A_3 : i32
    %scan3A_5 = arith.constant 1 : i32
    scf.for %scan3A_57 = %scan3A_2 to %scan3A_4 step %scan3A_5  : i32 {
      %swap3A = arith.index_cast %scan3A_57 : i32 to index
      %swap3A_58 = arith.constant 0 : index
      %swap3A_59 = tpu.vector_load %arg10[%swap3A, %swap3A_58] {strides = array<i32>} : memref<96x128xf32, #tpu.memory_space<vmem>>, vector<1x16xf32>,
      %swap3A_60 = vector.shape_cast %swap3A_59 : vector<1x16xf32> to vector<16xf32>
      %swap3A_61 = vector.shape_cast %broadcast_in_dim3A_1 : vector<16xf32> to vector<1x16xf32>
      tpu.vector_store %arg10[%swap3A, %swap3A_58], %swap3A_61 {strides = array<i32>} : memref<96x128xf32, #tpu.memory_space<vmem>>, vector<1x16xf32>,
      %swap3A_62 = arith.index_cast %scan3A_57 : i32 to index
      %swap3A_63 = arith.constant 16 : index
      %swap3A_64 = tpu.vector_load %arg10[%swap3A_62, %swap3A_63] {strides = array<i32>} : memref<96x128xf32, #tpu.memory_space<vmem>>, vector<1x16xf32>,
      %swap3A_65 = vector.shape_cast %swap3A_64 : vector<1x16xf32> to vector<16xf32>
      %swap3A_66 = vector.shape_cast %broadcast_in_dim3A_1 : vector<16xf32> to vector<1x16xf32>
      tpu.vector_store %arg10[%swap3A_62, %swap3A_63], %swap3A_66 {strides = array<i32>} : memref<96x128xf32, #tpu.memory_space<vmem>>, vector<1x16xf32>,
      %swap3A_67 = arith.index_cast %scan3A_57 : i32 to index
      %swap3A_68 = arith.constant 32 : index
      %swap3A_69 = tpu.vector_load %arg10[%swap3A_67, %swap3A_68] {strides = array<i32>} : memref<96x128xf32, #tpu.memory_space<vmem>>, vector<1x16xf32>,
      %swap3A_70 = vector.shape_cast %swap3A_69 : vector<1x16xf32> to vector<16xf32>
      %swap3A_71 = vector.shape_cast %broadcast_in_dim3A_1 : vector<16xf32> to vector<1x16xf32>
      tpu.vector_store %arg10[%swap3A_67, %swap3A_68], %swap3A_71 {strides = array<i32>} : memref<96x128xf32, #tpu.memory_space<vmem>>, vector<1x16xf32>,
      %swap3A_72 = arith.index_cast %scan3A_57 : i32 to index
      %swap3A_73 = arith.constant 48 : index
      %swap3A_74 = tpu.vector_load %arg10[%swap3A_72, %swap3A_73] {strides = array<i32>} : memref<96x128xf32, #tpu.memory_space<vmem>>, vector<1x16xf32>,
      %swap3A_75 = vector.shape_cast %swap3A_74 : vector<1x16xf32> to vector<16xf32>
      %swap3A_76 = vector.shape_cast %broadcast_in_dim3A_1 : vector<16xf32> to vector<1x16xf32>
      tpu.vector_store %arg10[%swap3A_72, %swap3A_73], %swap3A_76 {strides = array<i32>} : memref<96x128xf32, #tpu.memory_space<vmem>>, vector<1x16xf32>,
      %swap3A_77 = arith.index_cast %scan3A_57 : i32 to index
      %swap3A_78 = arith.constant 64 : index
      %swap3A_79 = tpu.vector_load %arg10[%swap3A_77, %swap3A_78] {strides = array<i32>} : memref<96x128xf32, #tpu.memory_space<vmem>>, vector<1x16xf32>,
      %swap3A_80 = vector.shape_cast %swap3A_79 : vector<1x16xf32> to vector<16xf32>
      %swap3A_81 = vector.shape_cast %broadcast_in_dim3A_1 : vector<16xf32> to vector<1x16xf32>
      tpu.vector_store %arg10[%swap3A_77, %swap3A_78], %swap3A_81 {strides = array<i32>} : memref<96x128xf32, #tpu.memory_space<vmem>>, vector<1x16xf32>,
      %swap3A_82 = arith.index_cast %scan3A_57 : i32 to index
      %swap3A_83 = arith.constant 80 : index
      %swap3A_84 = tpu.vector_load %arg10[%swap3A_82, %swap3A_83] {strides = array<i32>} : memref<96x128xf32, #tpu.memory_space<vmem>>, vector<1x16xf32>,
      %swap3A_85 = vector.shape_cast %swap3A_84 : vector<1x16xf32> to vector<16xf32>
      %swap3A_86 = vector.shape_cast %broadcast_in_dim3A_1 : vector<16xf32> to vector<1x16xf32>
      tpu.vector_store %arg10[%swap3A_82, %swap3A_83], %swap3A_86 {strides = array<i32>} : memref<96x128xf32, #tpu.memory_space<vmem>>, vector<1x16xf32>,
      %swap3A_87 = arith.index_cast %scan3A_57 : i32 to index
      %swap3A_88 = arith.constant 96 : index
      %swap3A_89 = tpu.vector_load %arg10[%swap3A_87, %swap3A_88] {strides = array<i32>} : memref<96x128xf32, #tpu.memory_space<vmem>>, vector<1x16xf32>,
      %swap3A_90 = vector.shape_cast %swap3A_89 : vector<1x16xf32> to vector<16xf32>
      %swap3A_91 = vector.shape_cast %broadcast_in_dim3A_1 : vector<16xf32> to vector<1x16xf32>
      tpu.vector_store %arg10[%swap3A_87, %swap3A_88], %swap3A_91 {strides = array<i32>} : memref<96x128xf32, #tpu.memory_space<vmem>>, vector<1x16xf32>,
      %swap3A_92 = arith.index_cast %scan3A_57 : i32 to index
      %swap3A_93 = arith.constant 112 : index
      %swap3A_94 = tpu.vector_load %arg10[%swap3A_92, %swap3A_93] {strides = array<i32>} : memref<96x128xf32, #tpu.memory_space<vmem>>, vector<1x16xf32>,
      %swap3A_95 = vector.shape_cast %swap3A_94 : vector<1x16xf32> to vector<16xf32>
      %swap3A_96 = vector.shape_cast %broadcast_in_dim3A_1 : vector<16xf32> to vector<1x16xf32>
      tpu.vector_store %arg10[%swap3A_92, %swap3A_93], %swap3A_96 {strides = array<i32>} : memref<96x128xf32, #tpu.memory_space<vmem>>, vector<1x16xf32>,
    }
    %scan3A_6 = arith.constant 64 : i32
    %mul3A_7 = arith.constant 640 : i32
    %mul3A_8 = arith.muli %arg1, %mul3A_7 : i32
    %add3A_9 = arith.constant 0 : i32
    %add3A_10 = arith.addi %mul3A_8, %add3A_9 : i32
    "tpu.region"() ({
      %run_scoped3A_57 = tpu.sem_alloc : memref<!tpu.dma_semaphore, #tpu.memory_space<semaphore_mem>>
      %dma_start3A_58 = arith.constant 0 : i32
      %dma_start3A_59 = arith.constant 0 : i32
      %dma_start3A_60 = tpu.memref_slice %arg10[%dma_start3A_58, %dma_start3A_59] : memref<96x128xf32, #tpu.memory_space<vmem>> -> memref<64x128xf32, #tpu.memory_space<vmem>>
      %dma_start3A_61 = arith.constant 0 : i32
      %dma_start3A_62 = tpu.memref_slice %arg13[%add3A_10, %dma_start3A_61] : memref<10240x128xf32, #tpu.memory_space<vmem_shared>> -> memref<64x128xf32, #tpu.memory_space<vmem_shared>>
      %dma_start3A_63 = arith.constant 0 : i32
      %dma_start3A_64 = tpu.memref_slice %arg13[%add3A_10, %dma_start3A_63] : memref<10240x128xf32, #tpu.memory_space<vmem_shared>> -> memref<64x128xf32, #tpu.memory_space<vmem_shared>>
      %dma_start3A_65 = arith.constant 0 : i32
      %dma_start3A_66 = arith.constant 0 : i32
      %dma_start3A_67 = tpu.memref_slice %arg10[%dma_start3A_65, %dma_start3A_66] : memref<96x128xf32, #tpu.memory_space<vmem>> -> memref<64x128xf32, #tpu.memory_space<vmem>>
      tpu.enqueue_dma source(%dma_start3A_67 : memref<64x128xf32, #tpu.memory_space<vmem>>) target(%dma_start3A_64 : memref<64x128xf32, #tpu.memory_space<vmem_shared>>) target_semaphore(%run_scoped3A_57 : memref<!tpu.dma_semaphore, #tpu.memory_space<semaphore_mem>>)
      %dma_wait3A = arith.constant 0 : i32
      %dma_wait3A_68 = arith.constant 0 : i32
      %dma_wait3A_69 = tpu.memref_slice %arg10[%dma_wait3A, %dma_wait3A_68] : memref<96x128xf32, #tpu.memory_space<vmem>> -> memref<64x128xf32, #tpu.memory_space<vmem>>
      %dma_wait3A_70 = arith.constant 0 : i32
      %dma_wait3A_71 = tpu.memref_slice %arg13[%add3A_10, %dma_wait3A_70] : memref<10240x128xf32, #tpu.memory_space<vmem_shared>> -> memref<64x128xf32, #tpu.memory_space<vmem_shared>>
      %dma_wait3A_72 = arith.constant 0 : i32
      %dma_wait3A_73 = tpu.memref_slice %arg13[%add3A_10, %dma_wait3A_72] : memref<10240x128xf32, #tpu.memory_space<vmem_shared>> -> memref<64x128xf32, #tpu.memory_space<vmem_shared>>
      %dma_wait3A_74 = arith.constant 0 : i32
      %dma_wait3A_75 = arith.constant 0 : i32
      %dma_wait3A_76 = tpu.memref_slice %arg10[%dma_wait3A_74, %dma_wait3A_75] : memref<96x128xf32, #tpu.memory_space<vmem>> -> memref<64x128xf32, #tpu.memory_space<vmem>>
      tpu.wait_dma2 semaphore(%run_scoped3A_57 : memref<!tpu.dma_semaphore, #tpu.memory_space<semaphore_mem>>) src(%dma_wait3A_76 : memref<64x128xf32, #tpu.memory_space<vmem>>) dst(%dma_wait3A_73 : memref<64x128xf32, #tpu.memory_space<vmem_shared>>)
      tpu.yield
    }) : () -> ()
    %add3A_11 = arith.constant 64 : i32
    %add3A_12 = arith.addi %mul3A_8, %add3A_11 : i32
    "tpu.region"() ({
      %run_scoped3A_57 = tpu.sem_alloc : memref<!tpu.dma_semaphore, #tpu.memory_space<semaphore_mem>>
      %dma_start3A_58 = arith.constant 0 : i32
      %dma_start3A_59 = arith.constant 0 : i32
      %dma_start3A_60 = tpu.memref_slice %arg10[%dma_start3A_58, %dma_start3A_59] : memref<96x128xf32, #tpu.memory_space<vmem>> -> memref<64x128xf32, #tpu.memory_space<vmem>>
      %dma_start3A_61 = arith.constant 0 : i32
      %dma_start3A_62 = tpu.memref_slice %arg13[%add3A_12, %dma_start3A_61] : memref<10240x128xf32, #tpu.memory_space<vmem_shared>> -> memref<64x128xf32, #tpu.memory_space<vmem_shared>>
      %dma_start3A_63 = arith.constant 0 : i32
      %dma_start3A_64 = tpu.memref_slice %arg13[%add3A_12, %dma_start3A_63] : memref<10240x128xf32, #tpu.memory_space<vmem_shared>> -> memref<64x128xf32, #tpu.memory_space<vmem_shared>>
      %dma_start3A_65 = arith.constant 0 : i32
      %dma_start3A_66 = arith.constant 0 : i32
      %dma_start3A_67 = tpu.memref_slice %arg10[%dma_start3A_65, %dma_start3A_66] : memref<96x128xf32, #tpu.memory_space<vmem>> -> memref<64x128xf32, #tpu.memory_space<vmem>>
      tpu.enqueue_dma source(%dma_start3A_67 : memref<64x128xf32, #tpu.memory_space<vmem>>) target(%dma_start3A_64 : memref<64x128xf32, #tpu.memory_space<vmem_shared>>) target_semaphore(%run_scoped3A_57 : memref<!tpu.dma_semaphore, #tpu.memory_space<semaphore_mem>>)
      %dma_wait3A = arith.constant 0 : i32
      %dma_wait3A_68 = arith.constant 0 : i32
      %dma_wait3A_69 = tpu.memref_slice %arg10[%dma_wait3A, %dma_wait3A_68] : memref<96x128xf32, #tpu.memory_space<vmem>> -> memref<64x128xf32, #tpu.memory_space<vmem>>
      %dma_wait3A_70 = arith.constant 0 : i32
      %dma_wait3A_71 = tpu.memref_slice %arg13[%add3A_12, %dma_wait3A_70] : memref<10240x128xf32, #tpu.memory_space<vmem_shared>> -> memref<64x128xf32, #tpu.memory_space<vmem_shared>>
      %dma_wait3A_72 = arith.constant 0 : i32
      %dma_wait3A_73 = tpu.memref_slice %arg13[%add3A_12, %dma_wait3A_72] : memref<10240x128xf32, #tpu.memory_space<vmem_shared>> -> memref<64x128xf32, #tpu.memory_space<vmem_shared>>
      %dma_wait3A_74 = arith.constant 0 : i32
      %dma_wait3A_75 = arith.constant 0 : i32
      %dma_wait3A_76 = tpu.memref_slice %arg10[%dma_wait3A_74, %dma_wait3A_75] : memref<96x128xf32, #tpu.memory_space<vmem>> -> memref<64x128xf32, #tpu.memory_space<vmem>>
      tpu.wait_dma2 semaphore(%run_scoped3A_57 : memref<!tpu.dma_semaphore, #tpu.memory_space<semaphore_mem>>) src(%dma_wait3A_76 : memref<64x128xf32, #tpu.memory_space<vmem>>) dst(%dma_wait3A_73 : memref<64x128xf32, #tpu.memory_space<vmem_shared>>)
      tpu.yield
    }) : () -> ()
    %add3A_13 = arith.constant 128 : i32
    %add3A_14 = arith.addi %mul3A_8, %add3A_13 : i32
    "tpu.region"() ({
      %run_scoped3A_57 = tpu.sem_alloc : memref<!tpu.dma_semaphore, #tpu.memory_space<semaphore_mem>>
      %dma_start3A_58 = arith.constant 0 : i32
      %dma_start3A_59 = arith.constant 0 : i32
      %dma_start3A_60 = tpu.memref_slice %arg10[%dma_start3A_58, %dma_start3A_59] : memref<96x128xf32, #tpu.memory_space<vmem>> -> memref<64x128xf32, #tpu.memory_space<vmem>>
      %dma_start3A_61 = arith.constant 0 : i32
      %dma_start3A_62 = tpu.memref_slice %arg13[%add3A_14, %dma_start3A_61] : memref<10240x128xf32, #tpu.memory_space<vmem_shared>> -> memref<64x128xf32, #tpu.memory_space<vmem_shared>>
      %dma_start3A_63 = arith.constant 0 : i32
      %dma_start3A_64 = tpu.memref_slice %arg13[%add3A_14, %dma_start3A_63] : memref<10240x128xf32, #tpu.memory_space<vmem_shared>> -> memref<64x128xf32, #tpu.memory_space<vmem_shared>>
      %dma_start3A_65 = arith.constant 0 : i32
      %dma_start3A_66 = arith.constant 0 : i32
      %dma_start3A_67 = tpu.memref_slice %arg10[%dma_start3A_65, %dma_start3A_66] : memref<96x128xf32, #tpu.memory_space<vmem>> -> memref<64x128xf32, #tpu.memory_space<vmem>>
      tpu.enqueue_dma source(%dma_start3A_67 : memref<64x128xf32, #tpu.memory_space<vmem>>) target(%dma_start3A_64 : memref<64x128xf32, #tpu.memory_space<vmem_shared>>) target_semaphore(%run_scoped3A_57 : memref<!tpu.dma_semaphore, #tpu.memory_space<semaphore_mem>>)
      %dma_wait3A = arith.constant 0 : i32
      %dma_wait3A_68 = arith.constant 0 : i32
      %dma_wait3A_69 = tpu.memref_slice %arg10[%dma_wait3A, %dma_wait3A_68] : memref<96x128xf32, #tpu.memory_space<vmem>> -> memref<64x128xf32, #tpu.memory_space<vmem>>
      %dma_wait3A_70 = arith.constant 0 : i32
      %dma_wait3A_71 = tpu.memref_slice %arg13[%add3A_14, %dma_wait3A_70] : memref<10240x128xf32, #tpu.memory_space<vmem_shared>> -> memref<64x128xf32, #tpu.memory_space<vmem_shared>>
      %dma_wait3A_72 = arith.constant 0 : i32
      %dma_wait3A_73 = tpu.memref_slice %arg13[%add3A_14, %dma_wait3A_72] : memref<10240x128xf32, #tpu.memory_space<vmem_shared>> -> memref<64x128xf32, #tpu.memory_space<vmem_shared>>
      %dma_wait3A_74 = arith.constant 0 : i32
      %dma_wait3A_75 = arith.constant 0 : i32
      %dma_wait3A_76 = tpu.memref_slice %arg10[%dma_wait3A_74, %dma_wait3A_75] : memref<96x128xf32, #tpu.memory_space<vmem>> -> memref<64x128xf32, #tpu.memory_space<vmem>>
      tpu.wait_dma2 semaphore(%run_scoped3A_57 : memref<!tpu.dma_semaphore, #tpu.memory_space<semaphore_mem>>) src(%dma_wait3A_76 : memref<64x128xf32, #tpu.memory_space<vmem>>) dst(%dma_wait3A_73 : memref<64x128xf32, #tpu.memory_space<vmem_shared>>)
      tpu.yield
    }) : () -> ()
    %add3A_15 = arith.constant 192 : i32
    %add3A_16 = arith.addi %mul3A_8, %add3A_15 : i32
    "tpu.region"() ({
      %run_scoped3A_57 = tpu.sem_alloc : memref<!tpu.dma_semaphore, #tpu.memory_space<semaphore_mem>>
      %dma_start3A_58 = arith.constant 0 : i32
      %dma_start3A_59 = arith.constant 0 : i32
      %dma_start3A_60 = tpu.memref_slice %arg10[%dma_start3A_58, %dma_start3A_59] : memref<96x128xf32, #tpu.memory_space<vmem>> -> memref<64x128xf32, #tpu.memory_space<vmem>>
      %dma_start3A_61 = arith.constant 0 : i32
      %dma_start3A_62 = tpu.memref_slice %arg13[%add3A_16, %dma_start3A_61] : memref<10240x128xf32, #tpu.memory_space<vmem_shared>> -> memref<64x128xf32, #tpu.memory_space<vmem_shared>>
      %dma_start3A_63 = arith.constant 0 : i32
      %dma_start3A_64 = tpu.memref_slice %arg13[%add3A_16, %dma_start3A_63] : memref<10240x128xf32, #tpu.memory_space<vmem_shared>> -> memref<64x128xf32, #tpu.memory_space<vmem_shared>>
      %dma_start3A_65 = arith.constant 0 : i32
      %dma_start3A_66 = arith.constant 0 : i32
      %dma_start3A_67 = tpu.memref_slice %arg10[%dma_start3A_65, %dma_start3A_66] : memref<96x128xf32, #tpu.memory_space<vmem>> -> memref<64x128xf32, #tpu.memory_space<vmem>>
      tpu.enqueue_dma source(%dma_start3A_67 : memref<64x128xf32, #tpu.memory_space<vmem>>) target(%dma_start3A_64 : memref<64x128xf32, #tpu.memory_space<vmem_shared>>) target_semaphore(%run_scoped3A_57 : memref<!tpu.dma_semaphore, #tpu.memory_space<semaphore_mem>>)
      %dma_wait3A = arith.constant 0 : i32
      %dma_wait3A_68 = arith.constant 0 : i32
      %dma_wait3A_69 = tpu.memref_slice %arg10[%dma_wait3A, %dma_wait3A_68] : memref<96x128xf32, #tpu.memory_space<vmem>> -> memref<64x128xf32, #tpu.memory_space<vmem>>
      %dma_wait3A_70 = arith.constant 0 : i32
      %dma_wait3A_71 = tpu.memref_slice %arg13[%add3A_16, %dma_wait3A_70] : memref<10240x128xf32, #tpu.memory_space<vmem_shared>> -> memref<64x128xf32, #tpu.memory_space<vmem_shared>>
      %dma_wait3A_72 = arith.constant 0 : i32
      %dma_wait3A_73 = tpu.memref_slice %arg13[%add3A_16, %dma_wait3A_72] : memref<10240x128xf32, #tpu.memory_space<vmem_shared>> -> memref<64x128xf32, #tpu.memory_space<vmem_shared>>
      %dma_wait3A_74 = arith.constant 0 : i32
      %dma_wait3A_75 = arith.constant 0 : i32
      %dma_wait3A_76 = tpu.memref_slice %arg10[%dma_wait3A_74, %dma_wait3A_75] : memref<96x128xf32, #tpu.memory_space<vmem>> -> memref<64x128xf32, #tpu.memory_space<vmem>>
      tpu.wait_dma2 semaphore(%run_scoped3A_57 : memref<!tpu.dma_semaphore, #tpu.memory_space<semaphore_mem>>) src(%dma_wait3A_76 : memref<64x128xf32, #tpu.memory_space<vmem>>) dst(%dma_wait3A_73 : memref<64x128xf32, #tpu.memory_space<vmem_shared>>)
      tpu.yield
    }) : () -> ()
    %add3A_17 = arith.constant 256 : i32
    %add3A_18 = arith.addi %mul3A_8, %add3A_17 : i32
    "tpu.region"() ({
      %run_scoped3A_57 = tpu.sem_alloc : memref<!tpu.dma_semaphore, #tpu.memory_space<semaphore_mem>>
      %dma_start3A_58 = arith.constant 0 : i32
      %dma_start3A_59 = arith.constant 0 : i32
      %dma_start3A_60 = tpu.memref_slice %arg10[%dma_start3A_58, %dma_start3A_59] : memref<96x128xf32, #tpu.memory_space<vmem>> -> memref<64x128xf32, #tpu.memory_space<vmem>>
      %dma_start3A_61 = arith.constant 0 : i32
      %dma_start3A_62 = tpu.memref_slice %arg13[%add3A_18, %dma_start3A_61] : memref<10240x128xf32, #tpu.memory_space<vmem_shared>> -> memref<64x128xf32, #tpu.memory_space<vmem_shared>>
      %dma_start3A_63 = arith.constant 0 : i32
      %dma_start3A_64 = tpu.memref_slice %arg13[%add3A_18, %dma_start3A_63] : memref<10240x128xf32, #tpu.memory_space<vmem_shared>> -> memref<64x128xf32, #tpu.memory_space<vmem_shared>>
      %dma_start3A_65 = arith.constant 0 : i32
      %dma_start3A_66 = arith.constant 0 : i32
      %dma_start3A_67 = tpu.memref_slice %arg10[%dma_start3A_65, %dma_start3A_66] : memref<96x128xf32, #tpu.memory_space<vmem>> -> memref<64x128xf32, #tpu.memory_space<vmem>>
      tpu.enqueue_dma source(%dma_start3A_67 : memref<64x128xf32, #tpu.memory_space<vmem>>) target(%dma_start3A_64 : memref<64x128xf32, #tpu.memory_space<vmem_shared>>) target_semaphore(%run_scoped3A_57 : memref<!tpu.dma_semaphore, #tpu.memory_space<semaphore_mem>>)
      %dma_wait3A = arith.constant 0 : i32
      %dma_wait3A_68 = arith.constant 0 : i32
      %dma_wait3A_69 = tpu.memref_slice %arg10[%dma_wait3A, %dma_wait3A_68] : memref<96x128xf32, #tpu.memory_space<vmem>> -> memref<64x128xf32, #tpu.memory_space<vmem>>
      %dma_wait3A_70 = arith.constant 0 : i32
      %dma_wait3A_71 = tpu.memref_slice %arg13[%add3A_18, %dma_wait3A_70] : memref<10240x128xf32, #tpu.memory_space<vmem_shared>> -> memref<64x128xf32, #tpu.memory_space<vmem_shared>>
      %dma_wait3A_72 = arith.constant 0 : i32
      %dma_wait3A_73 = tpu.memref_slice %arg13[%add3A_18, %dma_wait3A_72] : memref<10240x128xf32, #tpu.memory_space<vmem_shared>> -> memref<64x128xf32, #tpu.memory_space<vmem_shared>>
      %dma_wait3A_74 = arith.constant 0 : i32
      %dma_wait3A_75 = arith.constant 0 : i32
      %dma_wait3A_76 = tpu.memref_slice %arg10[%dma_wait3A_74, %dma_wait3A_75] : memref<96x128xf32, #tpu.memory_space<vmem>> -> memref<64x128xf32, #tpu.memory_space<vmem>>
      tpu.wait_dma2 semaphore(%run_scoped3A_57 : memref<!tpu.dma_semaphore, #tpu.memory_space<semaphore_mem>>) src(%dma_wait3A_76 : memref<64x128xf32, #tpu.memory_space<vmem>>) dst(%dma_wait3A_73 : memref<64x128xf32, #tpu.memory_space<vmem_shared>>)
      tpu.yield
    }) : () -> ()
    %add3A_19 = arith.constant 320 : i32
    %add3A_20 = arith.addi %mul3A_8, %add3A_19 : i32
    "tpu.region"() ({
      %run_scoped3A_57 = tpu.sem_alloc : memref<!tpu.dma_semaphore, #tpu.memory_space<semaphore_mem>>
      %dma_start3A_58 = arith.constant 0 : i32
      %dma_start3A_59 = arith.constant 0 : i32
      %dma_start3A_60 = tpu.memref_slice %arg10[%dma_start3A_58, %dma_start3A_59] : memref<96x128xf32, #tpu.memory_space<vmem>> -> memref<64x128xf32, #tpu.memory_space<vmem>>
      %dma_start3A_61 = arith.constant 0 : i32
      %dma_start3A_62 = tpu.memref_slice %arg13[%add3A_20, %dma_start3A_61] : memref<10240x128xf32, #tpu.memory_space<vmem_shared>> -> memref<64x128xf32, #tpu.memory_space<vmem_shared>>
      %dma_start3A_63 = arith.constant 0 : i32
      %dma_start3A_64 = tpu.memref_slice %arg13[%add3A_20, %dma_start3A_63] : memref<10240x128xf32, #tpu.memory_space<vmem_shared>> -> memref<64x128xf32, #tpu.memory_space<vmem_shared>>
      %dma_start3A_65 = arith.constant 0 : i32
      %dma_start3A_66 = arith.constant 0 : i32
      %dma_start3A_67 = tpu.memref_slice %arg10[%dma_start3A_65, %dma_start3A_66] : memref<96x128xf32, #tpu.memory_space<vmem>> -> memref<64x128xf32, #tpu.memory_space<vmem>>
      tpu.enqueue_dma source(%dma_start3A_67 : memref<64x128xf32, #tpu.memory_space<vmem>>) target(%dma_start3A_64 : memref<64x128xf32, #tpu.memory_space<vmem_shared>>) target_semaphore(%run_scoped3A_57 : memref<!tpu.dma_semaphore, #tpu.memory_space<semaphore_mem>>)
      %dma_wait3A = arith.constant 0 : i32
      %dma_wait3A_68 = arith.constant 0 : i32
      %dma_wait3A_69 = tpu.memref_slice %arg10[%dma_wait3A, %dma_wait3A_68] : memref<96x128xf32, #tpu.memory_space<vmem>> -> memref<64x128xf32, #tpu.memory_space<vmem>>
      %dma_wait3A_70 = arith.constant 0 : i32
      %dma_wait3A_71 = tpu.memref_slice %arg13[%add3A_20, %dma_wait3A_70] : memref<10240x128xf32, #tpu.memory_space<vmem_shared>> -> memref<64x128xf32, #tpu.memory_space<vmem_shared>>
      %dma_wait3A_72 = arith.constant 0 : i32
      %dma_wait3A_73 = tpu.memref_slice %arg13[%add3A_20, %dma_wait3A_72] : memref<10240x128xf32, #tpu.memory_space<vmem_shared>> -> memref<64x128xf32, #tpu.memory_space<vmem_shared>>
      %dma_wait3A_74 = arith.constant 0 : i32
      %dma_wait3A_75 = arith.constant 0 : i32
      %dma_wait3A_76 = tpu.memref_slice %arg10[%dma_wait3A_74, %dma_wait3A_75] : memref<96x128xf32, #tpu.memory_space<vmem>> -> memref<64x128xf32, #tpu.memory_space<vmem>>
      tpu.wait_dma2 semaphore(%run_scoped3A_57 : memref<!tpu.dma_semaphore, #tpu.memory_space<semaphore_mem>>) src(%dma_wait3A_76 : memref<64x128xf32, #tpu.memory_space<vmem>>) dst(%dma_wait3A_73 : memref<64x128xf32, #tpu.memory_space<vmem_shared>>)
      tpu.yield
    }) : () -> ()
    %add3A_21 = arith.constant 384 : i32
    %add3A_22 = arith.addi %mul3A_8, %add3A_21 : i32
    "tpu.region"() ({
      %run_scoped3A_57 = tpu.sem_alloc : memref<!tpu.dma_semaphore, #tpu.memory_space<semaphore_mem>>
      %dma_start3A_58 = arith.constant 0 : i32
      %dma_start3A_59 = arith.constant 0 : i32
      %dma_start3A_60 = tpu.memref_slice %arg10[%dma_start3A_58, %dma_start3A_59] : memref<96x128xf32, #tpu.memory_space<vmem>> -> memref<64x128xf32, #tpu.memory_space<vmem>>
      %dma_start3A_61 = arith.constant 0 : i32
      %dma_start3A_62 = tpu.memref_slice %arg13[%add3A_22, %dma_start3A_61] : memref<10240x128xf32, #tpu.memory_space<vmem_shared>> -> memref<64x128xf32, #tpu.memory_space<vmem_shared>>
      %dma_start3A_63 = arith.constant 0 : i32
      %dma_start3A_64 = tpu.memref_slice %arg13[%add3A_22, %dma_start3A_63] : memref<10240x128xf32, #tpu.memory_space<vmem_shared>> -> memref<64x128xf32, #tpu.memory_space<vmem_shared>>
      %dma_start3A_65 = arith.constant 0 : i32
      %dma_start3A_66 = arith.constant 0 : i32
      %dma_start3A_67 = tpu.memref_slice %arg10[%dma_start3A_65, %dma_start3A_66] : memref<96x128xf32, #tpu.memory_space<vmem>> -> memref<64x128xf32, #tpu.memory_space<vmem>>
      tpu.enqueue_dma source(%dma_start3A_67 : memref<64x128xf32, #tpu.memory_space<vmem>>) target(%dma_start3A_64 : memref<64x128xf32, #tpu.memory_space<vmem_shared>>) target_semaphore(%run_scoped3A_57 : memref<!tpu.dma_semaphore, #tpu.memory_space<semaphore_mem>>)
      %dma_wait3A = arith.constant 0 : i32
      %dma_wait3A_68 = arith.constant 0 : i32
      %dma_wait3A_69 = tpu.memref_slice %arg10[%dma_wait3A, %dma_wait3A_68] : memref<96x128xf32, #tpu.memory_space<vmem>> -> memref<64x128xf32, #tpu.memory_space<vmem>>
      %dma_wait3A_70 = arith.constant 0 : i32
      %dma_wait3A_71 = tpu.memref_slice %arg13[%add3A_22, %dma_wait3A_70] : memref<10240x128xf32, #tpu.memory_space<vmem_shared>> -> memref<64x128xf32, #tpu.memory_space<vmem_shared>>
      %dma_wait3A_72 = arith.constant 0 : i32
      %dma_wait3A_73 = tpu.memref_slice %arg13[%add3A_22, %dma_wait3A_72] : memref<10240x128xf32, #tpu.memory_space<vmem_shared>> -> memref<64x128xf32, #tpu.memory_space<vmem_shared>>
      %dma_wait3A_74 = arith.constant 0 : i32
      %dma_wait3A_75 = arith.constant 0 : i32
      %dma_wait3A_76 = tpu.memref_slice %arg10[%dma_wait3A_74, %dma_wait3A_75] : memref<96x128xf32, #tpu.memory_space<vmem>> -> memref<64x128xf32, #tpu.memory_space<vmem>>
      tpu.wait_dma2 semaphore(%run_scoped3A_57 : memref<!tpu.dma_semaphore, #tpu.memory_space<semaphore_mem>>) src(%dma_wait3A_76 : memref<64x128xf32, #tpu.memory_space<vmem>>) dst(%dma_wait3A_73 : memref<64x128xf32, #tpu.memory_space<vmem_shared>>)
      tpu.yield
    }) : () -> ()
    %add3A_23 = arith.constant 448 : i32
    %add3A_24 = arith.addi %mul3A_8, %add3A_23 : i32
    "tpu.region"() ({
      %run_scoped3A_57 = tpu.sem_alloc : memref<!tpu.dma_semaphore, #tpu.memory_space<semaphore_mem>>
      %dma_start3A_58 = arith.constant 0 : i32
      %dma_start3A_59 = arith.constant 0 : i32
      %dma_start3A_60 = tpu.memref_slice %arg10[%dma_start3A_58, %dma_start3A_59] : memref<96x128xf32, #tpu.memory_space<vmem>> -> memref<64x128xf32, #tpu.memory_space<vmem>>
      %dma_start3A_61 = arith.constant 0 : i32
      %dma_start3A_62 = tpu.memref_slice %arg13[%add3A_24, %dma_start3A_61] : memref<10240x128xf32, #tpu.memory_space<vmem_shared>> -> memref<64x128xf32, #tpu.memory_space<vmem_shared>>
      %dma_start3A_63 = arith.constant 0 : i32
      %dma_start3A_64 = tpu.memref_slice %arg13[%add3A_24, %dma_start3A_63] : memref<10240x128xf32, #tpu.memory_space<vmem_shared>> -> memref<64x128xf32, #tpu.memory_space<vmem_shared>>
      %dma_start3A_65 = arith.constant 0 : i32
      %dma_start3A_66 = arith.constant 0 : i32
      %dma_start3A_67 = tpu.memref_slice %arg10[%dma_start3A_65, %dma_start3A_66] : memref<96x128xf32, #tpu.memory_space<vmem>> -> memref<64x128xf32, #tpu.memory_space<vmem>>
      tpu.enqueue_dma source(%dma_start3A_67 : memref<64x128xf32, #tpu.memory_space<vmem>>) target(%dma_start3A_64 : memref<64x128xf32, #tpu.memory_space<vmem_shared>>) target_semaphore(%run_scoped3A_57 : memref<!tpu.dma_semaphore, #tpu.memory_space<semaphore_mem>>)
      %dma_wait3A = arith.constant 0 : i32
      %dma_wait3A_68 = arith.constant 0 : i32
      %dma_wait3A_69 = tpu.memref_slice %arg10[%dma_wait3A, %dma_wait3A_68] : memref<96x128xf32, #tpu.memory_space<vmem>> -> memref<64x128xf32, #tpu.memory_space<vmem>>
      %dma_wait3A_70 = arith.constant 0 : i32
      %dma_wait3A_71 = tpu.memref_slice %arg13[%add3A_24, %dma_wait3A_70] : memref<10240x128xf32, #tpu.memory_space<vmem_shared>> -> memref<64x128xf32, #tpu.memory_space<vmem_shared>>
      %dma_wait3A_72 = arith.constant 0 : i32
      %dma_wait3A_73 = tpu.memref_slice %arg13[%add3A_24, %dma_wait3A_72] : memref<10240x128xf32, #tpu.memory_space<vmem_shared>> -> memref<64x128xf32, #tpu.memory_space<vmem_shared>>
      %dma_wait3A_74 = arith.constant 0 : i32
      %dma_wait3A_75 = arith.constant 0 : i32
      %dma_wait3A_76 = tpu.memref_slice %arg10[%dma_wait3A_74, %dma_wait3A_75] : memref<96x128xf32, #tpu.memory_space<vmem>> -> memref<64x128xf32, #tpu.memory_space<vmem>>
      tpu.wait_dma2 semaphore(%run_scoped3A_57 : memref<!tpu.dma_semaphore, #tpu.memory_space<semaphore_mem>>) src(%dma_wait3A_76 : memref<64x128xf32, #tpu.memory_space<vmem>>) dst(%dma_wait3A_73 : memref<64x128xf32, #tpu.memory_space<vmem_shared>>)
      tpu.yield
    }) : () -> ()
    %add3A_25 = arith.constant 512 : i32
    %add3A_26 = arith.addi %mul3A_8, %add3A_25 : i32
    "tpu.region"() ({
      %run_scoped3A_57 = tpu.sem_alloc : memref<!tpu.dma_semaphore, #tpu.memory_space<semaphore_mem>>
      %dma_start3A_58 = arith.constant 0 : i32
      %dma_start3A_59 = arith.constant 0 : i32
      %dma_start3A_60 = tpu.memref_slice %arg10[%dma_start3A_58, %dma_start3A_59] : memref<96x128xf32, #tpu.memory_space<vmem>> -> memref<64x128xf32, #tpu.memory_space<vmem>>
      %dma_start3A_61 = arith.constant 0 : i32
      %dma_start3A_62 = tpu.memref_slice %arg13[%add3A_26, %dma_start3A_61] : memref<10240x128xf32, #tpu.memory_space<vmem_shared>> -> memref<64x128xf32, #tpu.memory_space<vmem_shared>>
      %dma_start3A_63 = arith.constant 0 : i32
      %dma_start3A_64 = tpu.memref_slice %arg13[%add3A_26, %dma_start3A_63] : memref<10240x128xf32, #tpu.memory_space<vmem_shared>> -> memref<64x128xf32, #tpu.memory_space<vmem_shared>>
      %dma_start3A_65 = arith.constant 0 : i32
      %dma_start3A_66 = arith.constant 0 : i32
      %dma_start3A_67 = tpu.memref_slice %arg10[%dma_start3A_65, %dma_start3A_66] : memref<96x128xf32, #tpu.memory_space<vmem>> -> memref<64x128xf32, #tpu.memory_space<vmem>>
      tpu.enqueue_dma source(%dma_start3A_67 : memref<64x128xf32, #tpu.memory_space<vmem>>) target(%dma_start3A_64 : memref<64x128xf32, #tpu.memory_space<vmem_shared>>) target_semaphore(%run_scoped3A_57 : memref<!tpu.dma_semaphore, #tpu.memory_space<semaphore_mem>>)
      %dma_wait3A = arith.constant 0 : i32
      %dma_wait3A_68 = arith.constant 0 : i32
      %dma_wait3A_69 = tpu.memref_slice %arg10[%dma_wait3A, %dma_wait3A_68] : memref<96x128xf32, #tpu.memory_space<vmem>> -> memref<64x128xf32, #tpu.memory_space<vmem>>
      %dma_wait3A_70 = arith.constant 0 : i32
      %dma_wait3A_71 = tpu.memref_slice %arg13[%add3A_26, %dma_wait3A_70] : memref<10240x128xf32, #tpu.memory_space<vmem_shared>> -> memref<64x128xf32, #tpu.memory_space<vmem_shared>>
      %dma_wait3A_72 = arith.constant 0 : i32
      %dma_wait3A_73 = tpu.memref_slice %arg13[%add3A_26, %dma_wait3A_72] : memref<10240x128xf32, #tpu.memory_space<vmem_shared>> -> memref<64x128xf32, #tpu.memory_space<vmem_shared>>
      %dma_wait3A_74 = arith.constant 0 : i32
      %dma_wait3A_75 = arith.constant 0 : i32
      %dma_wait3A_76 = tpu.memref_slice %arg10[%dma_wait3A_74, %dma_wait3A_75] : memref<96x128xf32, #tpu.memory_space<vmem>> -> memref<64x128xf32, #tpu.memory_space<vmem>>
      tpu.wait_dma2 semaphore(%run_scoped3A_57 : memref<!tpu.dma_semaphore, #tpu.memory_space<semaphore_mem>>) src(%dma_wait3A_76 : memref<64x128xf32, #tpu.memory_space<vmem>>) dst(%dma_wait3A_73 : memref<64x128xf32, #tpu.memory_space<vmem_shared>>)
      tpu.yield
    }) : () -> ()
    %add3A_27 = arith.constant 576 : i32
    %add3A_28 = arith.addi %mul3A_8, %add3A_27 : i32
    "tpu.region"() ({
      %run_scoped3A_57 = tpu.sem_alloc : memref<!tpu.dma_semaphore, #tpu.memory_space<semaphore_mem>>
      %dma_start3A_58 = arith.constant 0 : i32
      %dma_start3A_59 = arith.constant 0 : i32
      %dma_start3A_60 = tpu.memref_slice %arg10[%dma_start3A_58, %dma_start3A_59] : memref<96x128xf32, #tpu.memory_space<vmem>> -> memref<64x128xf32, #tpu.memory_space<vmem>>
      %dma_start3A_61 = arith.constant 0 : i32
      %dma_start3A_62 = tpu.memref_slice %arg13[%add3A_28, %dma_start3A_61] : memref<10240x128xf32, #tpu.memory_space<vmem_shared>> -> memref<64x128xf32, #tpu.memory_space<vmem_shared>>
      %dma_start3A_63 = arith.constant 0 : i32
      %dma_start3A_64 = tpu.memref_slice %arg13[%add3A_28, %dma_start3A_63] : memref<10240x128xf32, #tpu.memory_space<vmem_shared>> -> memref<64x128xf32, #tpu.memory_space<vmem_shared>>
      %dma_start3A_65 = arith.constant 0 : i32
      %dma_start3A_66 = arith.constant 0 : i32
      %dma_start3A_67 = tpu.memref_slice %arg10[%dma_start3A_65, %dma_start3A_66] : memref<96x128xf32, #tpu.memory_space<vmem>> -> memref<64x128xf32, #tpu.memory_space<vmem>>
      tpu.enqueue_dma source(%dma_start3A_67 : memref<64x128xf32, #tpu.memory_space<vmem>>) target(%dma_start3A_64 : memref<64x128xf32, #tpu.memory_space<vmem_shared>>) target_semaphore(%run_scoped3A_57 : memref<!tpu.dma_semaphore, #tpu.memory_space<semaphore_mem>>)
      %dma_wait3A = arith.constant 0 : i32
      %dma_wait3A_68 = arith.constant 0 : i32
      %dma_wait3A_69 = tpu.memref_slice %arg10[%dma_wait3A, %dma_wait3A_68] : memref<96x128xf32, #tpu.memory_space<vmem>> -> memref<64x128xf32, #tpu.memory_space<vmem>>
      %dma_wait3A_70 = arith.constant 0 : i32
      %dma_wait3A_71 = tpu.memref_slice %arg13[%add3A_28, %dma_wait3A_70] : memref<10240x128xf32, #tpu.memory_space<vmem_shared>> -> memref<64x128xf32, #tpu.memory_space<vmem_shared>>
      %dma_wait3A_72 = arith.constant 0 : i32
      %dma_wait3A_73 = tpu.memref_slice %arg13[%add3A_28, %dma_wait3A_72] : memref<10240x128xf32, #tpu.memory_space<vmem_shared>> -> memref<64x128xf32, #tpu.memory_space<vmem_shared>>
      %dma_wait3A_74 = arith.constant 0 : i32
      %dma_wait3A_75 = arith.constant 0 : i32
      %dma_wait3A_76 = tpu.memref_slice %arg10[%dma_wait3A_74, %dma_wait3A_75] : memref<96x128xf32, #tpu.memory_space<vmem>> -> memref<64x128xf32, #tpu.memory_space<vmem>>
      tpu.wait_dma2 semaphore(%run_scoped3A_57 : memref<!tpu.dma_semaphore, #tpu.memory_space<semaphore_mem>>) src(%dma_wait3A_76 : memref<64x128xf32, #tpu.memory_space<vmem>>) dst(%dma_wait3A_73 : memref<64x128xf32, #tpu.memory_space<vmem_shared>>)
      tpu.yield
    }) : () -> ()
    %barrier3A = arith.constant 0 : index
    tpu.barrier barrier_id(%barrier3A)
    %run_scoped3A = arith.constant 0 : i32
    "tpu.region"() ({
      %run_scoped3A_57 = tpu.sem_alloc : memref<!tpu.dma_semaphore, #tpu.memory_space<semaphore_mem>>
      %dma_start3A_58 = arith.constant 0 : i32
      %dma_start3A_59 = arith.constant 0 : i32
      %dma_start3A_60 = tpu.memref_slice %arg3[%add3A, %run_scoped3A, %dma_start3A_58, %dma_start3A_59] : memref<32x18x6x96xi32, #tpu.memory_space<hbm>> -> memref<1x1x6x96xi32, #tpu.memory_space<hbm>>
      %dma_start3A_61 = tpu.memref_squeeze %dma_start3A_60 : memref<1x1x6x96xi32, #tpu.memory_space<hbm>> -> memref<6x96xi32, #tpu.memory_space<hbm>>
      %dma_start3A_62 = arith.constant 0 : i32
      %dma_start3A_63 = arith.constant 0 : i32
      %dma_start3A_64 = tpu.memref_slice %arg3[%add3A, %run_scoped3A, %dma_start3A_62, %dma_start3A_63] : memref<32x18x6x96xi32, #tpu.memory_space<hbm>> -> memref<1x1x6x96xi32, #tpu.memory_space<hbm>>
      %dma_start3A_65 = tpu.memref_squeeze %dma_start3A_64 : memref<1x1x6x96xi32, #tpu.memory_space<hbm>> -> memref<6x96xi32, #tpu.memory_space<hbm>>
      tpu.enqueue_dma source(%dma_start3A_65 : memref<6x96xi32, #tpu.memory_space<hbm>>) target(%arg6 : memref<6x96xi32, #tpu.memory_space<vmem>>) target_semaphore(%run_scoped3A_57 : memref<!tpu.dma_semaphore, #tpu.memory_space<semaphore_mem>>)
      %dma_wait3A = arith.constant 0 : i32
      %dma_wait3A_66 = arith.constant 0 : i32
      %dma_wait3A_67 = tpu.memref_slice %arg3[%add3A, %run_scoped3A, %dma_wait3A, %dma_wait3A_66] : memref<32x18x6x96xi32, #tpu.memory_space<hbm>> -> memref<1x1x6x96xi32, #tpu.memory_space<hbm>>
      %dma_wait3A_68 = tpu.memref_squeeze %dma_wait3A_67 : memref<1x1x6x96xi32, #tpu.memory_space<hbm>> -> memref<6x96xi32, #tpu.memory_space<hbm>>
      %dma_wait3A_69 = arith.constant 0 : i32
      %dma_wait3A_70 = arith.constant 0 : i32
      %dma_wait3A_71 = tpu.memref_slice %arg3[%add3A, %run_scoped3A, %dma_wait3A_69, %dma_wait3A_70] : memref<32x18x6x96xi32, #tpu.memory_space<hbm>> -> memref<1x1x6x96xi32, #tpu.memory_space<hbm>>
      %dma_wait3A_72 = tpu.memref_squeeze %dma_wait3A_71 : memref<1x1x6x96xi32, #tpu.memory_space<hbm>> -> memref<6x96xi32, #tpu.memory_space<hbm>>
      tpu.wait_dma2 semaphore(%run_scoped3A_57 : memref<!tpu.dma_semaphore, #tpu.memory_space<semaphore_mem>>) src(%dma_wait3A_72 : memref<6x96xi32, #tpu.memory_space<hbm>>) dst(%arg6 : memref<6x96xi32, #tpu.memory_space<vmem>>)
      tpu.yield
    }) : () -> ()
    %run_scoped3A_29 = arith.constant 0 : i32
    "tpu.region"() ({
      %run_scoped3A_57 = tpu.sem_alloc : memref<!tpu.dma_semaphore, #tpu.memory_space<semaphore_mem>>
      %dma_start3A_58 = arith.constant 0 : i32
      %dma_start3A_59 = arith.constant 0 : i32
      %dma_start3A_60 = tpu.memref_slice %arg4[%add3A, %run_scoped3A_29, %dma_start3A_58, %dma_start3A_59] : memref<32x18x6x96xi32, #tpu.memory_space<hbm>> -> memref<1x1x6x96xi32, #tpu.memory_space<hbm>>
      %dma_start3A_61 = tpu.memref_squeeze %dma_start3A_60 : memref<1x1x6x96xi32, #tpu.memory_space<hbm>> -> memref<6x96xi32, #tpu.memory_space<hbm>>
      %dma_start3A_62 = arith.constant 0 : i32
      %dma_start3A_63 = arith.constant 0 : i32
      %dma_start3A_64 = tpu.memref_slice %arg4[%add3A, %run_scoped3A_29, %dma_start3A_62, %dma_start3A_63] : memref<32x18x6x96xi32, #tpu.memory_space<hbm>> -> memref<1x1x6x96xi32, #tpu.memory_space<hbm>>
      %dma_start3A_65 = tpu.memref_squeeze %dma_start3A_64 : memref<1x1x6x96xi32, #tpu.memory_space<hbm>> -> memref<6x96xi32, #tpu.memory_space<hbm>>
      tpu.enqueue_dma source(%dma_start3A_65 : memref<6x96xi32, #tpu.memory_space<hbm>>) target(%arg8 : memref<6x96xi32, #tpu.memory_space<vmem>>) target_semaphore(%run_scoped3A_57 : memref<!tpu.dma_semaphore, #tpu.memory_space<semaphore_mem>>)
      %dma_wait3A = arith.constant 0 : i32
      %dma_wait3A_66 = arith.constant 0 : i32
      %dma_wait3A_67 = tpu.memref_slice %arg4[%add3A, %run_scoped3A_29, %dma_wait3A, %dma_wait3A_66] : memref<32x18x6x96xi32, #tpu.memory_space<hbm>> -> memref<1x1x6x96xi32, #tpu.memory_space<hbm>>
      %dma_wait3A_68 = tpu.memref_squeeze %dma_wait3A_67 : memref<1x1x6x96xi32, #tpu.memory_space<hbm>> -> memref<6x96xi32, #tpu.memory_space<hbm>>
      %dma_wait3A_69 = arith.constant 0 : i32
      %dma_wait3A_70 = arith.constant 0 : i32
      %dma_wait3A_71 = tpu.memref_slice %arg4[%add3A, %run_scoped3A_29, %dma_wait3A_69, %dma_wait3A_70] : memref<32x18x6x96xi32, #tpu.memory_space<hbm>> -> memref<1x1x6x96xi32, #tpu.memory_space<hbm>>
      %dma_wait3A_72 = tpu.memref_squeeze %dma_wait3A_71 : memref<1x1x6x96xi32, #tpu.memory_space<hbm>> -> memref<6x96xi32, #tpu.memory_space<hbm>>
      tpu.wait_dma2 semaphore(%run_scoped3A_57 : memref<!tpu.dma_semaphore, #tpu.memory_space<semaphore_mem>>) src(%dma_wait3A_72 : memref<6x96xi32, #tpu.memory_space<hbm>>) dst(%arg8 : memref<6x96xi32, #tpu.memory_space<vmem>>)
      tpu.yield
    }) : () -> ()
    %dma_start3A = arith.constant 0 : i32
    %dma_start3A_30 = arith.constant 0 : i32
    %dma_start3A_31 = tpu.memref_slice %arg6[%dma_start3A, %dma_start3A_30] : memref<6x96xi32, #tpu.memory_space<vmem>> -> memref<1x96xi32, #tpu.memory_space<vmem>>
    %dma_start3A_32 = tpu.memref_squeeze %dma_start3A_31 : memref<1x96xi32, #tpu.memory_space<vmem>> -> memref<96xi32, #tpu.memory_space<vmem>>
    %dma_start3A_33 = arith.constant 0 : i32
    %dma_start3A_34 = arith.constant 0 : i32
    %dma_start3A_35 = tpu.memref_slice %arg2[%dma_start3A_33, %dma_start3A_34] : memref<10000x128xf32, #tpu.memory_space<hbm>> -> memref<10000x128xf32, #tpu.memory_space<hbm>>
    tpu.enqueue_indirect_dma source(%dma_start3A_35 : memref<10000x128xf32, #tpu.memory_space<hbm>>) target(%arg10 : memref<96x128xf32, #tpu.memory_space<vmem>>) offsets(%dma_start3A_32 : memref<96xi32, #tpu.memory_space<vmem>>) semaphore(%arg14 : memref<!tpu.dma_semaphore, #tpu.memory_space<semaphore_mem>>)
    %dma_start3A_36 = arith.constant 1 : i32
    %dma_start3A_37 = arith.constant 0 : i32
    %dma_start3A_38 = tpu.memref_slice %arg6[%dma_start3A_36, %dma_start3A_37] : memref<6x96xi32, #tpu.memory_space<vmem>> -> memref<1x96xi32, #tpu.memory_space<vmem>>
    %dma_start3A_39 = tpu.memref_squeeze %dma_start3A_38 : memref<1x96xi32, #tpu.memory_space<vmem>> -> memref<96xi32, #tpu.memory_space<vmem>>
    %dma_start3A_40 = arith.constant 0 : i32
    %dma_start3A_41 = arith.constant 0 : i32
    %dma_start3A_42 = tpu.memref_slice %arg2[%dma_start3A_40, %dma_start3A_41] : memref<10000x128xf32, #tpu.memory_space<hbm>> -> memref<10000x128xf32, #tpu.memory_space<hbm>>
    tpu.enqueue_indirect_dma source(%dma_start3A_42 : memref<10000x128xf32, #tpu.memory_space<hbm>>) target(%arg11 : memref<96x128xf32, #tpu.memory_space<vmem>>) offsets(%dma_start3A_39 : memref<96xi32, #tpu.memory_space<vmem>>) semaphore(%arg15 : memref<!tpu.dma_semaphore, #tpu.memory_space<semaphore_mem>>)
    %dma_start3A_43 = arith.constant 2 : i32
    %dma_start3A_44 = arith.constant 0 : i32
    %dma_start3A_45 = tpu.memref_slice %arg6[%dma_start3A_43, %dma_start3A_44] : memref<6x96xi32, #tpu.memory_space<vmem>> -> memref<1x96xi32, #tpu.memory_space<vmem>>
    %dma_start3A_46 = tpu.memref_squeeze %dma_start3A_45 : memref<1x96xi32, #tpu.memory_space<vmem>> -> memref<96xi32, #tpu.memory_space<vmem>>
    %dma_start3A_47 = arith.constant 0 : i32
    %dma_start3A_48 = arith.constant 0 : i32
    %dma_start3A_49 = tpu.memref_slice %arg2[%dma_start3A_47, %dma_start3A_48] : memref<10000x128xf32, #tpu.memory_space<hbm>> -> memref<10000x128xf32, #tpu.memory_space<hbm>>
    tpu.enqueue_indirect_dma source(%dma_start3A_49 : memref<10000x128xf32, #tpu.memory_space<hbm>>) target(%arg12 : memref<96x128xf32, #tpu.memory_space<vmem>>) offsets(%dma_start3A_46 : memref<96xi32, #tpu.memory_space<vmem>>) semaphore(%arg16 : memref<!tpu.dma_semaphore, #tpu.memory_space<semaphore_mem>>)
    %scan3A_50 = arith.constant 0 : i32
    %scan3A_51 = arith.constant 0 : i32
    %scan3A_52 = arith.constant 9 : i32
    %scan3A_53 = arith.addi %scan3A_51, %scan3A_52 : i32
    %scan3A_54 = arith.constant 1 : i32
    scf.for %scan3A_57 = %scan3A_51 to %scan3A_53 step %scan3A_54  : i32 {
      %mul3A_58 = arith.constant 12 : i32
      %mul3A_59 = arith.muli %scan3A_57, %mul3A_58 : i32
      %add3A_60 = arith.constant 0 : i32
      %add3A_61 = arith.addi %mul3A_59, %add3A_60 : i32
      %mul3A_62 = arith.constant 2 : i32
      %mul3A_63 = arith.muli %mul3A_62, %scan3A_57 : i32
      %add3A_64 = arith.constant 1 : i32
      %add3A_65 = arith.addi %mul3A_63, %add3A_64 : i32
      %lt3A = arith.constant 18 : i32
      %lt3A_66 = arith.cmpi slt, %add3A_65, %lt3A : i32
      %convert_element_type3A = arith.extui %lt3A_66 : i1 to i32
      %cond3A = arith.constant 0 : i32
      %cond3A_67 = arith.cmpi ne, %convert_element_type3A, %cond3A : i32
      scf.if %cond3A_67 {
        %mul3A_318 = arith.constant 2 : i32
        %mul3A_319 = arith.muli %mul3A_318, %scan3A_57 : i32
        %add3A_320 = arith.constant 1 : i32
        %add3A_321 = arith.addi %mul3A_319, %add3A_320 : i32
        %dma_start3A_322 = arith.constant 0 : i32
        %dma_start3A_323 = arith.constant 0 : i32
        %dma_start3A_324 = tpu.memref_slice %arg3[%add3A, %add3A_321, %dma_start3A_322, %dma_start3A_323] : memref<32x18x6x96xi32, #tpu.memory_space<hbm>> -> memref<1x1x6x96xi32, #tpu.memory_space<hbm>>
        %dma_start3A_325 = tpu.memref_squeeze %dma_start3A_324 : memref<1x1x6x96xi32, #tpu.memory_space<hbm>> -> memref<6x96xi32, #tpu.memory_space<hbm>>
        %dma_start3A_326 = arith.constant 0 : i32
        %dma_start3A_327 = arith.constant 0 : i32
        %dma_start3A_328 = tpu.memref_slice %arg3[%add3A, %add3A_321, %dma_start3A_326, %dma_start3A_327] : memref<32x18x6x96xi32, #tpu.memory_space<hbm>> -> memref<1x1x6x96xi32, #tpu.memory_space<hbm>>
        %dma_start3A_329 = tpu.memref_squeeze %dma_start3A_328 : memref<1x1x6x96xi32, #tpu.memory_space<hbm>> -> memref<6x96xi32, #tpu.memory_space<hbm>>
        tpu.enqueue_dma source(%dma_start3A_329 : memref<6x96xi32, #tpu.memory_space<hbm>>) target(%arg7 : memref<6x96xi32, #tpu.memory_space<vmem>>) target_semaphore(%arg17 : memref<!tpu.dma_semaphore, #tpu.memory_space<semaphore_mem>>)
        %dma_start3A_330 = arith.constant 0 : i32
        %dma_start3A_331 = arith.constant 0 : i32
        %dma_start3A_332 = tpu.memref_slice %arg4[%add3A, %add3A_321, %dma_start3A_330, %dma_start3A_331] : memref<32x18x6x96xi32, #tpu.memory_space<hbm>> -> memref<1x1x6x96xi32, #tpu.memory_space<hbm>>
        %dma_start3A_333 = tpu.memref_squeeze %dma_start3A_332 : memref<1x1x6x96xi32, #tpu.memory_space<hbm>> -> memref<6x96xi32, #tpu.memory_space<hbm>>
        %dma_start3A_334 = arith.constant 0 : i32
        %dma_start3A_335 = arith.constant 0 : i32
        %dma_start3A_336 = tpu.memref_slice %arg4[%add3A, %add3A_321, %dma_start3A_334, %dma_start3A_335] : memref<32x18x6x96xi32, #tpu.memory_space<hbm>> -> memref<1x1x6x96xi32, #tpu.memory_space<hbm>>
        %dma_start3A_337 = tpu.memref_squeeze %dma_start3A_336 : memref<1x1x6x96xi32, #tpu.memory_space<hbm>> -> memref<6x96xi32, #tpu.memory_space<hbm>>
        tpu.enqueue_dma source(%dma_start3A_337 : memref<6x96xi32, #tpu.memory_space<hbm>>) target(%arg9 : memref<6x96xi32, #tpu.memory_space<vmem>>) target_semaphore(%arg17 : memref<!tpu.dma_semaphore, #tpu.memory_space<semaphore_mem>>)
      } else {
      }
      %dma_wait3A = arith.constant 0 : i32
      %dma_wait3A_68 = arith.constant 0 : i32
      %dma_wait3A_69 = tpu.memref_slice %arg6[%dma_wait3A, %dma_wait3A_68] : memref<6x96xi32, #tpu.memory_space<vmem>> -> memref<1x96xi32, #tpu.memory_space<vmem>>
      %dma_wait3A_70 = tpu.memref_squeeze %dma_wait3A_69 : memref<1x96xi32, #tpu.memory_space<vmem>> -> memref<96xi32, #tpu.memory_space<vmem>>
      %dma_wait3A_71 = arith.constant 0 : i32
      %dma_wait3A_72 = arith.constant 0 : i32
      %dma_wait3A_73 = tpu.memref_slice %arg2[%dma_wait3A_71, %dma_wait3A_72] : memref<10000x128xf32, #tpu.memory_space<hbm>> -> memref<10000x128xf32, #tpu.memory_space<hbm>>
      tpu.wait_indirect_dma semaphore(%arg14 : memref<!tpu.dma_semaphore, #tpu.memory_space<semaphore_mem>>) src(%dma_wait3A_73 : memref<10000x128xf32, #tpu.memory_space<hbm>>) dst(%arg10 : memref<96x128xf32, #tpu.memory_space<vmem>>)
      %run_scoped3A_74 = arith.constant 0 : i32
      "tpu.region"() ({
        %run_scoped3A_318 = tpu.sem_alloc : memref<!tpu.dma_semaphore, #tpu.memory_space<semaphore_mem>>
        %dma_start3A_319 = arith.constant 0 : i32
        %dma_start3A_320 = tpu.memref_slice %arg8[%run_scoped3A_74, %dma_start3A_319] : memref<6x96xi32, #tpu.memory_space<vmem>> -> memref<1x96xi32, #tpu.memory_space<vmem>>
        %dma_start3A_321 = tpu.memref_squeeze %dma_start3A_320 : memref<1x96xi32, #tpu.memory_space<vmem>> -> memref<96xi32, #tpu.memory_space<vmem>>
        %dma_start3A_322 = arith.constant 0 : i32
        %dma_start3A_323 = arith.constant 0 : i32
        %dma_start3A_324 = tpu.memref_slice %arg13[%dma_start3A_322, %dma_start3A_323] : memref<10240x128xf32, #tpu.memory_space<vmem_shared>> -> memref<10240x128xf32, #tpu.memory_space<vmem_shared>>
        tpu.enqueue_indirect_dma source(%arg10 : memref<96x128xf32, #tpu.memory_space<vmem>>) target(%dma_start3A_324 : memref<10240x128xf32, #tpu.memory_space<vmem_shared>>) offsets(%dma_start3A_321 : memref<96xi32, #tpu.memory_space<vmem>>) semaphore(%run_scoped3A_318 : memref<!tpu.dma_semaphore, #tpu.memory_space<semaphore_mem>>) {add = true}
        %dma_wait3A_325 = arith.constant 0 : i32
        %dma_wait3A_326 = tpu.memref_slice %arg8[%run_scoped3A_74, %dma_wait3A_325] : memref<6x96xi32, #tpu.memory_space<vmem>> -> memref<1x96xi32, #tpu.memory_space<vmem>>
        %dma_wait3A_327 = tpu.memref_squeeze %dma_wait3A_326 : memref<1x96xi32, #tpu.memory_space<vmem>> -> memref<96xi32, #tpu.memory_space<vmem>>
        %dma_wait3A_328 = arith.constant 0 : i32
        %dma_wait3A_329 = arith.constant 0 : i32
        %dma_wait3A_330 = tpu.memref_slice %arg13[%dma_wait3A_328, %dma_wait3A_329] : memref<10240x128xf32, #tpu.memory_space<vmem_shared>> -> memref<10240x128xf32, #tpu.memory_space<vmem_shared>>
        tpu.wait_indirect_dma semaphore(%run_scoped3A_318 : memref<!tpu.dma_semaphore, #tpu.memory_space<semaphore_mem>>) src(%arg10 : memref<96x128xf32, #tpu.memory_space<vmem>>) dst(%dma_wait3A_330 : memref<10240x128xf32, #tpu.memory_space<vmem_shared>>)
        tpu.yield
      }) : () -> ()
      %add3A_75 = arith.constant 3 : i32
      %add3A_76 = arith.addi %add3A_61, %add3A_75 : i32
      %lt3A_77 = arith.constant 108 : i32
      %lt3A_78 = arith.cmpi slt, %add3A_76, %lt3A_77 : i32
      %convert_element_type3A_79 = arith.extui %lt3A_78 : i1 to i32
      %cond3A_80 = arith.constant 0 : i32
      %cond3A_81 = arith.cmpi ne, %convert_element_type3A_79, %cond3A_80 : i32
      scf.if %cond3A_81 {
        %dma_start3A_318 = arith.constant 3 : i32
        %dma_start3A_319 = arith.constant 0 : i32
        %dma_start3A_320 = tpu.memref_slice %arg6[%dma_start3A_318, %dma_start3A_319] : memref<6x96xi32, #tpu.memory_space<vmem>> -> memref<1x96xi32, #tpu.memory_space<vmem>>
        %dma_start3A_321 = tpu.memref_squeeze %dma_start3A_320 : memref<1x96xi32, #tpu.memory_space<vmem>> -> memref<96xi32, #tpu.memory_space<vmem>>
        %dma_start3A_322 = arith.constant 0 : i32
        %dma_start3A_323 = arith.constant 0 : i32
        %dma_start3A_324 = tpu.memref_slice %arg2[%dma_start3A_322, %dma_start3A_323] : memref<10000x128xf32, #tpu.memory_space<hbm>> -> memref<10000x128xf32, #tpu.memory_space<hbm>>
        tpu.enqueue_indirect_dma source(%dma_start3A_324 : memref<10000x128xf32, #tpu.memory_space<hbm>>) target(%arg10 : memref<96x128xf32, #tpu.memory_space<vmem>>) offsets(%dma_start3A_321 : memref<96xi32, #tpu.memory_space<vmem>>) semaphore(%arg14 : memref<!tpu.dma_semaphore, #tpu.memory_space<semaphore_mem>>)
      } else {
      }
      %mul3A_82 = arith.constant 12 : i32
      %mul3A_83 = arith.muli %scan3A_57, %mul3A_82 : i32
      %add3A_84 = arith.constant 1 : i32
      %add3A_85 = arith.addi %mul3A_83, %add3A_84 : i32
      %dma_wait3A_86 = arith.constant 1 : i32
      %dma_wait3A_87 = arith.constant 0 : i32
      %dma_wait3A_88 = tpu.memref_slice %arg6[%dma_wait3A_86, %dma_wait3A_87] : memref<6x96xi32, #tpu.memory_space<vmem>> -> memref<1x96xi32, #tpu.memory_space<vmem>>
      %dma_wait3A_89 = tpu.memref_squeeze %dma_wait3A_88 : memref<1x96xi32, #tpu.memory_space<vmem>> -> memref<96xi32, #tpu.memory_space<vmem>>
      %dma_wait3A_90 = arith.constant 0 : i32
      %dma_wait3A_91 = arith.constant 0 : i32
      %dma_wait3A_92 = tpu.memref_slice %arg2[%dma_wait3A_90, %dma_wait3A_91] : memref<10000x128xf32, #tpu.memory_space<hbm>> -> memref<10000x128xf32, #tpu.memory_space<hbm>>
      tpu.wait_indirect_dma semaphore(%arg15 : memref<!tpu.dma_semaphore, #tpu.memory_space<semaphore_mem>>) src(%dma_wait3A_92 : memref<10000x128xf32, #tpu.memory_space<hbm>>) dst(%arg11 : memref<96x128xf32, #tpu.memory_space<vmem>>)
      %run_scoped3A_93 = arith.constant 1 : i32
      "tpu.region"() ({
        %run_scoped3A_318 = tpu.sem_alloc : memref<!tpu.dma_semaphore, #tpu.memory_space<semaphore_mem>>
        %dma_start3A_319 = arith.constant 0 : i32
        %dma_start3A_320 = tpu.memref_slice %arg8[%run_scoped3A_93, %dma_start3A_319] : memref<6x96xi32, #tpu.memory_space<vmem>> -> memref<1x96xi32, #tpu.memory_space<vmem>>
        %dma_start3A_321 = tpu.memref_squeeze %dma_start3A_320 : memref<1x96xi32, #tpu.memory_space<vmem>> -> memref<96xi32, #tpu.memory_space<vmem>>
        %dma_start3A_322 = arith.constant 0 : i32
        %dma_start3A_323 = arith.constant 0 : i32
        %dma_start3A_324 = tpu.memref_slice %arg13[%dma_start3A_322, %dma_start3A_323] : memref<10240x128xf32, #tpu.memory_space<vmem_shared>> -> memref<10240x128xf32, #tpu.memory_space<vmem_shared>>
        tpu.enqueue_indirect_dma source(%arg11 : memref<96x128xf32, #tpu.memory_space<vmem>>) target(%dma_start3A_324 : memref<10240x128xf32, #tpu.memory_space<vmem_shared>>) offsets(%dma_start3A_321 : memref<96xi32, #tpu.memory_space<vmem>>) semaphore(%run_scoped3A_318 : memref<!tpu.dma_semaphore, #tpu.memory_space<semaphore_mem>>) {add = true}
        %dma_wait3A_325 = arith.constant 0 : i32
        %dma_wait3A_326 = tpu.memref_slice %arg8[%run_scoped3A_93, %dma_wait3A_325] : memref<6x96xi32, #tpu.memory_space<vmem>> -> memref<1x96xi32, #tpu.memory_space<vmem>>
        %dma_wait3A_327 = tpu.memref_squeeze %dma_wait3A_326 : memref<1x96xi32, #tpu.memory_space<vmem>> -> memref<96xi32, #tpu.memory_space<vmem>>
        %dma_wait3A_328 = arith.constant 0 : i32
        %dma_wait3A_329 = arith.constant 0 : i32
        %dma_wait3A_330 = tpu.memref_slice %arg13[%dma_wait3A_328, %dma_wait3A_329] : memref<10240x128xf32, #tpu.memory_space<vmem_shared>> -> memref<10240x128xf32, #tpu.memory_space<vmem_shared>>
        tpu.wait_indirect_dma semaphore(%run_scoped3A_318 : memref<!tpu.dma_semaphore, #tpu.memory_space<semaphore_mem>>) src(%arg11 : memref<96x128xf32, #tpu.memory_space<vmem>>) dst(%dma_wait3A_330 : memref<10240x128xf32, #tpu.memory_space<vmem_shared>>)
        tpu.yield
      }) : () -> ()
      %add3A_94 = arith.constant 3 : i32
      %add3A_95 = arith.addi %add3A_85, %add3A_94 : i32
      %lt3A_96 = arith.constant 108 : i32
      %lt3A_97 = arith.cmpi slt, %add3A_95, %lt3A_96 : i32
      %convert_element_type3A_98 = arith.extui %lt3A_97 : i1 to i32
      %cond3A_99 = arith.constant 0 : i32
      %cond3A_100 = arith.cmpi ne, %convert_element_type3A_98, %cond3A_99 : i32
      scf.if %cond3A_100 {
        %dma_start3A_318 = arith.constant 4 : i32
        %dma_start3A_319 = arith.constant 0 : i32
        %dma_start3A_320 = tpu.memref_slice %arg6[%dma_start3A_318, %dma_start3A_319] : memref<6x96xi32, #tpu.memory_space<vmem>> -> memref<1x96xi32, #tpu.memory_space<vmem>>
        %dma_start3A_321 = tpu.memref_squeeze %dma_start3A_320 : memref<1x96xi32, #tpu.memory_space<vmem>> -> memref<96xi32, #tpu.memory_space<vmem>>
        %dma_start3A_322 = arith.constant 0 : i32
        %dma_start3A_323 = arith.constant 0 : i32
        %dma_start3A_324 = tpu.memref_slice %arg2[%dma_start3A_322, %dma_start3A_323] : memref<10000x128xf32, #tpu.memory_space<hbm>> -> memref<10000x128xf32, #tpu.memory_space<hbm>>
        tpu.enqueue_indirect_dma source(%dma_start3A_324 : memref<10000x128xf32, #tpu.memory_space<hbm>>) target(%arg11 : memref<96x128xf32, #tpu.memory_space<vmem>>) offsets(%dma_start3A_321 : memref<96xi32, #tpu.memory_space<vmem>>) semaphore(%arg15 : memref<!tpu.dma_semaphore, #tpu.memory_space<semaphore_mem>>)
      } else {
      }
      %mul3A_101 = arith.constant 12 : i32
      %mul3A_102 = arith.muli %scan3A_57, %mul3A_101 : i32
      %add3A_103 = arith.constant 2 : i32
      %add3A_104 = arith.addi %mul3A_102, %add3A_103 : i32
      %dma_wait3A_105 = arith.constant 2 : i32
      %dma_wait3A_106 = arith.constant 0 : i32
      %dma_wait3A_107 = tpu.memref_slice %arg6[%dma_wait3A_105, %dma_wait3A_106] : memref<6x96xi32, #tpu.memory_space<vmem>> -> memref<1x96xi32, #tpu.memory_space<vmem>>
      %dma_wait3A_108 = tpu.memref_squeeze %dma_wait3A_107 : memref<1x96xi32, #tpu.memory_space<vmem>> -> memref<96xi32, #tpu.memory_space<vmem>>
      %dma_wait3A_109 = arith.constant 0 : i32
      %dma_wait3A_110 = arith.constant 0 : i32
      %dma_wait3A_111 = tpu.memref_slice %arg2[%dma_wait3A_109, %dma_wait3A_110] : memref<10000x128xf32, #tpu.memory_space<hbm>> -> memref<10000x128xf32, #tpu.memory_space<hbm>>
      tpu.wait_indirect_dma semaphore(%arg16 : memref<!tpu.dma_semaphore, #tpu.memory_space<semaphore_mem>>) src(%dma_wait3A_111 : memref<10000x128xf32, #tpu.memory_space<hbm>>) dst(%arg12 : memref<96x128xf32, #tpu.memory_space<vmem>>)
      %run_scoped3A_112 = arith.constant 2 : i32
      "tpu.region"() ({
        %run_scoped3A_318 = tpu.sem_alloc : memref<!tpu.dma_semaphore, #tpu.memory_space<semaphore_mem>>
        %dma_start3A_319 = arith.constant 0 : i32
        %dma_start3A_320 = tpu.memref_slice %arg8[%run_scoped3A_112, %dma_start3A_319] : memref<6x96xi32, #tpu.memory_space<vmem>> -> memref<1x96xi32, #tpu.memory_space<vmem>>
        %dma_start3A_321 = tpu.memref_squeeze %dma_start3A_320 : memref<1x96xi32, #tpu.memory_space<vmem>> -> memref<96xi32, #tpu.memory_space<vmem>>
        %dma_start3A_322 = arith.constant 0 : i32
        %dma_start3A_323 = arith.constant 0 : i32
        %dma_start3A_324 = tpu.memref_slice %arg13[%dma_start3A_322, %dma_start3A_323] : memref<10240x128xf32, #tpu.memory_space<vmem_shared>> -> memref<10240x128xf32, #tpu.memory_space<vmem_shared>>
        tpu.enqueue_indirect_dma source(%arg12 : memref<96x128xf32, #tpu.memory_space<vmem>>) target(%dma_start3A_324 : memref<10240x128xf32, #tpu.memory_space<vmem_shared>>) offsets(%dma_start3A_321 : memref<96xi32, #tpu.memory_space<vmem>>) semaphore(%run_scoped3A_318 : memref<!tpu.dma_semaphore, #tpu.memory_space<semaphore_mem>>) {add = true}
        %dma_wait3A_325 = arith.constant 0 : i32
        %dma_wait3A_326 = tpu.memref_slice %arg8[%run_scoped3A_112, %dma_wait3A_325] : memref<6x96xi32, #tpu.memory_space<vmem>> -> memref<1x96xi32, #tpu.memory_space<vmem>>
        %dma_wait3A_327 = tpu.memref_squeeze %dma_wait3A_326 : memref<1x96xi32, #tpu.memory_space<vmem>> -> memref<96xi32, #tpu.memory_space<vmem>>
        %dma_wait3A_328 = arith.constant 0 : i32
        %dma_wait3A_329 = arith.constant 0 : i32
        %dma_wait3A_330 = tpu.memref_slice %arg13[%dma_wait3A_328, %dma_wait3A_329] : memref<10240x128xf32, #tpu.memory_space<vmem_shared>> -> memref<10240x128xf32, #tpu.memory_space<vmem_shared>>
        tpu.wait_indirect_dma semaphore(%run_scoped3A_318 : memref<!tpu.dma_semaphore, #tpu.memory_space<semaphore_mem>>) src(%arg12 : memref<96x128xf32, #tpu.memory_space<vmem>>) dst(%dma_wait3A_330 : memref<10240x128xf32, #tpu.memory_space<vmem_shared>>)
        tpu.yield
      }) : () -> ()
      %add3A_113 = arith.constant 3 : i32
      %add3A_114 = arith.addi %add3A_104, %add3A_113 : i32
      %lt3A_115 = arith.constant 108 : i32
      %lt3A_116 = arith.cmpi slt, %add3A_114, %lt3A_115 : i32
      %convert_element_type3A_117 = arith.extui %lt3A_116 : i1 to i32
      %cond3A_118 = arith.constant 0 : i32
      %cond3A_119 = arith.cmpi ne, %convert_element_type3A_117, %cond3A_118 : i32
      scf.if %cond3A_119 {
        %dma_start3A_318 = arith.constant 5 : i32
        %dma_start3A_319 = arith.constant 0 : i32
        %dma_start3A_320 = tpu.memref_slice %arg6[%dma_start3A_318, %dma_start3A_319] : memref<6x96xi32, #tpu.memory_space<vmem>> -> memref<1x96xi32, #tpu.memory_space<vmem>>
        %dma_start3A_321 = tpu.memref_squeeze %dma_start3A_320 : memref<1x96xi32, #tpu.memory_space<vmem>> -> memref<96xi32, #tpu.memory_space<vmem>>
        %dma_start3A_322 = arith.constant 0 : i32
        %dma_start3A_323 = arith.constant 0 : i32
        %dma_start3A_324 = tpu.memref_slice %arg2[%dma_start3A_322, %dma_start3A_323] : memref<10000x128xf32, #tpu.memory_space<hbm>> -> memref<10000x128xf32, #tpu.memory_space<hbm>>
        tpu.enqueue_indirect_dma source(%dma_start3A_324 : memref<10000x128xf32, #tpu.memory_space<hbm>>) target(%arg12 : memref<96x128xf32, #tpu.memory_space<vmem>>) offsets(%dma_start3A_321 : memref<96xi32, #tpu.memory_space<vmem>>) semaphore(%arg16 : memref<!tpu.dma_semaphore, #tpu.memory_space<semaphore_mem>>)
      } else {
      }
      %mul3A_120 = arith.constant 12 : i32
      %mul3A_121 = arith.muli %scan3A_57, %mul3A_120 : i32
      %add3A_122 = arith.constant 3 : i32
      %add3A_123 = arith.addi %mul3A_121, %add3A_122 : i32
      %mul3A_124 = arith.constant 2 : i32
      %mul3A_125 = arith.muli %mul3A_124, %scan3A_57 : i32
      %add3A_126 = arith.constant 1 : i32
      %add3A_127 = arith.addi %mul3A_125, %add3A_126 : i32
      %lt3A_128 = arith.constant 18 : i32
      %lt3A_129 = arith.cmpi slt, %add3A_127, %lt3A_128 : i32
      %convert_element_type3A_130 = arith.extui %lt3A_129 : i1 to i32
      %cond3A_131 = arith.constant 0 : i32
      %cond3A_132 = arith.cmpi ne, %convert_element_type3A_130, %cond3A_131 : i32
      scf.if %cond3A_132 {
        %dma_wait3A_318 = arith.constant 0 : i32
        %dma_wait3A_319 = arith.constant 0 : i32
        %dma_wait3A_320 = arith.constant 0 : i32
        %dma_wait3A_321 = tpu.memref_slice %arg3[%add3A, %dma_wait3A_318, %dma_wait3A_319, %dma_wait3A_320] : memref<32x18x6x96xi32, #tpu.memory_space<hbm>> -> memref<1x1x6x96xi32, #tpu.memory_space<hbm>>
        %dma_wait3A_322 = tpu.memref_squeeze %dma_wait3A_321 : memref<1x1x6x96xi32, #tpu.memory_space<hbm>> -> memref<6x96xi32, #tpu.memory_space<hbm>>
        %dma_wait3A_323 = arith.constant 0 : i32
        %dma_wait3A_324 = arith.constant 0 : i32
        %dma_wait3A_325 = tpu.memref_slice %arg3[%add3A, %dma_wait3A_318, %dma_wait3A_323, %dma_wait3A_324] : memref<32x18x6x96xi32, #tpu.memory_space<hbm>> -> memref<1x1x6x96xi32, #tpu.memory_space<hbm>>
        %dma_wait3A_326 = tpu.memref_squeeze %dma_wait3A_325 : memref<1x1x6x96xi32, #tpu.memory_space<hbm>> -> memref<6x96xi32, #tpu.memory_space<hbm>>
        tpu.wait_dma2 semaphore(%arg17 : memref<!tpu.dma_semaphore, #tpu.memory_space<semaphore_mem>>) src(%dma_wait3A_326 : memref<6x96xi32, #tpu.memory_space<hbm>>) dst(%arg7 : memref<6x96xi32, #tpu.memory_space<vmem>>)
        %dma_wait3A_327 = arith.constant 0 : i32
        %dma_wait3A_328 = arith.constant 0 : i32
        %dma_wait3A_329 = arith.constant 0 : i32
        %dma_wait3A_330 = tpu.memref_slice %arg4[%add3A, %dma_wait3A_327, %dma_wait3A_328, %dma_wait3A_329] : memref<32x18x6x96xi32, #tpu.memory_space<hbm>> -> memref<1x1x6x96xi32, #tpu.memory_space<hbm>>
        %dma_wait3A_331 = tpu.memref_squeeze %dma_wait3A_330 : memref<1x1x6x96xi32, #tpu.memory_space<hbm>> -> memref<6x96xi32, #tpu.memory_space<hbm>>
        %dma_wait3A_332 = arith.constant 0 : i32
        %dma_wait3A_333 = arith.constant 0 : i32
        %dma_wait3A_334 = tpu.memref_slice %arg4[%add3A, %dma_wait3A_327, %dma_wait3A_332, %dma_wait3A_333] : memref<32x18x6x96xi32, #tpu.memory_space<hbm>> -> memref<1x1x6x96xi32, #tpu.memory_space<hbm>>
        %dma_wait3A_335 = tpu.memref_squeeze %dma_wait3A_334 : memref<1x1x6x96xi32, #tpu.memory_space<hbm>> -> memref<6x96xi32, #tpu.memory_space<hbm>>
        tpu.wait_dma2 semaphore(%arg17 : memref<!tpu.dma_semaphore, #tpu.memory_space<semaphore_mem>>) src(%dma_wait3A_335 : memref<6x96xi32, #tpu.memory_space<hbm>>) dst(%arg9 : memref<6x96xi32, #tpu.memory_space<vmem>>)
      } else {
      }
      %dma_wait3A_133 = arith.constant 3 : i32
      %dma_wait3A_134 = arith.constant 0 : i32
      %dma_wait3A_135 = tpu.memref_slice %arg6[%dma_wait3A_133, %dma_wait3A_134] : memref<6x96xi32, #tpu.memory_space<vmem>> -> memref<1x96xi32, #tpu.memory_space<vmem>>
      %dma_wait3A_136 = tpu.memref_squeeze %dma_wait3A_135 : memref<1x96xi32, #tpu.memory_space<vmem>> -> memref<96xi32, #tpu.memory_space<vmem>>
      %dma_wait3A_137 = arith.constant 0 : i32
      %dma_wait3A_138 = arith.constant 0 : i32
      %dma_wait3A_139 = tpu.memref_slice %arg2[%dma_wait3A_137, %dma_wait3A_138] : memref<10000x128xf32, #tpu.memory_space<hbm>> -> memref<10000x128xf32, #tpu.memory_space<hbm>>
      tpu.wait_indirect_dma semaphore(%arg14 : memref<!tpu.dma_semaphore, #tpu.memory_space<semaphore_mem>>) src(%dma_wait3A_139 : memref<10000x128xf32, #tpu.memory_space<hbm>>) dst(%arg10 : memref<96x128xf32, #tpu.memory_space<vmem>>)
      %run_scoped3A_140 = arith.constant 3 : i32
      "tpu.region"() ({
        %run_scoped3A_318 = tpu.sem_alloc : memref<!tpu.dma_semaphore, #tpu.memory_space<semaphore_mem>>
        %dma_start3A_319 = arith.constant 0 : i32
        %dma_start3A_320 = tpu.memref_slice %arg8[%run_scoped3A_140, %dma_start3A_319] : memref<6x96xi32, #tpu.memory_space<vmem>> -> memref<1x96xi32, #tpu.memory_space<vmem>>
        %dma_start3A_321 = tpu.memref_squeeze %dma_start3A_320 : memref<1x96xi32, #tpu.memory_space<vmem>> -> memref<96xi32, #tpu.memory_space<vmem>>
        %dma_start3A_322 = arith.constant 0 : i32
        %dma_start3A_323 = arith.constant 0 : i32
        %dma_start3A_324 = tpu.memref_slice %arg13[%dma_start3A_322, %dma_start3A_323] : memref<10240x128xf32, #tpu.memory_space<vmem_shared>> -> memref<10240x128xf32, #tpu.memory_space<vmem_shared>>
        tpu.enqueue_indirect_dma source(%arg10 : memref<96x128xf32, #tpu.memory_space<vmem>>) target(%dma_start3A_324 : memref<10240x128xf32, #tpu.memory_space<vmem_shared>>) offsets(%dma_start3A_321 : memref<96xi32, #tpu.memory_space<vmem>>) semaphore(%run_scoped3A_318 : memref<!tpu.dma_semaphore, #tpu.memory_space<semaphore_mem>>) {add = true}
        %dma_wait3A_325 = arith.constant 0 : i32
        %dma_wait3A_326 = tpu.memref_slice %arg8[%run_scoped3A_140, %dma_wait3A_325] : memref<6x96xi32, #tpu.memory_space<vmem>> -> memref<1x96xi32, #tpu.memory_space<vmem>>
        %dma_wait3A_327 = tpu.memref_squeeze %dma_wait3A_326 : memref<1x96xi32, #tpu.memory_space<vmem>> -> memref<96xi32, #tpu.memory_space<vmem>>
        %dma_wait3A_328 = arith.constant 0 : i32
        %dma_wait3A_329 = arith.constant 0 : i32
        %dma_wait3A_330 = tpu.memref_slice %arg13[%dma_wait3A_328, %dma_wait3A_329] : memref<10240x128xf32, #tpu.memory_space<vmem_shared>> -> memref<10240x128xf32, #tpu.memory_space<vmem_shared>>
        tpu.wait_indirect_dma semaphore(%run_scoped3A_318 : memref<!tpu.dma_semaphore, #tpu.memory_space<semaphore_mem>>) src(%arg10 : memref<96x128xf32, #tpu.memory_space<vmem>>) dst(%dma_wait3A_330 : memref<10240x128xf32, #tpu.memory_space<vmem_shared>>)
        tpu.yield
      }) : () -> ()
      %add3A_141 = arith.constant 3 : i32
      %add3A_142 = arith.addi %add3A_123, %add3A_141 : i32
      %lt3A_143 = arith.constant 108 : i32
      %lt3A_144 = arith.cmpi slt, %add3A_142, %lt3A_143 : i32
      %convert_element_type3A_145 = arith.extui %lt3A_144 : i1 to i32
      %cond3A_146 = arith.constant 0 : i32
      %cond3A_147 = arith.cmpi ne, %convert_element_type3A_145, %cond3A_146 : i32
      scf.if %cond3A_147 {
        %dma_start3A_318 = arith.constant 0 : i32
        %dma_start3A_319 = arith.constant 0 : i32
        %dma_start3A_320 = tpu.memref_slice %arg7[%dma_start3A_318, %dma_start3A_319] : memref<6x96xi32, #tpu.memory_space<vmem>> -> memref<1x96xi32, #tpu.memory_space<vmem>>
        %dma_start3A_321 = tpu.memref_squeeze %dma_start3A_320 : memref<1x96xi32, #tpu.memory_space<vmem>> -> memref<96xi32, #tpu.memory_space<vmem>>
        %dma_start3A_322 = arith.constant 0 : i32
        %dma_start3A_323 = arith.constant 0 : i32
        %dma_start3A_324 = tpu.memref_slice %arg2[%dma_start3A_322, %dma_start3A_323] : memref<10000x128xf32, #tpu.memory_space<hbm>> -> memref<10000x128xf32, #tpu.memory_space<hbm>>
        tpu.enqueue_indirect_dma source(%dma_start3A_324 : memref<10000x128xf32, #tpu.memory_space<hbm>>) target(%arg10 : memref<96x128xf32, #tpu.memory_space<vmem>>) offsets(%dma_start3A_321 : memref<96xi32, #tpu.memory_space<vmem>>) semaphore(%arg14 : memref<!tpu.dma_semaphore, #tpu.memory_space<semaphore_mem>>)
      } else {
      }
      %mul3A_148 = arith.constant 12 : i32
      %mul3A_149 = arith.muli %scan3A_57, %mul3A_148 : i32
      %add3A_150 = arith.constant 4 : i32
      %add3A_151 = arith.addi %mul3A_149, %add3A_150 : i32
      %dma_wait3A_152 = arith.constant 4 : i32
      %dma_wait3A_153 = arith.constant 0 : i32
      %dma_wait3A_154 = tpu.memref_slice %arg6[%dma_wait3A_152, %dma_wait3A_153] : memref<6x96xi32, #tpu.memory_space<vmem>> -> memref<1x96xi32, #tpu.memory_space<vmem>>
      %dma_wait3A_155 = tpu.memref_squeeze %dma_wait3A_154 : memref<1x96xi32, #tpu.memory_space<vmem>> -> memref<96xi32, #tpu.memory_space<vmem>>
      %dma_wait3A_156 = arith.constant 0 : i32
      %dma_wait3A_157 = arith.constant 0 : i32
      %dma_wait3A_158 = tpu.memref_slice %arg2[%dma_wait3A_156, %dma_wait3A_157] : memref<10000x128xf32, #tpu.memory_space<hbm>> -> memref<10000x128xf32, #tpu.memory_space<hbm>>
      tpu.wait_indirect_dma semaphore(%arg15 : memref<!tpu.dma_semaphore, #tpu.memory_space<semaphore_mem>>) src(%dma_wait3A_158 : memref<10000x128xf32, #tpu.memory_space<hbm>>) dst(%arg11 : memref<96x128xf32, #tpu.memory_space<vmem>>)
      %run_scoped3A_159 = arith.constant 4 : i32
      "tpu.region"() ({
        %run_scoped3A_318 = tpu.sem_alloc : memref<!tpu.dma_semaphore, #tpu.memory_space<semaphore_mem>>
        %dma_start3A_319 = arith.constant 0 : i32
        %dma_start3A_320 = tpu.memref_slice %arg8[%run_scoped3A_159, %dma_start3A_319] : memref<6x96xi32, #tpu.memory_space<vmem>> -> memref<1x96xi32, #tpu.memory_space<vmem>>
        %dma_start3A_321 = tpu.memref_squeeze %dma_start3A_320 : memref<1x96xi32, #tpu.memory_space<vmem>> -> memref<96xi32, #tpu.memory_space<vmem>>
        %dma_start3A_322 = arith.constant 0 : i32
        %dma_start3A_323 = arith.constant 0 : i32
        %dma_start3A_324 = tpu.memref_slice %arg13[%dma_start3A_322, %dma_start3A_323] : memref<10240x128xf32, #tpu.memory_space<vmem_shared>> -> memref<10240x128xf32, #tpu.memory_space<vmem_shared>>
        tpu.enqueue_indirect_dma source(%arg11 : memref<96x128xf32, #tpu.memory_space<vmem>>) target(%dma_start3A_324 : memref<10240x128xf32, #tpu.memory_space<vmem_shared>>) offsets(%dma_start3A_321 : memref<96xi32, #tpu.memory_space<vmem>>) semaphore(%run_scoped3A_318 : memref<!tpu.dma_semaphore, #tpu.memory_space<semaphore_mem>>) {add = true}
        %dma_wait3A_325 = arith.constant 0 : i32
        %dma_wait3A_326 = tpu.memref_slice %arg8[%run_scoped3A_159, %dma_wait3A_325] : memref<6x96xi32, #tpu.memory_space<vmem>> -> memref<1x96xi32, #tpu.memory_space<vmem>>
        %dma_wait3A_327 = tpu.memref_squeeze %dma_wait3A_326 : memref<1x96xi32, #tpu.memory_space<vmem>> -> memref<96xi32, #tpu.memory_space<vmem>>
        %dma_wait3A_328 = arith.constant 0 : i32
        %dma_wait3A_329 = arith.constant 0 : i32
        %dma_wait3A_330 = tpu.memref_slice %arg13[%dma_wait3A_328, %dma_wait3A_329] : memref<10240x128xf32, #tpu.memory_space<vmem_shared>> -> memref<10240x128xf32, #tpu.memory_space<vmem_shared>>
        tpu.wait_indirect_dma semaphore(%run_scoped3A_318 : memref<!tpu.dma_semaphore, #tpu.memory_space<semaphore_mem>>) src(%arg11 : memref<96x128xf32, #tpu.memory_space<vmem>>) dst(%dma_wait3A_330 : memref<10240x128xf32, #tpu.memory_space<vmem_shared>>)
        tpu.yield
      }) : () -> ()
      %add3A_160 = arith.constant 3 : i32
      %add3A_161 = arith.addi %add3A_151, %add3A_160 : i32
      %lt3A_162 = arith.constant 108 : i32
      %lt3A_163 = arith.cmpi slt, %add3A_161, %lt3A_162 : i32
      %convert_element_type3A_164 = arith.extui %lt3A_163 : i1 to i32
      %cond3A_165 = arith.constant 0 : i32
      %cond3A_166 = arith.cmpi ne, %convert_element_type3A_164, %cond3A_165 : i32
      scf.if %cond3A_166 {
        %dma_start3A_318 = arith.constant 1 : i32
        %dma_start3A_319 = arith.constant 0 : i32
        %dma_start3A_320 = tpu.memref_slice %arg7[%dma_start3A_318, %dma_start3A_319] : memref<6x96xi32, #tpu.memory_space<vmem>> -> memref<1x96xi32, #tpu.memory_space<vmem>>
        %dma_start3A_321 = tpu.memref_squeeze %dma_start3A_320 : memref<1x96xi32, #tpu.memory_space<vmem>> -> memref<96xi32, #tpu.memory_space<vmem>>
        %dma_start3A_322 = arith.constant 0 : i32
        %dma_start3A_323 = arith.constant 0 : i32
        %dma_start3A_324 = tpu.memref_slice %arg2[%dma_start3A_322, %dma_start3A_323] : memref<10000x128xf32, #tpu.memory_space<hbm>> -> memref<10000x128xf32, #tpu.memory_space<hbm>>
        tpu.enqueue_indirect_dma source(%dma_start3A_324 : memref<10000x128xf32, #tpu.memory_space<hbm>>) target(%arg11 : memref<96x128xf32, #tpu.memory_space<vmem>>) offsets(%dma_start3A_321 : memref<96xi32, #tpu.memory_space<vmem>>) semaphore(%arg15 : memref<!tpu.dma_semaphore, #tpu.memory_space<semaphore_mem>>)
      } else {
      }
      %mul3A_167 = arith.constant 12 : i32
      %mul3A_168 = arith.muli %scan3A_57, %mul3A_167 : i32
      %add3A_169 = arith.constant 5 : i32
      %add3A_170 = arith.addi %mul3A_168, %add3A_169 : i32
      %dma_wait3A_171 = arith.constant 5 : i32
      %dma_wait3A_172 = arith.constant 0 : i32
      %dma_wait3A_173 = tpu.memref_slice %arg6[%dma_wait3A_171, %dma_wait3A_172] : memref<6x96xi32, #tpu.memory_space<vmem>> -> memref<1x96xi32, #tpu.memory_space<vmem>>
      %dma_wait3A_174 = tpu.memref_squeeze %dma_wait3A_173 : memref<1x96xi32, #tpu.memory_space<vmem>> -> memref<96xi32, #tpu.memory_space<vmem>>
      %dma_wait3A_175 = arith.constant 0 : i32
      %dma_wait3A_176 = arith.constant 0 : i32
      %dma_wait3A_177 = tpu.memref_slice %arg2[%dma_wait3A_175, %dma_wait3A_176] : memref<10000x128xf32, #tpu.memory_space<hbm>> -> memref<10000x128xf32, #tpu.memory_space<hbm>>
      tpu.wait_indirect_dma semaphore(%arg16 : memref<!tpu.dma_semaphore, #tpu.memory_space<semaphore_mem>>) src(%dma_wait3A_177 : memref<10000x128xf32, #tpu.memory_space<hbm>>) dst(%arg12 : memref<96x128xf32, #tpu.memory_space<vmem>>)
      %run_scoped3A_178 = arith.constant 5 : i32
      "tpu.region"() ({
        %run_scoped3A_318 = tpu.sem_alloc : memref<!tpu.dma_semaphore, #tpu.memory_space<semaphore_mem>>
        %dma_start3A_319 = arith.constant 0 : i32
        %dma_start3A_320 = tpu.memref_slice %arg8[%run_scoped3A_178, %dma_start3A_319] : memref<6x96xi32, #tpu.memory_space<vmem>> -> memref<1x96xi32, #tpu.memory_space<vmem>>
        %dma_start3A_321 = tpu.memref_squeeze %dma_start3A_320 : memref<1x96xi32, #tpu.memory_space<vmem>> -> memref<96xi32, #tpu.memory_space<vmem>>
        %dma_start3A_322 = arith.constant 0 : i32
        %dma_start3A_323 = arith.constant 0 : i32
        %dma_start3A_324 = tpu.memref_slice %arg13[%dma_start3A_322, %dma_start3A_323] : memref<10240x128xf32, #tpu.memory_space<vmem_shared>> -> memref<10240x128xf32, #tpu.memory_space<vmem_shared>>
        tpu.enqueue_indirect_dma source(%arg12 : memref<96x128xf32, #tpu.memory_space<vmem>>) target(%dma_start3A_324 : memref<10240x128xf32, #tpu.memory_space<vmem_shared>>) offsets(%dma_start3A_321 : memref<96xi32, #tpu.memory_space<vmem>>) semaphore(%run_scoped3A_318 : memref<!tpu.dma_semaphore, #tpu.memory_space<semaphore_mem>>) {add = true}
        %dma_wait3A_325 = arith.constant 0 : i32
        %dma_wait3A_326 = tpu.memref_slice %arg8[%run_scoped3A_178, %dma_wait3A_325] : memref<6x96xi32, #tpu.memory_space<vmem>> -> memref<1x96xi32, #tpu.memory_space<vmem>>
        %dma_wait3A_327 = tpu.memref_squeeze %dma_wait3A_326 : memref<1x96xi32, #tpu.memory_space<vmem>> -> memref<96xi32, #tpu.memory_space<vmem>>
        %dma_wait3A_328 = arith.constant 0 : i32
        %dma_wait3A_329 = arith.constant 0 : i32
        %dma_wait3A_330 = tpu.memref_slice %arg13[%dma_wait3A_328, %dma_wait3A_329] : memref<10240x128xf32, #tpu.memory_space<vmem_shared>> -> memref<10240x128xf32, #tpu.memory_space<vmem_shared>>
        tpu.wait_indirect_dma semaphore(%run_scoped3A_318 : memref<!tpu.dma_semaphore, #tpu.memory_space<semaphore_mem>>) src(%arg12 : memref<96x128xf32, #tpu.memory_space<vmem>>) dst(%dma_wait3A_330 : memref<10240x128xf32, #tpu.memory_space<vmem_shared>>)
        tpu.yield
      }) : () -> ()
      %add3A_179 = arith.constant 3 : i32
      %add3A_180 = arith.addi %add3A_170, %add3A_179 : i32
      %lt3A_181 = arith.constant 108 : i32
      %lt3A_182 = arith.cmpi slt, %add3A_180, %lt3A_181 : i32
      %convert_element_type3A_183 = arith.extui %lt3A_182 : i1 to i32
      %cond3A_184 = arith.constant 0 : i32
      %cond3A_185 = arith.cmpi ne, %convert_element_type3A_183, %cond3A_184 : i32
      scf.if %cond3A_185 {
        %dma_start3A_318 = arith.constant 2 : i32
        %dma_start3A_319 = arith.constant 0 : i32
        %dma_start3A_320 = tpu.memref_slice %arg7[%dma_start3A_318, %dma_start3A_319] : memref<6x96xi32, #tpu.memory_space<vmem>> -> memref<1x96xi32, #tpu.memory_space<vmem>>
        %dma_start3A_321 = tpu.memref_squeeze %dma_start3A_320 : memref<1x96xi32, #tpu.memory_space<vmem>> -> memref<96xi32, #tpu.memory_space<vmem>>
        %dma_start3A_322 = arith.constant 0 : i32
        %dma_start3A_323 = arith.constant 0 : i32
        %dma_start3A_324 = tpu.memref_slice %arg2[%dma_start3A_322, %dma_start3A_323] : memref<10000x128xf32, #tpu.memory_space<hbm>> -> memref<10000x128xf32, #tpu.memory_space<hbm>>
        tpu.enqueue_indirect_dma source(%dma_start3A_324 : memref<10000x128xf32, #tpu.memory_space<hbm>>) target(%arg12 : memref<96x128xf32, #tpu.memory_space<vmem>>) offsets(%dma_start3A_321 : memref<96xi32, #tpu.memory_space<vmem>>) semaphore(%arg16 : memref<!tpu.dma_semaphore, #tpu.memory_space<semaphore_mem>>)
      } else {
      }
      %mul3A_186 = arith.constant 12 : i32
      %mul3A_187 = arith.muli %scan3A_57, %mul3A_186 : i32
      %add3A_188 = arith.constant 6 : i32
      %add3A_189 = arith.addi %mul3A_187, %add3A_188 : i32
      %mul3A_190 = arith.constant 2 : i32
      %mul3A_191 = arith.muli %mul3A_190, %scan3A_57 : i32
      %add3A_192 = arith.constant 2 : i32
      %add3A_193 = arith.addi %mul3A_191, %add3A_192 : i32
      %lt3A_194 = arith.constant 18 : i32
      %lt3A_195 = arith.cmpi slt, %add3A_193, %lt3A_194 : i32
      %convert_element_type3A_196 = arith.extui %lt3A_195 : i1 to i32
      %cond3A_197 = arith.constant 0 : i32
      %cond3A_198 = arith.cmpi ne, %convert_element_type3A_196, %cond3A_197 : i32
      scf.if %cond3A_198 {
        %mul3A_318 = arith.constant 2 : i32
        %mul3A_319 = arith.muli %mul3A_318, %scan3A_57 : i32
        %add3A_320 = arith.constant 2 : i32
        %add3A_321 = arith.addi %mul3A_319, %add3A_320 : i32
        %dma_start3A_322 = arith.constant 0 : i32
        %dma_start3A_323 = arith.constant 0 : i32
        %dma_start3A_324 = tpu.memref_slice %arg3[%add3A, %add3A_321, %dma_start3A_322, %dma_start3A_323] : memref<32x18x6x96xi32, #tpu.memory_space<hbm>> -> memref<1x1x6x96xi32, #tpu.memory_space<hbm>>
        %dma_start3A_325 = tpu.memref_squeeze %dma_start3A_324 : memref<1x1x6x96xi32, #tpu.memory_space<hbm>> -> memref<6x96xi32, #tpu.memory_space<hbm>>
        %dma_start3A_326 = arith.constant 0 : i32
        %dma_start3A_327 = arith.constant 0 : i32
        %dma_start3A_328 = tpu.memref_slice %arg3[%add3A, %add3A_321, %dma_start3A_326, %dma_start3A_327] : memref<32x18x6x96xi32, #tpu.memory_space<hbm>> -> memref<1x1x6x96xi32, #tpu.memory_space<hbm>>
        %dma_start3A_329 = tpu.memref_squeeze %dma_start3A_328 : memref<1x1x6x96xi32, #tpu.memory_space<hbm>> -> memref<6x96xi32, #tpu.memory_space<hbm>>
        tpu.enqueue_dma source(%dma_start3A_329 : memref<6x96xi32, #tpu.memory_space<hbm>>) target(%arg6 : memref<6x96xi32, #tpu.memory_space<vmem>>) target_semaphore(%arg17 : memref<!tpu.dma_semaphore, #tpu.memory_space<semaphore_mem>>)
        %dma_start3A_330 = arith.constant 0 : i32
        %dma_start3A_331 = arith.constant 0 : i32
        %dma_start3A_332 = tpu.memref_slice %arg4[%add3A, %add3A_321, %dma_start3A_330, %dma_start3A_331] : memref<32x18x6x96xi32, #tpu.memory_space<hbm>> -> memref<1x1x6x96xi32, #tpu.memory_space<hbm>>
        %dma_start3A_333 = tpu.memref_squeeze %dma_start3A_332 : memref<1x1x6x96xi32, #tpu.memory_space<hbm>> -> memref<6x96xi32, #tpu.memory_space<hbm>>
        %dma_start3A_334 = arith.constant 0 : i32
        %dma_start3A_335 = arith.constant 0 : i32
        %dma_start3A_336 = tpu.memref_slice %arg4[%add3A, %add3A_321, %dma_start3A_334, %dma_start3A_335] : memref<32x18x6x96xi32, #tpu.memory_space<hbm>> -> memref<1x1x6x96xi32, #tpu.memory_space<hbm>>
        %dma_start3A_337 = tpu.memref_squeeze %dma_start3A_336 : memref<1x1x6x96xi32, #tpu.memory_space<hbm>> -> memref<6x96xi32, #tpu.memory_space<hbm>>
        tpu.enqueue_dma source(%dma_start3A_337 : memref<6x96xi32, #tpu.memory_space<hbm>>) target(%arg8 : memref<6x96xi32, #tpu.memory_space<vmem>>) target_semaphore(%arg17 : memref<!tpu.dma_semaphore, #tpu.memory_space<semaphore_mem>>)
      } else {
      }
      %dma_wait3A_199 = arith.constant 0 : i32
      %dma_wait3A_200 = arith.constant 0 : i32
      %dma_wait3A_201 = tpu.memref_slice %arg7[%dma_wait3A_199, %dma_wait3A_200] : memref<6x96xi32, #tpu.memory_space<vmem>> -> memref<1x96xi32, #tpu.memory_space<vmem>>
      %dma_wait3A_202 = tpu.memref_squeeze %dma_wait3A_201 : memref<1x96xi32, #tpu.memory_space<vmem>> -> memref<96xi32, #tpu.memory_space<vmem>>
      %dma_wait3A_203 = arith.constant 0 : i32
      %dma_wait3A_204 = arith.constant 0 : i32
      %dma_wait3A_205 = tpu.memref_slice %arg2[%dma_wait3A_203, %dma_wait3A_204] : memref<10000x128xf32, #tpu.memory_space<hbm>> -> memref<10000x128xf32, #tpu.memory_space<hbm>>
      tpu.wait_indirect_dma semaphore(%arg14 : memref<!tpu.dma_semaphore, #tpu.memory_space<semaphore_mem>>) src(%dma_wait3A_205 : memref<10000x128xf32, #tpu.memory_space<hbm>>) dst(%arg10 : memref<96x128xf32, #tpu.memory_space<vmem>>)
      %run_scoped3A_206 = arith.constant 0 : i32
      "tpu.region"() ({
        %run_scoped3A_318 = tpu.sem_alloc : memref<!tpu.dma_semaphore, #tpu.memory_space<semaphore_mem>>
        %dma_start3A_319 = arith.constant 0 : i32
        %dma_start3A_320 = tpu.memref_slice %arg9[%run_scoped3A_206, %dma_start3A_319] : memref<6x96xi32, #tpu.memory_space<vmem>> -> memref<1x96xi32, #tpu.memory_space<vmem>>
        %dma_start3A_321 = tpu.memref_squeeze %dma_start3A_320 : memref<1x96xi32, #tpu.memory_space<vmem>> -> memref<96xi32, #tpu.memory_space<vmem>>
        %dma_start3A_322 = arith.constant 0 : i32
        %dma_start3A_323 = arith.constant 0 : i32
        %dma_start3A_324 = tpu.memref_slice %arg13[%dma_start3A_322, %dma_start3A_323] : memref<10240x128xf32, #tpu.memory_space<vmem_shared>> -> memref<10240x128xf32, #tpu.memory_space<vmem_shared>>
        tpu.enqueue_indirect_dma source(%arg10 : memref<96x128xf32, #tpu.memory_space<vmem>>) target(%dma_start3A_324 : memref<10240x128xf32, #tpu.memory_space<vmem_shared>>) offsets(%dma_start3A_321 : memref<96xi32, #tpu.memory_space<vmem>>) semaphore(%run_scoped3A_318 : memref<!tpu.dma_semaphore, #tpu.memory_space<semaphore_mem>>) {add = true}
        %dma_wait3A_325 = arith.constant 0 : i32
        %dma_wait3A_326 = tpu.memref_slice %arg9[%run_scoped3A_206, %dma_wait3A_325] : memref<6x96xi32, #tpu.memory_space<vmem>> -> memref<1x96xi32, #tpu.memory_space<vmem>>
        %dma_wait3A_327 = tpu.memref_squeeze %dma_wait3A_326 : memref<1x96xi32, #tpu.memory_space<vmem>> -> memref<96xi32, #tpu.memory_space<vmem>>
        %dma_wait3A_328 = arith.constant 0 : i32
        %dma_wait3A_329 = arith.constant 0 : i32
        %dma_wait3A_330 = tpu.memref_slice %arg13[%dma_wait3A_328, %dma_wait3A_329] : memref<10240x128xf32, #tpu.memory_space<vmem_shared>> -> memref<10240x128xf32, #tpu.memory_space<vmem_shared>>
        tpu.wait_indirect_dma semaphore(%run_scoped3A_318 : memref<!tpu.dma_semaphore, #tpu.memory_space<semaphore_mem>>) src(%arg10 : memref<96x128xf32, #tpu.memory_space<vmem>>) dst(%dma_wait3A_330 : memref<10240x128xf32, #tpu.memory_space<vmem_shared>>)
        tpu.yield
      }) : () -> ()
      %add3A_207 = arith.constant 3 : i32
      %add3A_208 = arith.addi %add3A_189, %add3A_207 : i32
      %lt3A_209 = arith.constant 108 : i32
      %lt3A_210 = arith.cmpi slt, %add3A_208, %lt3A_209 : i32
      %convert_element_type3A_211 = arith.extui %lt3A_210 : i1 to i32
      %cond3A_212 = arith.constant 0 : i32
      %cond3A_213 = arith.cmpi ne, %convert_element_type3A_211, %cond3A_212 : i32
      scf.if %cond3A_213 {
        %dma_start3A_318 = arith.constant 3 : i32
        %dma_start3A_319 = arith.constant 0 : i32
        %dma_start3A_320 = tpu.memref_slice %arg7[%dma_start3A_318, %dma_start3A_319] : memref<6x96xi32, #tpu.memory_space<vmem>> -> memref<1x96xi32, #tpu.memory_space<vmem>>
        %dma_start3A_321 = tpu.memref_squeeze %dma_start3A_320 : memref<1x96xi32, #tpu.memory_space<vmem>> -> memref<96xi32, #tpu.memory_space<vmem>>
        %dma_start3A_322 = arith.constant 0 : i32
        %dma_start3A_323 = arith.constant 0 : i32
        %dma_start3A_324 = tpu.memref_slice %arg2[%dma_start3A_322, %dma_start3A_323] : memref<10000x128xf32, #tpu.memory_space<hbm>> -> memref<10000x128xf32, #tpu.memory_space<hbm>>
        tpu.enqueue_indirect_dma source(%dma_start3A_324 : memref<10000x128xf32, #tpu.memory_space<hbm>>) target(%arg10 : memref<96x128xf32, #tpu.memory_space<vmem>>) offsets(%dma_start3A_321 : memref<96xi32, #tpu.memory_space<vmem>>) semaphore(%arg14 : memref<!tpu.dma_semaphore, #tpu.memory_space<semaphore_mem>>)
      } else {
      }
      %mul3A_214 = arith.constant 12 : i32
      %mul3A_215 = arith.muli %scan3A_57, %mul3A_214 : i32
      %add3A_216 = arith.constant 7 : i32
      %add3A_217 = arith.addi %mul3A_215, %add3A_216 : i32
      %dma_wait3A_218 = arith.constant 1 : i32
      %dma_wait3A_219 = arith.constant 0 : i32
      %dma_wait3A_220 = tpu.memref_slice %arg7[%dma_wait3A_218, %dma_wait3A_219] : memref<6x96xi32, #tpu.memory_space<vmem>> -> memref<1x96xi32, #tpu.memory_space<vmem>>
      %dma_wait3A_221 = tpu.memref_squeeze %dma_wait3A_220 : memref<1x96xi32, #tpu.memory_space<vmem>> -> memref<96xi32, #tpu.memory_space<vmem>>
      %dma_wait3A_222 = arith.constant 0 : i32
      %dma_wait3A_223 = arith.constant 0 : i32
      %dma_wait3A_224 = tpu.memref_slice %arg2[%dma_wait3A_222, %dma_wait3A_223] : memref<10000x128xf32, #tpu.memory_space<hbm>> -> memref<10000x128xf32, #tpu.memory_space<hbm>>
      tpu.wait_indirect_dma semaphore(%arg15 : memref<!tpu.dma_semaphore, #tpu.memory_space<semaphore_mem>>) src(%dma_wait3A_224 : memref<10000x128xf32, #tpu.memory_space<hbm>>) dst(%arg11 : memref<96x128xf32, #tpu.memory_space<vmem>>)
      %run_scoped3A_225 = arith.constant 1 : i32
      "tpu.region"() ({
        %run_scoped3A_318 = tpu.sem_alloc : memref<!tpu.dma_semaphore, #tpu.memory_space<semaphore_mem>>
        %dma_start3A_319 = arith.constant 0 : i32
        %dma_start3A_320 = tpu.memref_slice %arg9[%run_scoped3A_225, %dma_start3A_319] : memref<6x96xi32, #tpu.memory_space<vmem>> -> memref<1x96xi32, #tpu.memory_space<vmem>>
        %dma_start3A_321 = tpu.memref_squeeze %dma_start3A_320 : memref<1x96xi32, #tpu.memory_space<vmem>> -> memref<96xi32, #tpu.memory_space<vmem>>
        %dma_start3A_322 = arith.constant 0 : i32
        %dma_start3A_323 = arith.constant 0 : i32
        %dma_start3A_324 = tpu.memref_slice %arg13[%dma_start3A_322, %dma_start3A_323] : memref<10240x128xf32, #tpu.memory_space<vmem_shared>> -> memref<10240x128xf32, #tpu.memory_space<vmem_shared>>
        tpu.enqueue_indirect_dma source(%arg11 : memref<96x128xf32, #tpu.memory_space<vmem>>) target(%dma_start3A_324 : memref<10240x128xf32, #tpu.memory_space<vmem_shared>>) offsets(%dma_start3A_321 : memref<96xi32, #tpu.memory_space<vmem>>) semaphore(%run_scoped3A_318 : memref<!tpu.dma_semaphore, #tpu.memory_space<semaphore_mem>>) {add = true}
        %dma_wait3A_325 = arith.constant 0 : i32
        %dma_wait3A_326 = tpu.memref_slice %arg9[%run_scoped3A_225, %dma_wait3A_325] : memref<6x96xi32, #tpu.memory_space<vmem>> -> memref<1x96xi32, #tpu.memory_space<vmem>>
        %dma_wait3A_327 = tpu.memref_squeeze %dma_wait3A_326 : memref<1x96xi32, #tpu.memory_space<vmem>> -> memref<96xi32, #tpu.memory_space<vmem>>
        %dma_wait3A_328 = arith.constant 0 : i32
        %dma_wait3A_329 = arith.constant 0 : i32
        %dma_wait3A_330 = tpu.memref_slice %arg13[%dma_wait3A_328, %dma_wait3A_329] : memref<10240x128xf32, #tpu.memory_space<vmem_shared>> -> memref<10240x128xf32, #tpu.memory_space<vmem_shared>>
        tpu.wait_indirect_dma semaphore(%run_scoped3A_318 : memref<!tpu.dma_semaphore, #tpu.memory_space<semaphore_mem>>) src(%arg11 : memref<96x128xf32, #tpu.memory_space<vmem>>) dst(%dma_wait3A_330 : memref<10240x128xf32, #tpu.memory_space<vmem_shared>>)
        tpu.yield
      }) : () -> ()
      %add3A_226 = arith.constant 3 : i32
      %add3A_227 = arith.addi %add3A_217, %add3A_226 : i32
      %lt3A_228 = arith.constant 108 : i32
      %lt3A_229 = arith.cmpi slt, %add3A_227, %lt3A_228 : i32
      %convert_element_type3A_230 = arith.extui %lt3A_229 : i1 to i32
      %cond3A_231 = arith.constant 0 : i32
      %cond3A_232 = arith.cmpi ne, %convert_element_type3A_230, %cond3A_231 : i32
      scf.if %cond3A_232 {
        %dma_start3A_318 = arith.constant 4 : i32
        %dma_start3A_319 = arith.constant 0 : i32
        %dma_start3A_320 = tpu.memref_slice %arg7[%dma_start3A_318, %dma_start3A_319] : memref<6x96xi32, #tpu.memory_space<vmem>> -> memref<1x96xi32, #tpu.memory_space<vmem>>
        %dma_start3A_321 = tpu.memref_squeeze %dma_start3A_320 : memref<1x96xi32, #tpu.memory_space<vmem>> -> memref<96xi32, #tpu.memory_space<vmem>>
        %dma_start3A_322 = arith.constant 0 : i32
        %dma_start3A_323 = arith.constant 0 : i32
        %dma_start3A_324 = tpu.memref_slice %arg2[%dma_start3A_322, %dma_start3A_323] : memref<10000x128xf32, #tpu.memory_space<hbm>> -> memref<10000x128xf32, #tpu.memory_space<hbm>>
        tpu.enqueue_indirect_dma source(%dma_start3A_324 : memref<10000x128xf32, #tpu.memory_space<hbm>>) target(%arg11 : memref<96x128xf32, #tpu.memory_space<vmem>>) offsets(%dma_start3A_321 : memref<96xi32, #tpu.memory_space<vmem>>) semaphore(%arg15 : memref<!tpu.dma_semaphore, #tpu.memory_space<semaphore_mem>>)
      } else {
      }
      %mul3A_233 = arith.constant 12 : i32
      %mul3A_234 = arith.muli %scan3A_57, %mul3A_233 : i32
      %add3A_235 = arith.constant 8 : i32
      %add3A_236 = arith.addi %mul3A_234, %add3A_235 : i32
      %dma_wait3A_237 = arith.constant 2 : i32
      %dma_wait3A_238 = arith.constant 0 : i32
      %dma_wait3A_239 = tpu.memref_slice %arg7[%dma_wait3A_237, %dma_wait3A_238] : memref<6x96xi32, #tpu.memory_space<vmem>> -> memref<1x96xi32, #tpu.memory_space<vmem>>
      %dma_wait3A_240 = tpu.memref_squeeze %dma_wait3A_239 : memref<1x96xi32, #tpu.memory_space<vmem>> -> memref<96xi32, #tpu.memory_space<vmem>>
      %dma_wait3A_241 = arith.constant 0 : i32
      %dma_wait3A_242 = arith.constant 0 : i32
      %dma_wait3A_243 = tpu.memref_slice %arg2[%dma_wait3A_241, %dma_wait3A_242] : memref<10000x128xf32, #tpu.memory_space<hbm>> -> memref<10000x128xf32, #tpu.memory_space<hbm>>
      tpu.wait_indirect_dma semaphore(%arg16 : memref<!tpu.dma_semaphore, #tpu.memory_space<semaphore_mem>>) src(%dma_wait3A_243 : memref<10000x128xf32, #tpu.memory_space<hbm>>) dst(%arg12 : memref<96x128xf32, #tpu.memory_space<vmem>>)
      %run_scoped3A_244 = arith.constant 2 : i32
      "tpu.region"() ({
        %run_scoped3A_318 = tpu.sem_alloc : memref<!tpu.dma_semaphore, #tpu.memory_space<semaphore_mem>>
        %dma_start3A_319 = arith.constant 0 : i32
        %dma_start3A_320 = tpu.memref_slice %arg9[%run_scoped3A_244, %dma_start3A_319] : memref<6x96xi32, #tpu.memory_space<vmem>> -> memref<1x96xi32, #tpu.memory_space<vmem>>
        %dma_start3A_321 = tpu.memref_squeeze %dma_start3A_320 : memref<1x96xi32, #tpu.memory_space<vmem>> -> memref<96xi32, #tpu.memory_space<vmem>>
        %dma_start3A_322 = arith.constant 0 : i32
        %dma_start3A_323 = arith.constant 0 : i32
        %dma_start3A_324 = tpu.memref_slice %arg13[%dma_start3A_322, %dma_start3A_323] : memref<10240x128xf32, #tpu.memory_space<vmem_shared>> -> memref<10240x128xf32, #tpu.memory_space<vmem_shared>>
        tpu.enqueue_indirect_dma source(%arg12 : memref<96x128xf32, #tpu.memory_space<vmem>>) target(%dma_start3A_324 : memref<10240x128xf32, #tpu.memory_space<vmem_shared>>) offsets(%dma_start3A_321 : memref<96xi32, #tpu.memory_space<vmem>>) semaphore(%run_scoped3A_318 : memref<!tpu.dma_semaphore, #tpu.memory_space<semaphore_mem>>) {add = true}
        %dma_wait3A_325 = arith.constant 0 : i32
        %dma_wait3A_326 = tpu.memref_slice %arg9[%run_scoped3A_244, %dma_wait3A_325] : memref<6x96xi32, #tpu.memory_space<vmem>> -> memref<1x96xi32, #tpu.memory_space<vmem>>
        %dma_wait3A_327 = tpu.memref_squeeze %dma_wait3A_326 : memref<1x96xi32, #tpu.memory_space<vmem>> -> memref<96xi32, #tpu.memory_space<vmem>>
        %dma_wait3A_328 = arith.constant 0 : i32
        %dma_wait3A_329 = arith.constant 0 : i32
        %dma_wait3A_330 = tpu.memref_slice %arg13[%dma_wait3A_328, %dma_wait3A_329] : memref<10240x128xf32, #tpu.memory_space<vmem_shared>> -> memref<10240x128xf32, #tpu.memory_space<vmem_shared>>
        tpu.wait_indirect_dma semaphore(%run_scoped3A_318 : memref<!tpu.dma_semaphore, #tpu.memory_space<semaphore_mem>>) src(%arg12 : memref<96x128xf32, #tpu.memory_space<vmem>>) dst(%dma_wait3A_330 : memref<10240x128xf32, #tpu.memory_space<vmem_shared>>)
        tpu.yield
      }) : () -> ()
      %add3A_245 = arith.constant 3 : i32
      %add3A_246 = arith.addi %add3A_236, %add3A_245 : i32
      %lt3A_247 = arith.constant 108 : i32
      %lt3A_248 = arith.cmpi slt, %add3A_246, %lt3A_247 : i32
      %convert_element_type3A_249 = arith.extui %lt3A_248 : i1 to i32
      %cond3A_250 = arith.constant 0 : i32
      %cond3A_251 = arith.cmpi ne, %convert_element_type3A_249, %cond3A_250 : i32
      scf.if %cond3A_251 {
        %dma_start3A_318 = arith.constant 5 : i32
        %dma_start3A_319 = arith.constant 0 : i32
        %dma_start3A_320 = tpu.memref_slice %arg7[%dma_start3A_318, %dma_start3A_319] : memref<6x96xi32, #tpu.memory_space<vmem>> -> memref<1x96xi32, #tpu.memory_space<vmem>>
        %dma_start3A_321 = tpu.memref_squeeze %dma_start3A_320 : memref<1x96xi32, #tpu.memory_space<vmem>> -> memref<96xi32, #tpu.memory_space<vmem>>
        %dma_start3A_322 = arith.constant 0 : i32
        %dma_start3A_323 = arith.constant 0 : i32
        %dma_start3A_324 = tpu.memref_slice %arg2[%dma_start3A_322, %dma_start3A_323] : memref<10000x128xf32, #tpu.memory_space<hbm>> -> memref<10000x128xf32, #tpu.memory_space<hbm>>
        tpu.enqueue_indirect_dma source(%dma_start3A_324 : memref<10000x128xf32, #tpu.memory_space<hbm>>) target(%arg12 : memref<96x128xf32, #tpu.memory_space<vmem>>) offsets(%dma_start3A_321 : memref<96xi32, #tpu.memory_space<vmem>>) semaphore(%arg16 : memref<!tpu.dma_semaphore, #tpu.memory_space<semaphore_mem>>)
      } else {
      }
      %mul3A_252 = arith.constant 12 : i32
      %mul3A_253 = arith.muli %scan3A_57, %mul3A_252 : i32
      %add3A_254 = arith.constant 9 : i32
      %add3A_255 = arith.addi %mul3A_253, %add3A_254 : i32
      %mul3A_256 = arith.constant 2 : i32
      %mul3A_257 = arith.muli %mul3A_256, %scan3A_57 : i32
      %add3A_258 = arith.constant 2 : i32
      %add3A_259 = arith.addi %mul3A_257, %add3A_258 : i32
      %lt3A_260 = arith.constant 18 : i32
      %lt3A_261 = arith.cmpi slt, %add3A_259, %lt3A_260 : i32
      %convert_element_type3A_262 = arith.extui %lt3A_261 : i1 to i32
      %cond3A_263 = arith.constant 0 : i32
      %cond3A_264 = arith.cmpi ne, %convert_element_type3A_262, %cond3A_263 : i32
      scf.if %cond3A_264 {
        %dma_wait3A_318 = arith.constant 0 : i32
        %dma_wait3A_319 = arith.constant 0 : i32
        %dma_wait3A_320 = arith.constant 0 : i32
        %dma_wait3A_321 = tpu.memref_slice %arg3[%add3A, %dma_wait3A_318, %dma_wait3A_319, %dma_wait3A_320] : memref<32x18x6x96xi32, #tpu.memory_space<hbm>> -> memref<1x1x6x96xi32, #tpu.memory_space<hbm>>
        %dma_wait3A_322 = tpu.memref_squeeze %dma_wait3A_321 : memref<1x1x6x96xi32, #tpu.memory_space<hbm>> -> memref<6x96xi32, #tpu.memory_space<hbm>>
        %dma_wait3A_323 = arith.constant 0 : i32
        %dma_wait3A_324 = arith.constant 0 : i32
        %dma_wait3A_325 = tpu.memref_slice %arg3[%add3A, %dma_wait3A_318, %dma_wait3A_323, %dma_wait3A_324] : memref<32x18x6x96xi32, #tpu.memory_space<hbm>> -> memref<1x1x6x96xi32, #tpu.memory_space<hbm>>
        %dma_wait3A_326 = tpu.memref_squeeze %dma_wait3A_325 : memref<1x1x6x96xi32, #tpu.memory_space<hbm>> -> memref<6x96xi32, #tpu.memory_space<hbm>>
        tpu.wait_dma2 semaphore(%arg17 : memref<!tpu.dma_semaphore, #tpu.memory_space<semaphore_mem>>) src(%dma_wait3A_326 : memref<6x96xi32, #tpu.memory_space<hbm>>) dst(%arg6 : memref<6x96xi32, #tpu.memory_space<vmem>>)
        %dma_wait3A_327 = arith.constant 0 : i32
        %dma_wait3A_328 = arith.constant 0 : i32
        %dma_wait3A_329 = arith.constant 0 : i32
        %dma_wait3A_330 = tpu.memref_slice %arg4[%add3A, %dma_wait3A_327, %dma_wait3A_328, %dma_wait3A_329] : memref<32x18x6x96xi32, #tpu.memory_space<hbm>> -> memref<1x1x6x96xi32, #tpu.memory_space<hbm>>
        %dma_wait3A_331 = tpu.memref_squeeze %dma_wait3A_330 : memref<1x1x6x96xi32, #tpu.memory_space<hbm>> -> memref<6x96xi32, #tpu.memory_space<hbm>>
        %dma_wait3A_332 = arith.constant 0 : i32
        %dma_wait3A_333 = arith.constant 0 : i32
        %dma_wait3A_334 = tpu.memref_slice %arg4[%add3A, %dma_wait3A_327, %dma_wait3A_332, %dma_wait3A_333] : memref<32x18x6x96xi32, #tpu.memory_space<hbm>> -> memref<1x1x6x96xi32, #tpu.memory_space<hbm>>
        %dma_wait3A_335 = tpu.memref_squeeze %dma_wait3A_334 : memref<1x1x6x96xi32, #tpu.memory_space<hbm>> -> memref<6x96xi32, #tpu.memory_space<hbm>>
        tpu.wait_dma2 semaphore(%arg17 : memref<!tpu.dma_semaphore, #tpu.memory_space<semaphore_mem>>) src(%dma_wait3A_335 : memref<6x96xi32, #tpu.memory_space<hbm>>) dst(%arg8 : memref<6x96xi32, #tpu.memory_space<vmem>>)
      } else {
      }
      %dma_wait3A_265 = arith.constant 3 : i32
      %dma_wait3A_266 = arith.constant 0 : i32
      %dma_wait3A_267 = tpu.memref_slice %arg7[%dma_wait3A_265, %dma_wait3A_266] : memref<6x96xi32, #tpu.memory_space<vmem>> -> memref<1x96xi32, #tpu.memory_space<vmem>>
      %dma_wait3A_268 = tpu.memref_squeeze %dma_wait3A_267 : memref<1x96xi32, #tpu.memory_space<vmem>> -> memref<96xi32, #tpu.memory_space<vmem>>
      %dma_wait3A_269 = arith.constant 0 : i32
      %dma_wait3A_270 = arith.constant 0 : i32
      %dma_wait3A_271 = tpu.memref_slice %arg2[%dma_wait3A_269, %dma_wait3A_270] : memref<10000x128xf32, #tpu.memory_space<hbm>> -> memref<10000x128xf32, #tpu.memory_space<hbm>>
      tpu.wait_indirect_dma semaphore(%arg14 : memref<!tpu.dma_semaphore, #tpu.memory_space<semaphore_mem>>) src(%dma_wait3A_271 : memref<10000x128xf32, #tpu.memory_space<hbm>>) dst(%arg10 : memref<96x128xf32, #tpu.memory_space<vmem>>)
      %run_scoped3A_272 = arith.constant 3 : i32
      "tpu.region"() ({
        %run_scoped3A_318 = tpu.sem_alloc : memref<!tpu.dma_semaphore, #tpu.memory_space<semaphore_mem>>
        %dma_start3A_319 = arith.constant 0 : i32
        %dma_start3A_320 = tpu.memref_slice %arg9[%run_scoped3A_272, %dma_start3A_319] : memref<6x96xi32, #tpu.memory_space<vmem>> -> memref<1x96xi32, #tpu.memory_space<vmem>>
        %dma_start3A_321 = tpu.memref_squeeze %dma_start3A_320 : memref<1x96xi32, #tpu.memory_space<vmem>> -> memref<96xi32, #tpu.memory_space<vmem>>
        %dma_start3A_322 = arith.constant 0 : i32
        %dma_start3A_323 = arith.constant 0 : i32
        %dma_start3A_324 = tpu.memref_slice %arg13[%dma_start3A_322, %dma_start3A_323] : memref<10240x128xf32, #tpu.memory_space<vmem_shared>> -> memref<10240x128xf32, #tpu.memory_space<vmem_shared>>
        tpu.enqueue_indirect_dma source(%arg10 : memref<96x128xf32, #tpu.memory_space<vmem>>) target(%dma_start3A_324 : memref<10240x128xf32, #tpu.memory_space<vmem_shared>>) offsets(%dma_start3A_321 : memref<96xi32, #tpu.memory_space<vmem>>) semaphore(%run_scoped3A_318 : memref<!tpu.dma_semaphore, #tpu.memory_space<semaphore_mem>>) {add = true}
        %dma_wait3A_325 = arith.constant 0 : i32
        %dma_wait3A_326 = tpu.memref_slice %arg9[%run_scoped3A_272, %dma_wait3A_325] : memref<6x96xi32, #tpu.memory_space<vmem>> -> memref<1x96xi32, #tpu.memory_space<vmem>>
        %dma_wait3A_327 = tpu.memref_squeeze %dma_wait3A_326 : memref<1x96xi32, #tpu.memory_space<vmem>> -> memref<96xi32, #tpu.memory_space<vmem>>
        %dma_wait3A_328 = arith.constant 0 : i32
        %dma_wait3A_329 = arith.constant 0 : i32
        %dma_wait3A_330 = tpu.memref_slice %arg13[%dma_wait3A_328, %dma_wait3A_329] : memref<10240x128xf32, #tpu.memory_space<vmem_shared>> -> memref<10240x128xf32, #tpu.memory_space<vmem_shared>>
        tpu.wait_indirect_dma semaphore(%run_scoped3A_318 : memref<!tpu.dma_semaphore, #tpu.memory_space<semaphore_mem>>) src(%arg10 : memref<96x128xf32, #tpu.memory_space<vmem>>) dst(%dma_wait3A_330 : memref<10240x128xf32, #tpu.memory_space<vmem_shared>>)
        tpu.yield
      }) : () -> ()
      %add3A_273 = arith.constant 3 : i32
      %add3A_274 = arith.addi %add3A_255, %add3A_273 : i32
      %lt3A_275 = arith.constant 108 : i32
      %lt3A_276 = arith.cmpi slt, %add3A_274, %lt3A_275 : i32
      %convert_element_type3A_277 = arith.extui %lt3A_276 : i1 to i32
      %cond3A_278 = arith.constant 0 : i32
      %cond3A_279 = arith.cmpi ne, %convert_element_type3A_277, %cond3A_278 : i32
      scf.if %cond3A_279 {
        %dma_start3A_318 = arith.constant 0 : i32
        %dma_start3A_319 = arith.constant 0 : i32
        %dma_start3A_320 = tpu.memref_slice %arg6[%dma_start3A_318, %dma_start3A_319] : memref<6x96xi32, #tpu.memory_space<vmem>> -> memref<1x96xi32, #tpu.memory_space<vmem>>
        %dma_start3A_321 = tpu.memref_squeeze %dma_start3A_320 : memref<1x96xi32, #tpu.memory_space<vmem>> -> memref<96xi32, #tpu.memory_space<vmem>>
        %dma_start3A_322 = arith.constant 0 : i32
        %dma_start3A_323 = arith.constant 0 : i32
        %dma_start3A_324 = tpu.memref_slice %arg2[%dma_start3A_322, %dma_start3A_323] : memref<10000x128xf32, #tpu.memory_space<hbm>> -> memref<10000x128xf32, #tpu.memory_space<hbm>>
        tpu.enqueue_indirect_dma source(%dma_start3A_324 : memref<10000x128xf32, #tpu.memory_space<hbm>>) target(%arg10 : memref<96x128xf32, #tpu.memory_space<vmem>>) offsets(%dma_start3A_321 : memref<96xi32, #tpu.memory_space<vmem>>) semaphore(%arg14 : memref<!tpu.dma_semaphore, #tpu.memory_space<semaphore_mem>>)
      } else {
      }
      %mul3A_280 = arith.constant 12 : i32
      %mul3A_281 = arith.muli %scan3A_57, %mul3A_280 : i32
      %add3A_282 = arith.constant 10 : i32
      %add3A_283 = arith.addi %mul3A_281, %add3A_282 : i32
      %dma_wait3A_284 = arith.constant 4 : i32
      %dma_wait3A_285 = arith.constant 0 : i32
      %dma_wait3A_286 = tpu.memref_slice %arg7[%dma_wait3A_284, %dma_wait3A_285] : memref<6x96xi32, #tpu.memory_space<vmem>> -> memref<1x96xi32, #tpu.memory_space<vmem>>
      %dma_wait3A_287 = tpu.memref_squeeze %dma_wait3A_286 : memref<1x96xi32, #tpu.memory_space<vmem>> -> memref<96xi32, #tpu.memory_space<vmem>>
      %dma_wait3A_288 = arith.constant 0 : i32
      %dma_wait3A_289 = arith.constant 0 : i32
      %dma_wait3A_290 = tpu.memref_slice %arg2[%dma_wait3A_288, %dma_wait3A_289] : memref<10000x128xf32, #tpu.memory_space<hbm>> -> memref<10000x128xf32, #tpu.memory_space<hbm>>
      tpu.wait_indirect_dma semaphore(%arg15 : memref<!tpu.dma_semaphore, #tpu.memory_space<semaphore_mem>>) src(%dma_wait3A_290 : memref<10000x128xf32, #tpu.memory_space<hbm>>) dst(%arg11 : memref<96x128xf32, #tpu.memory_space<vmem>>)
      %run_scoped3A_291 = arith.constant 4 : i32
      "tpu.region"() ({
        %run_scoped3A_318 = tpu.sem_alloc : memref<!tpu.dma_semaphore, #tpu.memory_space<semaphore_mem>>
        %dma_start3A_319 = arith.constant 0 : i32
        %dma_start3A_320 = tpu.memref_slice %arg9[%run_scoped3A_291, %dma_start3A_319] : memref<6x96xi32, #tpu.memory_space<vmem>> -> memref<1x96xi32, #tpu.memory_space<vmem>>
        %dma_start3A_321 = tpu.memref_squeeze %dma_start3A_320 : memref<1x96xi32, #tpu.memory_space<vmem>> -> memref<96xi32, #tpu.memory_space<vmem>>
        %dma_start3A_322 = arith.constant 0 : i32
        %dma_start3A_323 = arith.constant 0 : i32
        %dma_start3A_324 = tpu.memref_slice %arg13[%dma_start3A_322, %dma_start3A_323] : memref<10240x128xf32, #tpu.memory_space<vmem_shared>> -> memref<10240x128xf32, #tpu.memory_space<vmem_shared>>
        tpu.enqueue_indirect_dma source(%arg11 : memref<96x128xf32, #tpu.memory_space<vmem>>) target(%dma_start3A_324 : memref<10240x128xf32, #tpu.memory_space<vmem_shared>>) offsets(%dma_start3A_321 : memref<96xi32, #tpu.memory_space<vmem>>) semaphore(%run_scoped3A_318 : memref<!tpu.dma_semaphore, #tpu.memory_space<semaphore_mem>>) {add = true}
        %dma_wait3A_325 = arith.constant 0 : i32
        %dma_wait3A_326 = tpu.memref_slice %arg9[%run_scoped3A_291, %dma_wait3A_325] : memref<6x96xi32, #tpu.memory_space<vmem>> -> memref<1x96xi32, #tpu.memory_space<vmem>>
        %dma_wait3A_327 = tpu.memref_squeeze %dma_wait3A_326 : memref<1x96xi32, #tpu.memory_space<vmem>> -> memref<96xi32, #tpu.memory_space<vmem>>
        %dma_wait3A_328 = arith.constant 0 : i32
        %dma_wait3A_329 = arith.constant 0 : i32
        %dma_wait3A_330 = tpu.memref_slice %arg13[%dma_wait3A_328, %dma_wait3A_329] : memref<10240x128xf32, #tpu.memory_space<vmem_shared>> -> memref<10240x128xf32, #tpu.memory_space<vmem_shared>>
        tpu.wait_indirect_dma semaphore(%run_scoped3A_318 : memref<!tpu.dma_semaphore, #tpu.memory_space<semaphore_mem>>) src(%arg11 : memref<96x128xf32, #tpu.memory_space<vmem>>) dst(%dma_wait3A_330 : memref<10240x128xf32, #tpu.memory_space<vmem_shared>>)
        tpu.yield
      }) : () -> ()
      %add3A_292 = arith.constant 3 : i32
      %add3A_293 = arith.addi %add3A_283, %add3A_292 : i32
      %lt3A_294 = arith.constant 108 : i32
      %lt3A_295 = arith.cmpi slt, %add3A_293, %lt3A_294 : i32
      %convert_element_type3A_296 = arith.extui %lt3A_295 : i1 to i32
      %cond3A_297 = arith.constant 0 : i32
      %cond3A_298 = arith.cmpi ne, %convert_element_type3A_296, %cond3A_297 : i32
      scf.if %cond3A_298 {
        %dma_start3A_318 = arith.constant 1 : i32
        %dma_start3A_319 = arith.constant 0 : i32
        %dma_start3A_320 = tpu.memref_slice %arg6[%dma_start3A_318, %dma_start3A_319] : memref<6x96xi32, #tpu.memory_space<vmem>> -> memref<1x96xi32, #tpu.memory_space<vmem>>
        %dma_start3A_321 = tpu.memref_squeeze %dma_start3A_320 : memref<1x96xi32, #tpu.memory_space<vmem>> -> memref<96xi32, #tpu.memory_space<vmem>>
        %dma_start3A_322 = arith.constant 0 : i32
        %dma_start3A_323 = arith.constant 0 : i32
        %dma_start3A_324 = tpu.memref_slice %arg2[%dma_start3A_322, %dma_start3A_323] : memref<10000x128xf32, #tpu.memory_space<hbm>> -> memref<10000x128xf32, #tpu.memory_space<hbm>>
        tpu.enqueue_indirect_dma source(%dma_start3A_324 : memref<10000x128xf32, #tpu.memory_space<hbm>>) target(%arg11 : memref<96x128xf32, #tpu.memory_space<vmem>>) offsets(%dma_start3A_321 : memref<96xi32, #tpu.memory_space<vmem>>) semaphore(%arg15 : memref<!tpu.dma_semaphore, #tpu.memory_space<semaphore_mem>>)
      } else {
      }
      %mul3A_299 = arith.constant 12 : i32
      %mul3A_300 = arith.muli %scan3A_57, %mul3A_299 : i32
      %add3A_301 = arith.constant 11 : i32
      %add3A_302 = arith.addi %mul3A_300, %add3A_301 : i32
      %dma_wait3A_303 = arith.constant 5 : i32
      %dma_wait3A_304 = arith.constant 0 : i32
      %dma_wait3A_305 = tpu.memref_slice %arg7[%dma_wait3A_303, %dma_wait3A_304] : memref<6x96xi32, #tpu.memory_space<vmem>> -> memref<1x96xi32, #tpu.memory_space<vmem>>
      %dma_wait3A_306 = tpu.memref_squeeze %dma_wait3A_305 : memref<1x96xi32, #tpu.memory_space<vmem>> -> memref<96xi32, #tpu.memory_space<vmem>>
      %dma_wait3A_307 = arith.constant 0 : i32
      %dma_wait3A_308 = arith.constant 0 : i32
      %dma_wait3A_309 = tpu.memref_slice %arg2[%dma_wait3A_307, %dma_wait3A_308] : memref<10000x128xf32, #tpu.memory_space<hbm>> -> memref<10000x128xf32, #tpu.memory_space<hbm>>
      tpu.wait_indirect_dma semaphore(%arg16 : memref<!tpu.dma_semaphore, #tpu.memory_space<semaphore_mem>>) src(%dma_wait3A_309 : memref<10000x128xf32, #tpu.memory_space<hbm>>) dst(%arg12 : memref<96x128xf32, #tpu.memory_space<vmem>>)
      %run_scoped3A_310 = arith.constant 5 : i32
      "tpu.region"() ({
        %run_scoped3A_318 = tpu.sem_alloc : memref<!tpu.dma_semaphore, #tpu.memory_space<semaphore_mem>>
        %dma_start3A_319 = arith.constant 0 : i32
        %dma_start3A_320 = tpu.memref_slice %arg9[%run_scoped3A_310, %dma_start3A_319] : memref<6x96xi32, #tpu.memory_space<vmem>> -> memref<1x96xi32, #tpu.memory_space<vmem>>
        %dma_start3A_321 = tpu.memref_squeeze %dma_start3A_320 : memref<1x96xi32, #tpu.memory_space<vmem>> -> memref<96xi32, #tpu.memory_space<vmem>>
        %dma_start3A_322 = arith.constant 0 : i32
        %dma_start3A_323 = arith.constant 0 : i32
        %dma_start3A_324 = tpu.memref_slice %arg13[%dma_start3A_322, %dma_start3A_323] : memref<10240x128xf32, #tpu.memory_space<vmem_shared>> -> memref<10240x128xf32, #tpu.memory_space<vmem_shared>>
        tpu.enqueue_indirect_dma source(%arg12 : memref<96x128xf32, #tpu.memory_space<vmem>>) target(%dma_start3A_324 : memref<10240x128xf32, #tpu.memory_space<vmem_shared>>) offsets(%dma_start3A_321 : memref<96xi32, #tpu.memory_space<vmem>>) semaphore(%run_scoped3A_318 : memref<!tpu.dma_semaphore, #tpu.memory_space<semaphore_mem>>) {add = true}
        %dma_wait3A_325 = arith.constant 0 : i32
        %dma_wait3A_326 = tpu.memref_slice %arg9[%run_scoped3A_310, %dma_wait3A_325] : memref<6x96xi32, #tpu.memory_space<vmem>> -> memref<1x96xi32, #tpu.memory_space<vmem>>
        %dma_wait3A_327 = tpu.memref_squeeze %dma_wait3A_326 : memref<1x96xi32, #tpu.memory_space<vmem>> -> memref<96xi32, #tpu.memory_space<vmem>>
        %dma_wait3A_328 = arith.constant 0 : i32
        %dma_wait3A_329 = arith.constant 0 : i32
        %dma_wait3A_330 = tpu.memref_slice %arg13[%dma_wait3A_328, %dma_wait3A_329] : memref<10240x128xf32, #tpu.memory_space<vmem_shared>> -> memref<10240x128xf32, #tpu.memory_space<vmem_shared>>
        tpu.wait_indirect_dma semaphore(%run_scoped3A_318 : memref<!tpu.dma_semaphore, #tpu.memory_space<semaphore_mem>>) src(%arg12 : memref<96x128xf32, #tpu.memory_space<vmem>>) dst(%dma_wait3A_330 : memref<10240x128xf32, #tpu.memory_space<vmem_shared>>)
        tpu.yield
      }) : () -> ()
      %add3A_311 = arith.constant 3 : i32
      %add3A_312 = arith.addi %add3A_302, %add3A_311 : i32
      %lt3A_313 = arith.constant 108 : i32
      %lt3A_314 = arith.cmpi slt, %add3A_312, %lt3A_313 : i32
      %convert_element_type3A_315 = arith.extui %lt3A_314 : i1 to i32
      %cond3A_316 = arith.constant 0 : i32
      %cond3A_317 = arith.cmpi ne, %convert_element_type3A_315, %cond3A_316 : i32
      scf.if %cond3A_317 {
        %dma_start3A_318 = arith.constant 2 : i32
        %dma_start3A_319 = arith.constant 0 : i32
        %dma_start3A_320 = tpu.memref_slice %arg6[%dma_start3A_318, %dma_start3A_319] : memref<6x96xi32, #tpu.memory_space<vmem>> -> memref<1x96xi32, #tpu.memory_space<vmem>>
        %dma_start3A_321 = tpu.memref_squeeze %dma_start3A_320 : memref<1x96xi32, #tpu.memory_space<vmem>> -> memref<96xi32, #tpu.memory_space<vmem>>
        %dma_start3A_322 = arith.constant 0 : i32
        %dma_start3A_323 = arith.constant 0 : i32
        %dma_start3A_324 = tpu.memref_slice %arg2[%dma_start3A_322, %dma_start3A_323] : memref<10000x128xf32, #tpu.memory_space<hbm>> -> memref<10000x128xf32, #tpu.memory_space<hbm>>
        tpu.enqueue_indirect_dma source(%dma_start3A_324 : memref<10000x128xf32, #tpu.memory_space<hbm>>) target(%arg12 : memref<96x128xf32, #tpu.memory_space<vmem>>) offsets(%dma_start3A_321 : memref<96xi32, #tpu.memory_space<vmem>>) semaphore(%arg16 : memref<!tpu.dma_semaphore, #tpu.memory_space<semaphore_mem>>)
      } else {
      }
    }
    %scan3A_55 = arith.constant 9 : i32
    %barrier3A_56 = arith.constant 0 : index
    tpu.barrier barrier_id(%barrier3A_56)
    "tpu.region"() ({
      %run_scoped3A_57 = tpu.sem_alloc : memref<!tpu.dma_semaphore, #tpu.memory_space<semaphore_mem>>
      %dma_start3A_58 = arith.constant 0 : i32
      %dma_start3A_59 = tpu.memref_slice %arg5[%arg0, %mul3A_8, %dma_start3A_58] : memref<2x10240x128xf32, #tpu.memory_space<hbm>> -> memref<1x640x128xf32, #tpu.memory_space<hbm>>
      %dma_start3A_60 = tpu.memref_squeeze %dma_start3A_59 : memref<1x640x128xf32, #tpu.memory_space<hbm>> -> memref<640x128xf32, #tpu.memory_space<hbm>>
      %dma_start3A_61 = arith.constant 0 : i32
      %dma_start3A_62 = tpu.memref_slice %arg13[%mul3A_8, %dma_start3A_61] : memref<10240x128xf32, #tpu.memory_space<vmem_shared>> -> memref<640x128xf32, #tpu.memory_space<vmem_shared>>
      tpu.enqueue_dma source(%dma_start3A_62 : memref<640x128xf32, #tpu.memory_space<vmem_shared>>) target(%dma_start3A_60 : memref<640x128xf32, #tpu.memory_space<hbm>>) target_semaphore(%run_scoped3A_57 : memref<!tpu.dma_semaphore, #tpu.memory_space<semaphore_mem>>)
      %dma_wait3A = arith.constant 0 : i32
      %dma_wait3A_63 = tpu.memref_slice %arg5[%arg0, %mul3A_8, %dma_wait3A] : memref<2x10240x128xf32, #tpu.memory_space<hbm>> -> memref<1x640x128xf32, #tpu.memory_space<hbm>>
      %dma_wait3A_64 = tpu.memref_squeeze %dma_wait3A_63 : memref<1x640x128xf32, #tpu.memory_space<hbm>> -> memref<640x128xf32, #tpu.memory_space<hbm>>
      %dma_wait3A_65 = arith.constant 0 : i32
      %dma_wait3A_66 = tpu.memref_slice %arg13[%mul3A_8, %dma_wait3A_65] : memref<10240x128xf32, #tpu.memory_space<vmem_shared>> -> memref<640x128xf32, #tpu.memory_space<vmem_shared>>
      tpu.wait_dma2 semaphore(%run_scoped3A_57 : memref<!tpu.dma_semaphore, #tpu.memory_space<semaphore_mem>>) src(%dma_wait3A_66 : memref<640x128xf32, #tpu.memory_space<vmem_shared>>) dst(%dma_wait3A_64 : memref<640x128xf32, #tpu.memory_space<hbm>>)
      tpu.yield
    }) : () -> ()
    return
  }
}

module attributes {stable_mosaic.version = 14 : i64} {
  func.func @_pre_body(%arg0: i32, %arg1: memref<1000x128xf32, #tpu.memory_space<vmem>>, %arg2: memref<128x128xf32, #tpu.memory_space<vmem>>, %arg3: memref<1x128xf32, #tpu.memory_space<vmem>>, %arg4: memref<1000x1xf32, #tpu.memory_space<vmem>>, %arg5: memref<1000x1xf32, #tpu.memory_space<vmem>>, %arg6: memref<1000x128xf32, #tpu.memory_space<vmem>>, %arg7: memref<1000x128xf32, #tpu.memory_space<vmem>>, %arg8: memref<1000x1xf32, #tpu.memory_space<vmem>>) attributes {dimension_semantics = [#tpu.dimension_semantics<arbitrary>], iteration_bounds = array<i64: 10>, scalar_prefetch = 0 : i64, scratch_operands = 0 : i64, tpu.core_type = #tpu.core_type<tc>, window_params = [{transform_indices = @transform_0, window_bounds = array<i64: 1000, 128>}, {pipeline_mode = #tpu.pipeline_mode<synchronous>, transform_indices = @transform_1, window_bounds = array<i64: 128, 128>}, {pipeline_mode = #tpu.pipeline_mode<synchronous>, transform_indices = @transform_2, window_bounds = array<i64: 1, 128>}, {transform_indices = @transform_3, window_bounds = array<i64: 1000, 1>}, {transform_indices = @transform_4, window_bounds = array<i64: 1000, 1>}, {transform_indices = @transform_5, window_bounds = array<i64: 1000, 128>}, {transform_indices = @transform_6, window_bounds = array<i64: 1000, 128>}, {transform_indices = @transform_7, window_bounds = array<i64: 1000, 1>}]} {
    %get3A = arith.constant 0 : index
    %get3A_0 = arith.constant 0 : index
    %get3A_1 = vector.load %arg4[%get3A, %get3A_0] : memref<1000x1xf32, #tpu.memory_space<vmem>>, vector<1000x1xf32>
    %get3A_2 = arith.constant 0 : index
    %get3A_3 = arith.constant 0 : index
    %get3A_4 = vector.load %arg5[%get3A_2, %get3A_3] : memref<1000x1xf32, #tpu.memory_space<vmem>>, vector<1000x1xf32>
    %add3A = arith.addf %get3A_1, %get3A_4 : vector<1000x1xf32>
    %add3A_5 = arith.constant 1.000000e+00 : f32
    %add3A_6 = vector.broadcast %add3A_5 : f32 to vector<1000x1xf32>
    %add3A_7 = arith.addf %add3A, %add3A_6 : vector<1000x1xf32>
    %rsqrt3A = math.rsqrt %add3A_7 : vector<1000x1xf32>
    %get3A_8 = arith.constant 0 : index
    %get3A_9 = arith.constant 0 : index
    %get3A_10 = vector.load %arg1[%get3A_8, %get3A_9] : memref<1000x128xf32, #tpu.memory_space<vmem>>, vector<1000x128xf32>
    %get3A_11 = arith.constant 0 : index
    %get3A_12 = arith.constant 0 : index
    %get3A_13 = vector.load %arg2[%get3A_11, %get3A_12] : memref<128x128xf32, #tpu.memory_space<vmem>>, vector<128x128xf32>
    %transpose3A = tpu.transpose %get3A_13, [1, 0] : vector<128x128xf32> -> vector<128x128xf32>
    %dot_general3A = arith.constant dense<0.000000e+00> : vector<1000x128xf32>
    %dot_general3A_14 = tpu.matmul %get3A_10, %transpose3A, %dot_general3A {dimension_numbers = #tpu.dot_dimension_numbers<[1], [0], [0], [1], [0, 0, 1, 1], [], []>, transpose_lhs_hint = false} : vector<1000x128xf32>, vector<128x128xf32>, vector<1000x128xf32> -> vector<1000x128xf32>
    %get3A_15 = arith.constant 0 : index
    %get3A_16 = arith.constant 0 : index
    %get3A_17 = vector.load %arg3[%get3A_15, %get3A_16] : memref<1x128xf32, #tpu.memory_space<vmem>>, vector<1x128xf32>
    %add3A_18 = vector.broadcast %get3A_17 : vector<1x128xf32> to vector<1000x128xf32>
    %add3A_19 = arith.addf %dot_general3A_14, %add3A_18 : vector<1000x128xf32>
    %max3A = arith.constant 0.000000e+00 : f32
    %max3A_20 = vector.broadcast %max3A : f32 to vector<1000x128xf32>
    %max3A_21 = arith.maximumf %add3A_19, %max3A_20 : vector<1000x128xf32>
    %swap3A = arith.constant 0 : index
    %swap3A_22 = arith.constant 0 : index
    %swap3A_23 = vector.load %arg6[%swap3A, %swap3A_22] : memref<1000x128xf32, #tpu.memory_space<vmem>>, vector<1000x128xf32>
    tpu.vector_store %arg6[%swap3A, %swap3A_22], %max3A_21 {strides = array<i32>} : memref<1000x128xf32, #tpu.memory_space<vmem>>, vector<1000x128xf32>,
    %mul3A = vector.broadcast %rsqrt3A : vector<1000x1xf32> to vector<1000x128xf32>
    %mul3A_24 = arith.mulf %mul3A, %max3A_21 : vector<1000x128xf32>
    %swap3A_25 = arith.constant 0 : index
    %swap3A_26 = arith.constant 0 : index
    %swap3A_27 = vector.load %arg7[%swap3A_25, %swap3A_26] : memref<1000x128xf32, #tpu.memory_space<vmem>>, vector<1000x128xf32>
    tpu.vector_store %arg7[%swap3A_25, %swap3A_26], %mul3A_24 {strides = array<i32>} : memref<1000x128xf32, #tpu.memory_space<vmem>>, vector<1000x128xf32>,
    %swap3A_28 = arith.constant 0 : index
    %swap3A_29 = arith.constant 0 : index
    %swap3A_30 = vector.load %arg8[%swap3A_28, %swap3A_29] : memref<1000x1xf32, #tpu.memory_space<vmem>>, vector<1000x1xf32>
    tpu.vector_store %arg8[%swap3A_28, %swap3A_29], %rsqrt3A {strides = array<i32>} : memref<1000x1xf32, #tpu.memory_space<vmem>>, vector<1000x1xf32>,
    return
  }
  func.func @transform_0(%arg0: i32) -> (i32, i32) {
    %c0_i32 = arith.constant 0 : i32
    %c0_i32_0 = arith.constant 0 : i32
    return %arg0, %c0_i32 : i32, i32
  }
  func.func @transform_1(%arg0: i32) -> (i32, i32) {
    %c0_i32 = arith.constant 0 : i32
    %c0_i32_0 = arith.constant 0 : i32
    %c0_i32_1 = arith.constant 0 : i32
    return %c0_i32, %c0_i32_0 : i32, i32
  }
  func.func @transform_2(%arg0: i32) -> (i32, i32) {
    %c0_i32 = arith.constant 0 : i32
    %c0_i32_0 = arith.constant 0 : i32
    %c0_i32_1 = arith.constant 0 : i32
    return %c0_i32, %c0_i32_0 : i32, i32
  }
  func.func @transform_3(%arg0: i32) -> (i32, i32) {
    %c0_i32 = arith.constant 0 : i32
    %c0_i32_0 = arith.constant 0 : i32
    return %arg0, %c0_i32 : i32, i32
  }
  func.func @transform_4(%arg0: i32) -> (i32, i32) {
    %c0_i32 = arith.constant 0 : i32
    %c0_i32_0 = arith.constant 0 : i32
    return %arg0, %c0_i32 : i32, i32
  }
  func.func @transform_5(%arg0: i32) -> (i32, i32) {
    %c0_i32 = arith.constant 0 : i32
    %c0_i32_0 = arith.constant 0 : i32
    return %arg0, %c0_i32 : i32, i32
  }
  func.func @transform_6(%arg0: i32) -> (i32, i32) {
    %c0_i32 = arith.constant 0 : i32
    %c0_i32_0 = arith.constant 0 : i32
    return %arg0, %c0_i32 : i32, i32
  }
  func.func @transform_7(%arg0: i32) -> (i32, i32) {
    %c0_i32 = arith.constant 0 : i32
    %c0_i32_0 = arith.constant 0 : i32
    return %arg0, %c0_i32 : i32, i32
  }
}

module attributes {stable_mosaic.version = 14 : i64} {
  func.func @_layer_body(%arg0: i32, %arg1: memref<2x1000x128xf32, #tpu.memory_space<vmem>>, %arg2: memref<1000x128xf32, #tpu.memory_space<vmem>>, %arg3: memref<1000x128xf32, #tpu.memory_space<vmem>>, %arg4: memref<1000x1xf32, #tpu.memory_space<vmem>>, %arg5: memref<128x128xf32, #tpu.memory_space<vmem>>, %arg6: memref<1x1xf32, #tpu.memory_space<vmem>>, %arg7: memref<1000x128xf32, #tpu.memory_space<vmem>>, %arg8: memref<1000x128xf32, #tpu.memory_space<vmem>>) attributes {dimension_semantics = [#tpu.dimension_semantics<arbitrary>], iteration_bounds = array<i64: 10>, scalar_prefetch = 0 : i64, scratch_operands = 0 : i64, tpu.core_type = #tpu.core_type<tc>, window_params = [{transform_indices = @transform_0, window_bounds = array<i64: 2, 1000, 128>}, {transform_indices = @transform_1, window_bounds = array<i64: 1000, 128>}, {transform_indices = @transform_2, window_bounds = array<i64: 1000, 128>}, {transform_indices = @transform_3, window_bounds = array<i64: 1000, 1>}, {pipeline_mode = #tpu.pipeline_mode<synchronous>, transform_indices = @transform_4, window_bounds = array<i64: 128, 128>}, {pipeline_mode = #tpu.pipeline_mode<synchronous>, transform_indices = @transform_5, window_bounds = array<i64: 1, 1>}, {transform_indices = @transform_6, window_bounds = array<i64: 1000, 128>}, {transform_indices = @transform_7, window_bounds = array<i64: 1000, 128>}]} {
    %get3A = arith.constant 0 : index
    %get3A_0 = arith.constant 0 : index
    %get3A_1 = vector.load %arg4[%get3A, %get3A_0] : memref<1000x1xf32, #tpu.memory_space<vmem>>, vector<1000x1xf32>
    %get3A_2 = arith.constant 0 : index
    %get3A_3 = arith.constant 0 : index
    %get3A_4 = arith.constant 0 : index
    %get3A_5 = vector.load %arg1[%get3A_2, %get3A_3, %get3A_4] : memref<2x1000x128xf32, #tpu.memory_space<vmem>>, vector<1x1000x128xf32>
    %get3A_6 = vector.shape_cast %get3A_5 : vector<1x1000x128xf32> to vector<1000x128xf32>
    %get3A_7 = arith.constant 1 : index
    %get3A_8 = arith.constant 0 : index
    %get3A_9 = arith.constant 0 : index
    %get3A_10 = vector.load %arg1[%get3A_7, %get3A_8, %get3A_9] : memref<2x1000x128xf32, #tpu.memory_space<vmem>>, vector<1x1000x128xf32>
    %get3A_11 = vector.shape_cast %get3A_10 : vector<1x1000x128xf32> to vector<1000x128xf32>
    %add3A = arith.addf %get3A_6, %get3A_11 : vector<1000x128xf32>
    %mul3A = vector.broadcast %get3A_1 : vector<1000x1xf32> to vector<1000x128xf32>
    %mul3A_12 = arith.mulf %mul3A, %add3A : vector<1000x128xf32>
    %mul3A_13 = arith.mulf %get3A_1, %get3A_1 : vector<1000x1xf32>
    %get3A_14 = arith.constant 0 : index
    %get3A_15 = arith.constant 0 : index
    %get3A_16 = vector.load %arg2[%get3A_14, %get3A_15] : memref<1000x128xf32, #tpu.memory_space<vmem>>, vector<1000x128xf32>
    %mul3A_17 = vector.broadcast %mul3A_13 : vector<1000x1xf32> to vector<1000x128xf32>
    %mul3A_18 = arith.mulf %mul3A_17, %get3A_16 : vector<1000x128xf32>
    %add3A_19 = arith.addf %mul3A_12, %mul3A_18 : vector<1000x128xf32>
    %mul3A_20 = arith.constant 0.899999976 : f32
    %mul3A_21 = vector.broadcast %mul3A_20 : f32 to vector<1000x128xf32>
    %mul3A_22 = arith.mulf %mul3A_21, %add3A_19 : vector<1000x128xf32>
    %get3A_23 = arith.constant 0 : index
    %get3A_24 = arith.constant 0 : index
    %get3A_25 = vector.load %arg3[%get3A_23, %get3A_24] : memref<1000x128xf32, #tpu.memory_space<vmem>>, vector<1000x128xf32>
    %mul3A_26 = arith.constant 1.000000e-01 : f32
    %mul3A_27 = vector.broadcast %mul3A_26 : f32 to vector<1000x128xf32>
    %mul3A_28 = arith.mulf %mul3A_27, %get3A_25 : vector<1000x128xf32>
    %add3A_29 = arith.addf %mul3A_22, %mul3A_28 : vector<1000x128xf32>
    %get3A_30 = arith.constant 0 : index
    %get3A_31 = arith.constant 0 : index
    %get3A_32 = vector.load %arg5[%get3A_30, %get3A_31] : memref<128x128xf32, #tpu.memory_space<vmem>>, vector<128x128xf32>
    %dot_general3A = arith.constant dense<0.000000e+00> : vector<1000x128xf32>
    %dot_general3A_33 = tpu.matmul %add3A_29, %get3A_32, %dot_general3A {dimension_numbers = #tpu.dot_dimension_numbers<[1], [0], [0], [1], [0, 0, 1, 1], [], []>, transpose_lhs_hint = false} : vector<1000x128xf32>, vector<128x128xf32>, vector<1000x128xf32> -> vector<1000x128xf32>
    %get3A_34 = arith.constant 0 : index
    %get3A_35 = arith.constant 0 : index
    %get3A_36 = vector.load %arg6[%get3A_34, %get3A_35] : memref<1x1xf32, #tpu.memory_space<vmem>>, vector<1x1xf32>
    %get3A_37 = vector.extract %get3A_36[0, 0] : f32 from vector<1x1xf32>
    %sub3A = arith.subf %dot_general3A_33, %add3A_29 : vector<1000x128xf32>
    %mul3A_38 = vector.broadcast %get3A_37 : f32 to vector<1000x128xf32>
    %mul3A_39 = arith.mulf %mul3A_38, %sub3A : vector<1000x128xf32>
    %add3A_40 = arith.addf %add3A_29, %mul3A_39 : vector<1000x128xf32>
    %max3A = arith.constant 0.000000e+00 : f32
    %max3A_41 = vector.broadcast %max3A : f32 to vector<1000x128xf32>
    %max3A_42 = arith.maximumf %add3A_40, %max3A_41 : vector<1000x128xf32>
    %swap3A = arith.constant 0 : index
    %swap3A_43 = arith.constant 0 : index
    %swap3A_44 = vector.load %arg7[%swap3A, %swap3A_43] : memref<1000x128xf32, #tpu.memory_space<vmem>>, vector<1000x128xf32>
    tpu.vector_store %arg7[%swap3A, %swap3A_43], %max3A_42 {strides = array<i32>} : memref<1000x128xf32, #tpu.memory_space<vmem>>, vector<1000x128xf32>,
    %mul3A_45 = vector.broadcast %get3A_1 : vector<1000x1xf32> to vector<1000x128xf32>
    %mul3A_46 = arith.mulf %mul3A_45, %max3A_42 : vector<1000x128xf32>
    %swap3A_47 = arith.constant 0 : index
    %swap3A_48 = arith.constant 0 : index
    %swap3A_49 = vector.load %arg8[%swap3A_47, %swap3A_48] : memref<1000x128xf32, #tpu.memory_space<vmem>>, vector<1000x128xf32>
    tpu.vector_store %arg8[%swap3A_47, %swap3A_48], %mul3A_46 {strides = array<i32>} : memref<1000x128xf32, #tpu.memory_space<vmem>>, vector<1000x128xf32>,
    return
  }
  func.func @transform_0(%arg0: i32) -> (i32, i32, i32) {
    %c0_i32 = arith.constant 0 : i32
    %c0_i32_0 = arith.constant 0 : i32
    %c0_i32_1 = arith.constant 0 : i32
    return %c0_i32, %arg0, %c0_i32_0 : i32, i32, i32
  }
  func.func @transform_1(%arg0: i32) -> (i32, i32) {
    %c0_i32 = arith.constant 0 : i32
    %c0_i32_0 = arith.constant 0 : i32
    return %arg0, %c0_i32 : i32, i32
  }
  func.func @transform_2(%arg0: i32) -> (i32, i32) {
    %c0_i32 = arith.constant 0 : i32
    %c0_i32_0 = arith.constant 0 : i32
    return %arg0, %c0_i32 : i32, i32
  }
  func.func @transform_3(%arg0: i32) -> (i32, i32) {
    %c0_i32 = arith.constant 0 : i32
    %c0_i32_0 = arith.constant 0 : i32
    return %arg0, %c0_i32 : i32, i32
  }
  func.func @transform_4(%arg0: i32) -> (i32, i32) {
    %c0_i32 = arith.constant 0 : i32
    %c0_i32_0 = arith.constant 0 : i32
    %c0_i32_1 = arith.constant 0 : i32
    return %c0_i32, %c0_i32_0 : i32, i32
  }
  func.func @transform_5(%arg0: i32) -> (i32, i32) {
    %c0_i32 = arith.constant 0 : i32
    %c0_i32_0 = arith.constant 0 : i32
    %c0_i32_1 = arith.constant 0 : i32
    return %c0_i32, %c0_i32_0 : i32, i32
  }
  func.func @transform_6(%arg0: i32) -> (i32, i32) {
    %c0_i32 = arith.constant 0 : i32
    %c0_i32_0 = arith.constant 0 : i32
    return %arg0, %c0_i32 : i32, i32
  }
  func.func @transform_7(%arg0: i32) -> (i32, i32) {
    %c0_i32 = arith.constant 0 : i32
    %c0_i32_0 = arith.constant 0 : i32
    return %arg0, %c0_i32 : i32, i32
  }
}

module attributes {stable_mosaic.version = 14 : i64} {
  func.func @_out_body(%arg0: i32, %arg1: memref<1000x128xf32, #tpu.memory_space<vmem>>, %arg2: memref<128x128xf32, #tpu.memory_space<vmem>>, %arg3: memref<1x128xf32, #tpu.memory_space<vmem>>, %arg4: memref<1000x128xf32, #tpu.memory_space<vmem>>) attributes {dimension_semantics = [#tpu.dimension_semantics<arbitrary>], iteration_bounds = array<i64: 10>, scalar_prefetch = 0 : i64, scratch_operands = 0 : i64, tpu.core_type = #tpu.core_type<tc>, window_params = [{transform_indices = @transform_0, window_bounds = array<i64: 1000, 128>}, {pipeline_mode = #tpu.pipeline_mode<synchronous>, transform_indices = @transform_1, window_bounds = array<i64: 128, 128>}, {pipeline_mode = #tpu.pipeline_mode<synchronous>, transform_indices = @transform_2, window_bounds = array<i64: 1, 128>}, {transform_indices = @transform_3, window_bounds = array<i64: 1000, 128>}]} {
    %get3A = arith.constant 0 : index
    %get3A_0 = arith.constant 0 : index
    %get3A_1 = vector.load %arg1[%get3A, %get3A_0] : memref<1000x128xf32, #tpu.memory_space<vmem>>, vector<1000x128xf32>
    %get3A_2 = arith.constant 0 : index
    %get3A_3 = arith.constant 0 : index
    %get3A_4 = vector.load %arg2[%get3A_2, %get3A_3] : memref<128x128xf32, #tpu.memory_space<vmem>>, vector<128x128xf32>
    %dot_general3A = arith.constant dense<0.000000e+00> : vector<1000x128xf32>
    %dot_general3A_5 = tpu.matmul %get3A_1, %get3A_4, %dot_general3A {dimension_numbers = #tpu.dot_dimension_numbers<[1], [0], [0], [1], [0, 0, 1, 1], [], []>, transpose_lhs_hint = false} : vector<1000x128xf32>, vector<128x128xf32>, vector<1000x128xf32> -> vector<1000x128xf32>
    %get3A_6 = arith.constant 0 : index
    %get3A_7 = arith.constant 0 : index
    %get3A_8 = vector.load %arg3[%get3A_6, %get3A_7] : memref<1x128xf32, #tpu.memory_space<vmem>>, vector<1x128xf32>
    %add3A = vector.broadcast %get3A_8 : vector<1x128xf32> to vector<1000x128xf32>
    %add3A_9 = arith.addf %dot_general3A_5, %add3A : vector<1000x128xf32>
    %swap3A = arith.constant 0 : index
    %swap3A_10 = arith.constant 0 : index
    %swap3A_11 = vector.load %arg4[%swap3A, %swap3A_10] : memref<1000x128xf32, #tpu.memory_space<vmem>>, vector<1000x128xf32>
    tpu.vector_store %arg4[%swap3A, %swap3A_10], %add3A_9 {strides = array<i32>} : memref<1000x128xf32, #tpu.memory_space<vmem>>, vector<1000x128xf32>,
    return
  }
  func.func @transform_0(%arg0: i32) -> (i32, i32) {
    %c0_i32 = arith.constant 0 : i32
    %c0_i32_0 = arith.constant 0 : i32
    return %arg0, %c0_i32 : i32, i32
  }
  func.func @transform_1(%arg0: i32) -> (i32, i32) {
    %c0_i32 = arith.constant 0 : i32
    %c0_i32_0 = arith.constant 0 : i32
    %c0_i32_1 = arith.constant 0 : i32
    return %c0_i32, %c0_i32_0 : i32, i32
  }
  func.func @transform_2(%arg0: i32) -> (i32, i32) {
    %c0_i32 = arith.constant 0 : i32
    %c0_i32_0 = arith.constant 0 : i32
    %c0_i32_1 = arith.constant 0 : i32
    return %c0_i32, %c0_i32_0 : i32, i32
  }
  func.func @transform_3(%arg0: i32) -> (i32, i32) {
    %c0_i32 = arith.constant 0 : i32
    %c0_i32_0 = arith.constant 0 : i32
    return %arg0, %c0_i32 : i32, i32
  }
}

</mosaic_0001>

<sc_bundles>
// kernel: closed_call.24.cloned.1.call-start
scs
__scs_entry_jumppad:
0x0: {  	(pc) =	sbr.rel $0x88, $3  }
0x1: {  	(tag) =	ssettag $0x0;
	lr =	simm.s32 $0x1  }
0x2: {  	[smem:$0x3F9A] =	sst lr;
	_ =	strace $0xD0000000  }
0x3: {  	_ = 	snop  }
0x4: {  	_ = 	snop  }
0x5: {  	_ = 	snop  }
0x6: {  	_ = 	snop  }
0x7: {  	_ = 	snop  }
__scs_overlays_trampoline_lowered:
0x8: {  	[smem:$0x3FA9] =	sst s0  }
0x9: {  	[smem:$0x3FAA] =	sst s1  }
0xa: {  	[smem:$0x3FAB] =	sst s2  }
0xb: {  	[smem:$0x3FAC] =	sst s3  }
0xc: {  	[smem:$0x3FAD] =	sst s4  }
0xd: {  	[smem:$0x3FAE] =	sst s5  }
0xe: {  	[smem:$0x3FAF] =	sst s6  }
0xf: {  	[smem:$0x3FB0] =	sst s7  }
0x10: {  	[smem:$0x3FB1] =	sst s8  }
0x11: {  	[smem:$0x3FB2] =	sst s9;
	s0 =	simm.s32 @!p0 $0x0  }
0x12: {  	s1 =	sld [smem:$0x3F98];
	s0 =	simm.s32 @p0 $0x1  }
0x13: {  	[smem:$0x3FB3] =	sst s0;
	s0 =	simm.s32 @!p1 $0x0  }
0x14: {  	s2 =	sld [smem:$0x3F97];
	s0 =	simm.s32 @p1 $0x1  }
0x15: {  	[smem:$0x3FB4] =	sst s0;
	s0 =	simm.s32 @!p2 $0x0  }
0x16: {  	s3 =	sld [smem:$0x3FDB];
	s0 =	simm.s32 @p2 $0x1  }
0x17: {  	s4 =	simm.s32 $0x1BF5;
	[smem:$0x3FB6] =	sst s0  }
0x18: {  	s0 =	sld [smem:$0x3F99];
	_ =	swait.ge [sflag:s4], $0x0  }
0x19: {  	s7 =	sld [smem:$0x3F9A]  }
0x1a: {  	s8 =	sadd.s32 $0xFFFFE003, lr  }
0x1b: {  	s9 =	sadd.s32 $0xFFFFFEF7, lr;
	s5 =	simm.s32 $0xFFFFFFFF;
	p2 =	slt.u32 s8, $0xFFFFF086  }
0x1c: {  	p1 =	slt.u32 s9, $0xF7A;
	s5 =	simm.s32 @!p2 $0x0  }
0x1d: {  	s5 =	simm.s32 @p1 $0x1;
	p0 =	seq.s32 s7, s2  }
0x1e: {  	s7 =	smul.u32 @!p0 $0xF7A, s2;
	p2 =	seq.s32 @!p0 s5, $0x0  }
0x1f: {  	s9 =	smul.u32 $0xF7A, s1;
	s8 =	simm.s32 @!p0 $0x1BF5;
	p2 =	por !p2, p0  }
0x20: {  	[sflag:s8] =	ssyncset.s32 @!p0 $0xFFFFF086;
	s6 =	sadd.s32 @!p0 s3, s7;
	s7 =	simm.s32 @!p0 $0x108  }
0x21: {  	s3 =	sadd.s32 s3, s9;
	s6 =	sadd.s32 @!p0 $0x88, s6;
	s7 =	simm.s32 @p2 $0x1082  }
0x22: {  	[simem:s7], [sflag:s8] =	dma.local @!p0 [hbm:s6], $0xF7A  }
0x23: {  	s9 =	sor.u32 $0xD0000000, s2;
	s6 =	simm.s32 $0x108;
	_ =	swait.ge @!p0 [sflag:s8], $0x0  }
0x24: {  	s3 =	sadd.s32 $0x88, s3;
	s6 =	simm.s32 @!p1 $0x1082;
	[sflag:s4] =	ssyncset.s32 $0xFFFFF086  }
0x25: {  	[simem:s6], [sflag:s4] =	dma.local [hbm:s3], $0xF7A  }
0x26: {  	[smem:$0x3F9A] =	sst s1;
	(tag) =	ssettag s2;
	_ =	strace s9  }
0x27: {  	s1 =	sld [smem:$0x3FAA]  }
0x28: {  	s2 =	sld [smem:$0x3FAB]  }
0x29: {  	s4 =	sld [smem:$0x3FAD]  }
0x2a: {  	p0 =	seq.s32 s5, $0x0;
	s5 =	sld [smem:$0x3FAE]  }
0x2b: {  	s6 =	sld [smem:$0x3FAF]  }
0x2c: {  	s7 =	sld [smem:$0x3FB0]  }
0x2d: {  	s3 =	simm.s32 $0x108;
	s8 =	sld [smem:$0x3FB1]  }
0x2e: {  	s3 =	simm.s32 @!p0 $0x1082;
	s9 =	sld [smem:$0x3FB2]  }
0x2f: {  	lr =	sadd.s32 s0, s3;
	s0 =	sld [smem:$0x3FA9]  }
0x30: {  	s3 =	sld [smem:$0x3FAC]  }
0x31: {  	[smem:$0x3FB5] =	sst s10  }
0x32: {  	s10 =	sld [smem:$0x3FB3];
	_ =	sdelay $0x3  }
0x33: {  	p0 =	seq.s32 s10, $0x1;
	s10 =	sld [smem:$0x3FB5];
	_ =	sdelay $0x3  }
0x34: {  	[smem:$0x3FB5] =	sst s10  }
0x35: {  	s10 =	sld [smem:$0x3FB4];
	_ =	sdelay $0x3  }
0x36: {  	p1 =	seq.s32 s10, $0x1;
	s10 =	sld [smem:$0x3FB5];
	_ =	sdelay $0x3  }
0x37: {  	[smem:$0x3FB5] =	sst s10  }
0x38: {  	s10 =	sld [smem:$0x3FB6]  }
0x39: {  	_ = 	snop;
	(pc) =	sbr.ind lr, $3  }
0x3a: {  	_ = 	snop  }
0x3b: {  	_ = 	snop  }
0x3c: {  	p2 =	seq.s32 s10, $0x1;
	s10 =	sld [smem:$0x3FB5]  }
0x3d: {  	_ =	shalt  }
0x3e: {  	_ =	shalt  }
0x3f: {  	_ =	shalt  }
0x40: {  	_ =	shalt  }
0x41: {  	_ =	shalt  }
0x42: {  	_ =	shalt  }
0x43: {  	_ =	shalt  }
0x44: {  	_ =	shalt  }
0x45: {  	_ =	shalt  }
0x46: {  	_ =	shalt  }
0x47: {  	_ =	shalt  }
0x48: {  	_ =	shalt  }
0x49: {  	_ =	shalt  }
0x4a: {  	_ =	shalt  }
0x4b: {  	_ =	shalt  }
0x4c: {  	_ =	shalt  }
0x4d: {  	_ =	shalt  }
0x4e: {  	_ =	shalt  }
0x4f: {  	_ =	shalt  }
0x50: {  	_ =	shalt  }
0x51: {  	_ =	shalt  }
0x52: {  	_ =	shalt  }
0x53: {  	_ =	shalt  }
0x54: {  	_ =	shalt  }
0x55: {  	_ =	shalt  }
0x56: {  	_ =	shalt  }
0x57: {  	_ =	shalt  }
0x58: {  	_ =	shalt  }
0x59: {  	_ =	shalt  }
0x5a: {  	_ =	shalt  }
0x5b: {  	_ =	shalt  }
0x5c: {  	_ =	shalt  }
0x5d: {  	_ =	shalt  }
0x5e: {  	_ =	shalt  }
0x5f: {  	_ =	shalt  }
0x60: {  	_ =	shalt  }
0x61: {  	_ =	shalt  }
0x62: {  	_ =	shalt  }
0x63: {  	_ =	shalt  }
0x64: {  	_ =	shalt  }
0x65: {  	_ =	shalt  }
0x66: {  	_ =	shalt  }
0x67: {  	_ =	shalt  }
0x68: {  	_ =	shalt  }
0x69: {  	_ =	shalt  }
0x6a: {  	_ =	shalt  }
0x6b: {  	_ =	shalt  }
0x6c: {  	_ =	shalt  }
0x6d: {  	_ =	shalt  }
0x6e: {  	_ =	shalt  }
0x6f: {  	_ =	shalt  }
0x70: {  	_ =	shalt  }
0x71: {  	_ =	shalt  }
0x72: {  	_ =	shalt  }
0x73: {  	_ =	shalt  }
0x74: {  	_ =	shalt  }
0x75: {  	_ =	shalt  }
0x76: {  	_ =	shalt  }
0x77: {  	_ =	shalt  }
0x78: {  	_ =	shalt  }
0x79: {  	_ =	shalt  }
0x7a: {  	_ =	shalt  }
0x7b: {  	_ =	shalt  }
0x7c: {  	_ =	shalt  }
0x7d: {  	_ =	shalt  }
0x7e: {  	_ =	shalt  }
0x7f: {  	_ =	shalt  }
0x80: {  	_ =	shalt  }
0x81: {  	_ =	shalt  }
0x82: {  	_ =	shalt  }
0x83: {  	_ =	shalt  }
0x84: {  	_ =	shalt  }
0x85: {  	_ =	shalt  }
0x86: {  	_ =	shalt  }
0x87: {  	_ =	shalt  }
.Lfunc_end0:
.L_simem_size_0:
called_computation_lowered:
.L_overlay_start_0:
0x88: {  	s2 =	sld [smem:$0x3FD9]  }
0x89: {  	s3 =	sld [smem:$0x3FFE];
	_ =	sdelay $0x1  }
0x8a: {  	s1 =	srdreg.scid  }
0x8b: {  	s0 =	sand.u32 $0x1, s1  }
0x8c: {  	s16 =	sshll.u32 s0, $0xA;
	s2 =	sadd.s32 s3, s2  }
0x8d: {  	s2 =	sadd.s32 s2, s16  }
0x8e: {  	[smem:$0x3FC1] =	sst s2  }
0x8f: {  	_ = 	snop  }
0x90: {  	(tm) =	ssettm $0x1  }
0x91: {  	s17 =	sld [smem:$0x3FFB];
	_ =	sdelay $0x3  }
0x92: {  	_ =	strace s17  }
0x93: {  	s2 =	sld [smem:$0x3FFC];
	_ =	sdelay $0x3  }
0x94: {  	_ =	strace s2  }
0x95: {  	s2 =	sld [smem:$0x3FFD];
	_ =	sdelay $0x3  }
0x96: {  	_ =	strace s2  }
0x97: {  	_ =	strace $0x8FFFFFFF  }
0x98: {  	s18 =	sld [smem:$0x3FDB];
	_ =	sdelay $0x1  }
0x99: {  	s19 =	simm.s32 $_scs_section_size  }
0x9a: {  	s4 =	simm.s32 $_size__tile_overlayer_lowered;
	s5 =	simm.s32 $_tile_overlayer_lowered  }
0x9b: {  	s22 =	simm.s32 $0x1BFF;
	s21 =	sshll.u32 s5, $0x1;
	s2 =	sadd.s32 s19, s18  }
0x9c: {  	s6 =	simm.s32 $0x0;
	s20 =	sshll.u32 s4, $0x1;
	s4 =	sadd.s32 s21, s2  }
0x9d: {  	[timem:s6], [sflag:s22] =	dma.local [hbm:s4], s20  }
0x9e: {  	_ =	swait.ge [sflag:s22], s20  }
0x9f: {  	s3 =	ssub.s32 $0x0, s20;
	[sflag:s22] =	ssyncset.done $0x0  }
0xa0: {  	[sflag:s22] =	ssyncadd.s32 s3;
	_ =	sdelay $0x1  }
0xa1: {  	s23 =	simm.s32 $0x1B8B  }
0xa2: {  	_ =	swait.ge [sflag:s23], $0x1  }
0xa3: {  	[sflag:s23] =	ssyncset.done $0x0  }
0xa4: {  	s25 =	simm.s32 $0x1B8E;
	s24 =	sld [smem:$0x3FFE];
	[sflag:s23] =	ssyncadd.s32 $0xFFFFFFFF  }
0xa5: {  	s26 =	simm.s32 $execute0_lowered;
	[smem:$0x3FD2] =	sst s25  }
0xa6: {  	s4 =	sshll.u32 s26, $0x1;
	_ =	strace $0x80000049;
	[dreg:$0x1] =	wrdreg $0xFFFFFFFF  }
0xa7: {  	s28 =	simm.s32 $_size_execute0_lowered;
	s2 =	sadd.s32 s2, s4;
	[dreg:$0x0] =	wrdreg $0x0  }
0xa8: {  	s4 =	sshll.u32 s28, $0x1;
	[dreg:$0x2] =	wrdreg s2  }
0xa9: {  	[dreg:$0x3] =	wrdreg s4  }
0xaa: {  	[dreg:$0x4] =	wrdreg $0xC0  }
0xab: {  	_ =	task [dreg:s6], $0x5FFFF  }
0xac: {  	[dreg:$0x1] =	wrdreg $0xFFFFFFFF  }
0xad: {  	[dreg:$0x0] =	wrdreg $0x60  }
0xae: {  	[dreg:$0x2] =	wrdreg s24  }
0xaf: {  	[dreg:$0x3] =	wrdreg $0xA0000  }
0xb0: {  	[dreg:$0x4] =	wrdreg $0x9  }
0xb1: {  	_ =	task.clear_ibuf [dreg:s6], $0x5FFFF;
	_ =	strace $0x90000049  }
0xb2: {  	s29 =	simm.s32 $0x9;
	_ =	strace $0x8000004B  }
0xb3: {  	_ =	swait.ge [sflag:s29], $0x1  }
0xb4: {  	[sflag:s29] =	ssyncadd.s32 $0xFFFFFFFF  }
0xb5: {  	_ =	strace $0x9000004B  }
0xb6: {  	_ =	sfence  }
0xb7: {  	s30 =	sld [smem:$0x0];
	_ =	sdelay $0x2  }
0xb8: {  	s31 =	sshll.u32 s1, $0xD;
	s1 =	sshrl.u32 s1, $0x2  }
0xb9: {  	s3 =	sand.u32 $0x4000, s31;
	s1 =	sadd.s32 s1, s30  }
0xba: {  	s0 =	sor.u32 s3, s0;
	s1 =	sshll.u32 s1, $0x11  }
0xbb: {  	s0 =	sor.u32 s1, s0  }
0xbc: {  	s0 =	sadd.s32 $0x8F2B, s0  }
0xbd: {  	[sflag:s0] =	ssyncadd.remote.s32 $0x1  }
0xbe: {  	_ =	sfence.sel $0xFFFF  }
0xbf: {  	[dreg:$0x0] =	wrdreg $0xFFFFFFFF;
	(pc) =	sbr.abs _section_cstart, $3  }
0xc0: {  	[dreg:$0x1] =	wrdreg $0xFFFFFFFF  }
0xc1: {  	_ =	task.clear_ibuf [dreg:s6], $0x2FFFF;
	_ =	strace $0x9FFFFFFF  }
0xc2: {  	(tm) =	ssettm $0x7FFFFFFF  }
0xc3: {  	_ =	shalt  }
tec
execute0_lowered:
.L_overlay_start_1:
0x0: {  	(tag) =	ssettag $0x1  }
0x1: {  	s0 =	rddreg [dreg:$0x0]  }
0x2: {  	s1 =	rddreg [dreg:$0x1];
	s2 =	srdreg.scid;
	s3 =	simm.s32 $0x0  }
0x3: {  	s11 =	stileid.u32;
	s28 =	simm.s32 $0x60;
	s30 =	simm.s32 $0x4000  }
0x4: {  	s29 =	simm.s32 $0x580;
	s31 =	simm.s32 $0xC80;
	s7 =	smul.u32 $0x14000, s11  }
0x5: {  	s2 =	sand.u32 $0x1, s2;
	[smem:$0x7FF] =	sst s3;
	s8 =	smul.u32 $0x50000, s11  }
0x6: {  	s4 =	sadd.s32 $0x14A00, s0;
	s5 =	sadd.s32 $0x3BC00, s0;
	s15 =	smul.u32 $0x9000, s11  }
0x7: {  	s9 =	sshll.u32 s11, $0x1;
	s11 =	simm.s32 $0x2;
	s6 =	smul.u32 $0x140000, s2  }
0x8: {  	_ =	strace $0x8000004A;
	s26 =	ssub.s32 $0x2, s2;
	s9 =	sor.u32 s2, s9  }
0x9: {  	s2 =	smul.u32 $0x4800, s2;
	s10 =	sshrl.u32 s26, $0x1;
	s8 =	sshrl.u32 s8, $0x2  }
0xa: {  	s12 =	smul.u32 $0x4800, s9;
	s9 =	simm.s32 $0x1;
	s19 =	sadd.s32 s8, s1  }
0xb: {  	s7 =	sadd.s32 s7, s6;
	s13 =	sadd.s32 $0x2000, s19;
	[dreg:$0x3] =	wrdreg s19  }
0xc: {  	s6 =	sadd.s32 $0x1E00, s0;
	s14 =	sadd.s32 $0x4000, s19;
	[dreg:$0x4] =	wrdreg s13  }
0xd: {  	s2 =	sadd.s32 s2, s15;
	s16 =	sadd.s32 $0x6000, s19;
	[dreg:$0x5] =	wrdreg s14  }
0xe: {  	s15 =	simm.s32 $0xE80;
	s17 =	sadd.s32 $0x8000, s19;
	[dreg:$0x6] =	wrdreg s16  }
0xf: {  	s7 =	sshrl.u32 s7, $0x3;
	s18 =	sadd.s32 $0xA000, s19;
	[dreg:$0x7] =	wrdreg s17  }
0x10: {  	s20 =	sadd.s32 $0xC000, s19;
	s21 =	sadd.s32 $0xE000, s19;
	[dreg:$0x8] =	wrdreg s18  }
0x11: {  	s22 =	sadd.s32 $0x10000, s19;
	s8 =	sshrl.u32 s12, $0x3;
	[dreg:$0x9] =	wrdreg s20  }
0x12: {  	s23 =	sadd.s32 $0x12000, s19;
	s25 =	sor.u32 $0x400, s2;
	[dreg:$0xa] =	wrdreg s21  }
0x13: {  	s2 =	sadd.s32 $0x800, s2;
	s12 =	simm.s32 $0x680;
	[dreg:$0xb] =	wrdreg s22  }
0x14: {  	s0 =	sadd.s32 s7, s0;
	s7 =	ssub.s32 s26, s10;
	[dreg:$0xc] =	wrdreg s23  }
0x15: {  	s24 =	sadd.s32 s5, s8;
	s8 =	sadd.s32 s6, s8;
	s26 =	sshrl.u32 s25, $0x3  }
0x16: {  	[dreg:$0x11] =	wrdreg s2;
	s25 =	simm.s32 $0x5;
	s2 =	simm.s32 $0x400  }
0x17: {  	s14 =	simm.s32 $0x3;
	s17 =	simm.s32 $0x4;
	s10 =	simm.s32 $0x600  }
.Ltmp0:
0x18: {  	s13 =	simm.s32 $0xE00;
	[dreg:$0xd] =	wrdreg s24;
	(pc) =	sbr.rel .LBB2_1-.Ltmp0, $4  }
0x19: {  	s16 =	simm.s32 $0x0;
	[dreg:$0xe] =	wrdreg s8;
	s0 =	sadd.s32 $0x4DC00, s0  }
0x1a: {  	s7 =	smax.u32 s7, $0x1;
	s22 =	sadd.s32 s26, s6;
	s23 =	sadd.s32 s26, s5  }
0x1b: {  	s24 =	simm.s32 $0x1000;
	s8 =	simm.s32 $0xC00;
	[dreg:$0xf] =	wrdreg s0  }
0x1c: {  	v0 =	vimm.f32 $0.0e+00;
	s26 =	simm.s32 $0xD00;
	[dreg:$0x10] =	wrdreg s7;
	s0 =	simm.s32 $0x7000  }
.LBB2_6:
0x1d: {  	_ =	swait.ge [sflag:s14], $0x3000  }
0x1e: {  	[sflag:s14] =	ssyncset.done $0x0  }
0x1f: {  	[sflag:s14] =	ssyncadd.s32 $0xFFFFD000  }
0x20: {  	[spmem:s1] =	stream.indirect.scatter.add.f32 [tilespmem:s0], [sflag:$0x5], $0x80, s15, s28, $0xb8;
	[tilespmem:$0x1E000] =	vst v63  }
0x21: {  	_ =	swait.ge [sflag:s25], $0x3000  }
0x22: {  	[sflag:s25] =	ssyncset.done $0x0  }
0x23: {  	[sflag:s25] =	ssyncadd.s32 $0xFFFFD000  }
0x24: {  	s7 =	stileid.u32;
	[bflag:$0x0] =	sbarrier.arrive $0xFFFF  }
0x25: {  	s7 =	sshll.u32 s7, $0x6;
	s19 =	rddreg [dreg:$0x3]  }
0x26: {  	s7 =	sor.u32 $0x1C05, s7;
	s18 =	rddreg [dreg:$0xf];
	s16 =	sshrl.u32 s19, $0x3  }
0x27: {  	[hbm:s18], [sflag:s7] =	dma.local [spmem:s16], $0x2800  }
0x28: {  	_ =	swait.ge [sflag:s25], $0x2800  }
0x29: {  	s20 =	rddreg [dreg:$0x12]  }
0x2a: {  	s21 =	rddreg [dreg:$0x10];
	s16 =	sadd.s32 $0x1, s20  }
0x2b: {  	p0 =	sne.s32 s16, s21  }
.Ltmp1:
0x2c: {  	_ = 	snop;
	(pc) =	sbr.rel @!p0 .LBB2_7-.Ltmp1, $3  }
0x2d: {  	_ =	sdelay $0x1  }
0x2e: {  	[sflag:s25] =	ssyncset.done $0x0  }
0x2f: {  	[sflag:s25] =	ssyncadd.s32 $0xFFFFD800  }
.LBB2_1:
0x30: {  	[dreg:$0x12] =	wrdreg s16;
	s16 =	simm.s32 $0x0;
	s18 =	simm.s32 $0x200  }
.LBB2_2:
0x31: {  	p0 =	sne.s32 s18, $0x7E00;
	[tilespmem:s16+$0x1070] =	vst v0  }
0x32: {  	[tilespmem:s16+$0x1000] =	vst v0  }
0x33: {  	[tilespmem:s16+$0x1010] =	vst v0  }
.Ltmp2:
0x34: {  	[tilespmem:s16+$0x1020] =	vst v0;
	(pc) =	sbr.rel @p0 .LBB2_2-.Ltmp2, $4  }
0x35: {  	[tilespmem:s16+$0x1030] =	vst v0  }
0x36: {  	[tilespmem:s16+$0x1040] =	vst v0  }
0x37: {  	[tilespmem:s16+$0x1050] =	vst v0  }
0x38: {  	[tilespmem:s16+$0x1060] =	vst v0;
	s16 =	sshra.s32 s18, $0x2;
	s18 =	sadd.s32 $0x200, s18  }
0x39: {  	[tilespmem:s16+$0x1070] =	vst v0  }
0x3a: {  	[tilespmem:s16+$0x1000] =	vst v0  }
0x3b: {  	[tilespmem:s16+$0x1010] =	vst v0  }
0x3c: {  	[tilespmem:s16+$0x1020] =	vst v0  }
0x3d: {  	[tilespmem:s16+$0x1030] =	vst v0  }
0x3e: {  	[tilespmem:s16+$0x1040] =	vst v0  }
0x3f: {  	[tilespmem:s16+$0x1050] =	vst v0  }
0x40: {  	[tilespmem:s16+$0x1060] =	vst v0  }
0x41: {  	[spmem:s19] =	stream.linear.scatter [tilespmem:s24], [sflag:$0x5], $0x2000, $0x38;
	[tilespmem:$0x1E000] =	vst v63  }
0x42: {  	_ =	swait.ge [sflag:s25], $0x2000  }
0x43: {  	[sflag:s25] =	ssyncset.done $0x0  }
0x44: {  	s7 =	rddreg [dreg:$0x4];
	[sflag:s25] =	ssyncadd.s32 $0xFFFFE000  }
0x45: {  	[spmem:s7] =	stream.linear.scatter [tilespmem:s24], [sflag:$0x5], $0x2000, $0x38;
	[tilespmem:$0x1E000] =	vst v63  }
0x46: {  	_ =	swait.ge [sflag:s25], $0x2000  }
0x47: {  	[sflag:s25] =	ssyncset.done $0x0  }
0x48: {  	s20 =	rddreg [dreg:$0x5];
	[sflag:s25] =	ssyncadd.s32 $0xFFFFE000  }
0x49: {  	[spmem:s20] =	stream.linear.scatter [tilespmem:s24], [sflag:$0x5], $0x2000, $0x38;
	[tilespmem:$0x1E000] =	vst v63  }
0x4a: {  	_ =	swait.ge [sflag:s25], $0x2000  }
0x4b: {  	[sflag:s25] =	ssyncset.done $0x0  }
0x4c: {  	s21 =	rddreg [dreg:$0x6];
	[sflag:s25] =	ssyncadd.s32 $0xFFFFE000  }
0x4d: {  	[spmem:s21] =	stream.linear.scatter [tilespmem:s24], [sflag:$0x5], $0x2000, $0x38;
	[tilespmem:$0x1E000] =	vst v63  }
0x4e: {  	_ =	swait.ge [sflag:s25], $0x2000  }
0x4f: {  	[sflag:s25] =	ssyncset.done $0x0  }
0x50: {  	s16 =	rddreg [dreg:$0x7];
	[sflag:s25] =	ssyncadd.s32 $0xFFFFE000  }
0x51: {  	[spmem:s16] =	stream.linear.scatter [tilespmem:s24], [sflag:$0x5], $0x2000, $0x38;
	[tilespmem:$0x1E000] =	vst v63  }
0x52: {  	_ =	swait.ge [sflag:s25], $0x2000  }
0x53: {  	[sflag:s25] =	ssyncset.done $0x0  }
0x54: {  	s18 =	rddreg [dreg:$0x8];
	[sflag:s25] =	ssyncadd.s32 $0xFFFFE000  }
0x55: {  	[spmem:s18] =	stream.linear.scatter [tilespmem:s24], [sflag:$0x5], $0x2000, $0x38;
	[tilespmem:$0x1E000] =	vst v63  }
0x56: {  	_ =	swait.ge [sflag:s25], $0x2000  }
0x57: {  	[sflag:s25] =	ssyncset.done $0x0  }
0x58: {  	s19 =	rddreg [dreg:$0x9];
	[sflag:s25] =	ssyncadd.s32 $0xFFFFE000  }
0x59: {  	[spmem:s19] =	stream.linear.scatter [tilespmem:s24], [sflag:$0x5], $0x2000, $0x38;
	[tilespmem:$0x1E000] =	vst v63  }
0x5a: {  	_ =	swait.ge [sflag:s25], $0x2000  }
0x5b: {  	[sflag:s25] =	ssyncset.done $0x0  }
0x5c: {  	s20 =	rddreg [dreg:$0xa];
	[sflag:s25] =	ssyncadd.s32 $0xFFFFE000  }
0x5d: {  	[spmem:s20] =	stream.linear.scatter [tilespmem:s24], [sflag:$0x5], $0x2000, $0x38;
	[tilespmem:$0x1E000] =	vst v63  }
0x5e: {  	_ =	swait.ge [sflag:s25], $0x2000  }
0x5f: {  	[sflag:s25] =	ssyncset.done $0x0  }
0x60: {  	s21 =	rddreg [dreg:$0xb];
	[sflag:s25] =	ssyncadd.s32 $0xFFFFE000  }
0x61: {  	[spmem:s21] =	stream.linear.scatter [tilespmem:s24], [sflag:$0x5], $0x2000, $0x38;
	[tilespmem:$0x1E000] =	vst v63  }
0x62: {  	_ =	swait.ge [sflag:s25], $0x2000  }
0x63: {  	[sflag:s25] =	ssyncset.done $0x0  }
0x64: {  	s16 =	rddreg [dreg:$0xc];
	[sflag:s25] =	ssyncadd.s32 $0xFFFFE000  }
0x65: {  	[spmem:s16] =	stream.linear.scatter [tilespmem:s24], [sflag:$0x5], $0x2000, $0x38;
	[tilespmem:$0x1E000] =	vst v63  }
0x66: {  	_ =	swait.ge [sflag:s25], $0x2000  }
0x67: {  	[sflag:s25] =	ssyncset.done $0x0  }
0x68: {  	[sflag:s25] =	ssyncadd.s32 $0xFFFFE000  }
0x69: {  	[bflag:$0x0] =	sbarrier.arrive $0xFFFF  }
0x6a: {  	s16 =	simm.s32 $0x0;
	s18 =	rddreg [dreg:$0xd]  }
0x6b: {  	[tilespmem:s16], [sflag:$0x5] =	stream.linear.gather [hbm4b:s18+s16], $0x300, $0x38;
	[tilespmem:$0x1E000] =	vst v63  }
0x6c: {  	_ =	swait.ge [sflag:s25], $0x300  }
0x6d: {  	[sflag:s25] =	ssyncset.done $0x0  }
0x6e: {  	s18 =	simm.s32 $0x800;
	s19 =	rddreg [dreg:$0xe];
	[sflag:s25] =	ssyncadd.s32 $0xFFFFFD00  }
0x6f: {  	[tilespmem:s18], [sflag:$0x5] =	stream.linear.gather [hbm4b:s19+s16], $0x300, $0x38;
	[tilespmem:$0x1E000] =	vst v63  }
0x70: {  	_ =	swait.ge [sflag:s25], $0x300  }
0x71: {  	[sflag:s25] =	ssyncset.done $0x0  }
0x72: {  	[sflag:s25] =	ssyncadd.s32 $0xFFFFFD00  }
0x73: {  	[tilespmem:s24], [sflag:$0x1] =	stream.indirect.gather [hbm4b:s4+s28], $0x80, s16, s28, $0xb8;
	[tilespmem:$0x1E000] =	vst v63  }
0x74: {  	s20 =	simm.s32 $0x80  }
0x75: {  	[tilespmem:s30], [sflag:$0x2] =	stream.indirect.gather [hbm4b:s4+s28], $0x80, s20, s28, $0xb8;
	[tilespmem:$0x1E000] =	vst v63  }
0x76: {  	s21 =	simm.s32 $0x100;
	s18 =	rddreg [dreg:$0x11]  }
0x77: {  	[tilespmem:s0], [sflag:$0x3] =	stream.indirect.gather [hbm4b:s4+s28], $0x80, s21, s28, $0xb8;
	[tilespmem:$0x1E000] =	vst v63  }
.LBB2_4:
0x78: {  	s19 =	sadd.s32 s16, s23  }
0x79: {  	[tilespmem:s2], [sflag:$0x4] =	stream.linear.gather [hbm4b:s19+s3], $0x300, $0x38;
	[tilespmem:$0x1E000] =	vst v63  }
0x7a: {  	s20 =	sadd.s32 s16, s22  }
0x7b: {  	[tilespmem:s8], [sflag:$0x4] =	stream.linear.gather [hbm4b:s20+s3], $0x300, $0x38;
	[tilespmem:$0x1E000] =	vst v63  }
0x7c: {  	_ =	swait.ge [sflag:s9], $0x3000  }
0x7d: {  	[sflag:s9] =	ssyncset.done $0x0  }
0x7e: {  	s7 =	simm.s32 $0x800;
	[sflag:s9] =	ssyncadd.s32 $0xFFFFD000  }
0x7f: {  	[spmem:s1] =	stream.indirect.scatter.add.f32 [tilespmem:s24], [sflag:$0x5], $0x80, s7, s28, $0xb8;
	[tilespmem:$0x1E000] =	vst v63  }
0x80: {  	_ =	swait.ge [sflag:s25], $0x3000  }
0x81: {  	[sflag:s25] =	ssyncset.done $0x0  }
0x82: {  	s21 =	simm.s32 $0x180;
	[sflag:s25] =	ssyncadd.s32 $0xFFFFD000  }
0x83: {  	[tilespmem:s24], [sflag:$0x1] =	stream.indirect.gather [hbm4b:s4+s28], $0x80, s21, s28, $0xb8;
	[tilespmem:$0x1E000] =	vst v63  }
0x84: {  	_ =	swait.ge [sflag:s11], $0x3000  }
0x85: {  	[sflag:s11] =	ssyncset.done $0x0  }
0x86: {  	s19 =	simm.s32 $0x880;
	[sflag:s11] =	ssyncadd.s32 $0xFFFFD000  }
0x87: {  	[spmem:s1] =	stream.indirect.scatter.add.f32 [tilespmem:s30], [sflag:$0x5], $0x80, s19, s28, $0xb8;
	[tilespmem:$0x1E000] =	vst v63  }
0x88: {  	_ =	swait.ge [sflag:s25], $0x3000  }
0x89: {  	[sflag:s25] =	ssyncset.done $0x0  }
0x8a: {  	s20 =	simm.s32 $0x200;
	[sflag:s25] =	ssyncadd.s32 $0xFFFFD000  }
0x8b: {  	[tilespmem:s30], [sflag:$0x2] =	stream.indirect.gather [hbm4b:s4+s28], $0x80, s20, s28, $0xb8;
	[tilespmem:$0x1E000] =	vst v63  }
0x8c: {  	_ =	swait.ge [sflag:s14], $0x3000  }
0x8d: {  	[sflag:s14] =	ssyncset.done $0x0  }
0x8e: {  	s21 =	simm.s32 $0x900;
	[sflag:s14] =	ssyncadd.s32 $0xFFFFD000  }
0x8f: {  	[spmem:s1] =	stream.indirect.scatter.add.f32 [tilespmem:s0], [sflag:$0x5], $0x80, s21, s28, $0xb8;
	[tilespmem:$0x1E000] =	vst v63  }
0x90: {  	_ =	swait.ge [sflag:s25], $0x3000  }
0x91: {  	[sflag:s25] =	ssyncset.done $0x0  }
0x92: {  	s19 =	simm.s32 $0x280;
	[sflag:s25] =	ssyncadd.s32 $0xFFFFD000  }
0x93: {  	[tilespmem:s0], [sflag:$0x3] =	stream.indirect.gather [hbm4b:s4+s28], $0x80, s19, s28, $0xb8;
	[tilespmem:$0x1E000] =	vst v63  }
0x94: {  	_ =	swait.ge [sflag:s17], $0x300  }
0x95: {  	[sflag:s17] =	ssyncset.done $0x0  }
0x96: {  	[sflag:s17] =	ssyncadd.s32 $0xFFFFFD00  }
0x97: {  	_ =	swait.ge [sflag:s17], $0x300  }
0x98: {  	[sflag:s17] =	ssyncset.done $0x0  }
0x99: {  	[sflag:s17] =	ssyncadd.s32 $0xFFFFFD00  }
0x9a: {  	_ =	swait.ge [sflag:s9], $0x3000  }
0x9b: {  	[sflag:s9] =	ssyncset.done $0x0  }
0x9c: {  	s20 =	simm.s32 $0x980;
	[sflag:s9] =	ssyncadd.s32 $0xFFFFD000  }
0x9d: {  	[spmem:s1] =	stream.indirect.scatter.add.f32 [tilespmem:s24], [sflag:$0x5], $0x80, s20, s28, $0xb8;
	[tilespmem:$0x1E000] =	vst v63  }
0x9e: {  	_ =	swait.ge [sflag:s25], $0x3000  }
0x9f: {  	[sflag:s25] =	ssyncset.done $0x0  }
0xa0: {  	[sflag:s25] =	ssyncadd.s32 $0xFFFFD000  }
0xa1: {  	[tilespmem:s24], [sflag:$0x1] =	stream.indirect.gather [hbm4b:s4+s28], $0x80, s2, s28, $0xb8;
	[tilespmem:$0x1E000] =	vst v63  }
0xa2: {  	_ =	swait.ge [sflag:s11], $0x3000  }
0xa3: {  	[sflag:s11] =	ssyncset.done $0x0  }
0xa4: {  	s21 =	simm.s32 $0xA00;
	[sflag:s11] =	ssyncadd.s32 $0xFFFFD000  }
0xa5: {  	[spmem:s1] =	stream.indirect.scatter.add.f32 [tilespmem:s30], [sflag:$0x5], $0x80, s21, s28, $0xb8;
	[tilespmem:$0x1E000] =	vst v63  }
0xa6: {  	_ =	swait.ge [sflag:s25], $0x3000  }
0xa7: {  	[sflag:s25] =	ssyncset.done $0x0  }
0xa8: {  	s19 =	simm.s32 $0x480;
	[sflag:s25] =	ssyncadd.s32 $0xFFFFD000  }
0xa9: {  	[tilespmem:s30], [sflag:$0x2] =	stream.indirect.gather [hbm4b:s4+s28], $0x80, s19, s28, $0xb8;
	[tilespmem:$0x1E000] =	vst v63  }
0xaa: {  	_ =	swait.ge [sflag:s14], $0x3000  }
0xab: {  	[sflag:s14] =	ssyncset.done $0x0  }
0xac: {  	s20 =	simm.s32 $0xA80;
	[sflag:s14] =	ssyncadd.s32 $0xFFFFD000  }
0xad: {  	[spmem:s1] =	stream.indirect.scatter.add.f32 [tilespmem:s0], [sflag:$0x5], $0x80, s20, s28, $0xb8;
	[tilespmem:$0x1E000] =	vst v63  }
0xae: {  	_ =	swait.ge [sflag:s25], $0x3000  }
0xaf: {  	p0 =	seq.s32 s16, $0x800;
	[sflag:s25] =	ssyncset.done $0x0  }
0xb0: {  	s21 =	simm.s32 $0x500;
	s19 =	sshrl.u32 @!p0 s18, $0x3;
	[sflag:s25] =	ssyncadd.s32 $0xFFFFD000  }
0xb1: {  	[tilespmem:s0], [sflag:$0x3] =	stream.indirect.gather [hbm4b:s4+s28], $0x80, s21, s28, $0xb8;
	[tilespmem:$0x1E000] =	vst v63  }
0xb2: {  	s20 =	sadd.s32 @!p0 s5, s19;
	s21 =	simm.s32 @!p0 $0x0  }
0xb3: {  	[tilespmem:s21], [sflag:$0x4] =	stream.linear.gather @!p0 [hbm4b:s20+s21], $0x300, $0x38;
	[tilespmem:$0x1E000] =	vst v63  }
0xb4: {  	s19 =	sadd.s32 @!p0 s6, s19;
	s20 =	simm.s32 @!p0 $0x800  }
0xb5: {  	[tilespmem:s20], [sflag:$0x4] =	stream.linear.gather @!p0 [hbm4b:s19+s21], $0x300, $0x38;
	[tilespmem:$0x1E000] =	vst v63  }
0xb6: {  	_ =	swait.ge [sflag:s9], $0x3000  }
0xb7: {  	[sflag:s9] =	ssyncset.done $0x0  }
0xb8: {  	[sflag:s9] =	ssyncadd.s32 $0xFFFFD000  }
0xb9: {  	[spmem:s1] =	stream.indirect.scatter.add.f32 [tilespmem:s24], [sflag:$0x5], $0x80, s8, s28, $0xb8;
	[tilespmem:$0x1E000] =	vst v63  }
0xba: {  	_ =	swait.ge [sflag:s25], $0x3000  }
0xbb: {  	[sflag:s25] =	ssyncset.done $0x0  }
0xbc: {  	[sflag:s25] =	ssyncadd.s32 $0xFFFFD000  }
0xbd: {  	[tilespmem:s24], [sflag:$0x1] =	stream.indirect.gather [hbm4b:s4+s28], $0x80, s29, s28, $0xb8;
	[tilespmem:$0x1E000] =	vst v63  }
0xbe: {  	_ =	swait.ge [sflag:s11], $0x3000  }
0xbf: {  	[sflag:s11] =	ssyncset.done $0x0  }
0xc0: {  	[sflag:s11] =	ssyncadd.s32 $0xFFFFD000  }
0xc1: {  	[spmem:s1] =	stream.indirect.scatter.add.f32 [tilespmem:s30], [sflag:$0x5], $0x80, s31, s28, $0xb8;
	[tilespmem:$0x1E000] =	vst v63  }
0xc2: {  	_ =	swait.ge [sflag:s25], $0x3000  }
0xc3: {  	[sflag:s25] =	ssyncset.done $0x0  }
0xc4: {  	[sflag:s25] =	ssyncadd.s32 $0xFFFFD000  }
0xc5: {  	[tilespmem:s30], [sflag:$0x2] =	stream.indirect.gather [hbm4b:s4+s28], $0x80, s10, s28, $0xb8;
	[tilespmem:$0x1E000] =	vst v63  }
0xc6: {  	_ =	swait.ge [sflag:s14], $0x3000  }
0xc7: {  	[sflag:s14] =	ssyncset.done $0x0  }
0xc8: {  	[sflag:s14] =	ssyncadd.s32 $0xFFFFD000  }
0xc9: {  	[spmem:s1] =	stream.indirect.scatter.add.f32 [tilespmem:s0], [sflag:$0x5], $0x80, s26, s28, $0xb8;
	[tilespmem:$0x1E000] =	vst v63  }
0xca: {  	_ =	swait.ge [sflag:s25], $0x3000  }
0xcb: {  	[sflag:s25] =	ssyncset.done $0x0  }
0xcc: {  	s19 =	simm.s32 @p0 $0x1;
	[sflag:s25] =	ssyncadd.s32 $0xFFFFD000  }
0xcd: {  	[tilespmem:s0], [sflag:$0x3] =	stream.indirect.gather [hbm4b:s4+s28], $0x80, s12, s28, $0xb8;
	[tilespmem:$0x1E000] =	vst v63  }
0xce: {  	_ =	swait.ge @p0 [sflag:s19], $0x3000  }
0xcf: {  	s7 =	simm.s32 @p0 $0x1000;
	[sflag:s19] =	ssyncset.done @p0 $0x0  }
0xd0: {  	s20 =	simm.s32 @p0 $0xD80;
	[sflag:s19] =	ssyncadd.s32 @p0 $0xFFFFD000;
	s19 =	simm.s32 @p0 $0x60  }
0xd1: {  	[spmem:s1] =	stream.indirect.scatter.add.f32 @p0 [tilespmem:s7], [sflag:$0x5], $0x80, s20, s19, $0xb8;
	[tilespmem:$0x1E000] =	vst v63  }
0xd2: {  	s7 =	simm.s32 @p0 $0x5  }
0xd3: {  	_ =	swait.ge @p0 [sflag:s7], $0x3000  }
0xd4: {  	[sflag:s7] =	ssyncset.done @p0 $0x0  }
0xd5: {  	[sflag:s7] =	ssyncadd.s32 @p0 $0xFFFFD000;
	s7 =	simm.s32 @!p0 $0x4  }
0xd6: {  	_ =	swait.ge @!p0 [sflag:s7], $0x300  }
0xd7: {  	[sflag:s7] =	ssyncset.done @!p0 $0x0  }
0xd8: {  	[sflag:s7] =	ssyncadd.s32 @!p0 $0xFFFFFD00  }
0xd9: {  	_ =	swait.ge @!p0 [sflag:s7], $0x300  }
0xda: {  	[sflag:s7] =	ssyncset.done @!p0 $0x0  }
0xdb: {  	[sflag:s7] =	ssyncadd.s32 @!p0 $0xFFFFFD00;
	s7 =	simm.s32 @!p0 $0x1  }
0xdc: {  	_ =	swait.ge @!p0 [sflag:s7], $0x3000  }
0xdd: {  	s19 =	simm.s32 @!p0 $0xD80;
	[sflag:s7] =	ssyncset.done @!p0 $0x0  }
0xde: {  	s20 =	simm.s32 @!p0 $0x1000;
	[sflag:s7] =	ssyncadd.s32 @!p0 $0xFFFFD000;
	s7 =	simm.s32 @!p0 $0x60  }
0xdf: {  	[spmem:s1] =	stream.indirect.scatter.add.f32 @!p0 [tilespmem:s20], [sflag:$0x5], $0x80, s19, s7, $0xb8;
	[tilespmem:$0x1E000] =	vst v63  }
0xe0: {  	s19 =	simm.s32 @!p0 $0x5  }
0xe1: {  	_ =	swait.ge @!p0 [sflag:s19], $0x3000  }
0xe2: {  	[sflag:s19] =	ssyncset.done @!p0 $0x0  }
0xe3: {  	[sflag:s19] =	ssyncadd.s32 @!p0 $0xFFFFD000  }
0xe4: {  	[tilespmem:s20], [sflag:$0x1] =	stream.indirect.gather @!p0 [hbm4b:s4+s7], $0x80, s21, s7, $0xb8;
	[tilespmem:$0x1E000] =	vst v63  }
0xe5: {  	_ =	swait.ge [sflag:s11], $0x3000  }
0xe6: {  	[sflag:s11] =	ssyncset.done $0x0  }
.Ltmp3:
0xe7: {  	[sflag:s11] =	ssyncadd.s32 $0xFFFFD000;
	(pc) =	sbr.rel @p0 .LBB2_6-.Ltmp3, $4  }
0xe8: {  	[spmem:s1] =	stream.indirect.scatter.add.f32 [tilespmem:s30], [sflag:$0x5], $0x80, s13, s28, $0xb8;
	[tilespmem:$0x1E000] =	vst v63  }
0xe9: {  	_ =	swait.ge [sflag:s25], $0x3000  }
0xea: {  	[sflag:s25] =	ssyncset.done $0x0  }
0xeb: {  	[sflag:s25] =	ssyncadd.s32 $0xFFFFD000  }
0xec: {  	s7 =	simm.s32 $0x80  }
0xed: {  	[tilespmem:s30], [sflag:$0x2] =	stream.indirect.gather [hbm4b:s4+s28], $0x80, s7, s28, $0xb8;
	[tilespmem:$0x1E000] =	vst v63  }
0xee: {  	_ =	swait.ge [sflag:s14], $0x3000  }
0xef: {  	[sflag:s14] =	ssyncset.done $0x0  }
0xf0: {  	[sflag:s14] =	ssyncadd.s32 $0xFFFFD000  }
0xf1: {  	[spmem:s1] =	stream.indirect.scatter.add.f32 [tilespmem:s0], [sflag:$0x5], $0x80, s15, s28, $0xb8;
	[tilespmem:$0x1E000] =	vst v63  }
.Ltmp4:
0xf2: {  	_ = 	snop;
	(pc) =	sbr.rel .LBB2_4-.Ltmp4, $4  }
0xf3: {  	_ =	swait.ge [sflag:s25], $0x3000  }
0xf4: {  	s21 =	simm.s32 $0x100;
	[sflag:s25] =	ssyncset.done $0x0  }
0xf5: {  	s18 =	sadd.s32 $0x800, s18;
	s16 =	sadd.s32 $0x100, s16;
	[sflag:s25] =	ssyncadd.s32 $0xFFFFD000  }
0xf6: {  	[tilespmem:s0], [sflag:$0x3] =	stream.indirect.gather [hbm4b:s4+s28], $0x80, s21, s28, $0xb8;
	[tilespmem:$0x1E000] =	vst v63  }
.LBB2_7:
0xf7: {  	_ =	sfence.sel $0x180000  }
0xf8: {  	[bflag:$0x0] =	sbarrier.arrive $0xFFFF  }
0xf9: {  	_ =	strace $0x9000004A  }
0xfa: {  	s0 =	stileid.u32;
	[bflag:$0x2] =	sbarrier.arrive $0xFFFF  }
0xfb: {  	p0 =	sne.s32 s0, $0x0;
	s0 =	rddreg [dreg:$0x2]  }
0xfc: {  	s0 =	sadd.s32 @!p0 $0x100000, s0  }
0xfd: {  	[sflag:s0] =	ssyncadd.tile.s32 @!p0 $0x1;
	_ =	shalt  }
.Lfunc_end2:
_tile_overlayer_lowered:
.L_overlay_start_2:
0xfe: {  	(tag) =	ssettag $0x2  }
0xff: {  	s0 =	rddreg [dreg:$0x0];
	s2 =	stileid.u32  }
0x100: {  	s1 =	rddreg [dreg:$0x1];
	p0 =	sne.s32 s2, $0x0  }
0x101: {  	s3 =	rddreg [dreg:$0x2];
	[bflag:$0x3] =	sbarrier.arrive $0xFFFF;
	s2 =	simm.s32 @!p0 $0x1C05  }
0x102: {  	[timem:s3], [sflag:s2] =	dma.local @!p0 [hbm:s0], s1  }
0x103: {  	s0 =	simm.s32 @!p0 $0x5  }
0x104: {  	_ =	swait.ge @!p0 [sflag:s0], s1  }
0x105: {  	s1 =	ssub.s32 @!p0 $0x0, s1;
	[sflag:s0] =	ssyncset.done @!p0 $0x0  }
0x106: {  	[sflag:s0] =	ssyncadd.s32 @!p0 s1  }
0x107: {  	[bflag:$0x3] =	sbarrier.arrive $0xFFFF  }
0x108: {  	_ =	shalt  }

// kernel: kernel.5.cloned.1.call-start
scs
__scs_entry_jumppad:
0x0: {  	(pc) =	sbr.rel $0x88, $3  }
0x1: {  	(tag) =	ssettag $0x0;
	lr =	simm.s32 $0x1  }
0x2: {  	[smem:$0x3F9A] =	sst lr;
	_ =	strace $0xD0000000  }
0x3: {  	_ = 	snop  }
0x4: {  	_ = 	snop  }
0x5: {  	_ = 	snop  }
0x6: {  	_ = 	snop  }
0x7: {  	_ = 	snop  }
__scs_overlays_trampoline_lowered:
0x8: {  	[smem:$0x3FA9] =	sst s0  }
0x9: {  	[smem:$0x3FAA] =	sst s1  }
0xa: {  	[smem:$0x3FAB] =	sst s2  }
0xb: {  	[smem:$0x3FAC] =	sst s3  }
0xc: {  	[smem:$0x3FAD] =	sst s4  }
0xd: {  	[smem:$0x3FAE] =	sst s5  }
0xe: {  	[smem:$0x3FAF] =	sst s6  }
0xf: {  	[smem:$0x3FB0] =	sst s7  }
0x10: {  	[smem:$0x3FB1] =	sst s8  }
0x11: {  	[smem:$0x3FB2] =	sst s9;
	s0 =	simm.s32 @!p0 $0x0  }
0x12: {  	s1 =	sld [smem:$0x3F98];
	s0 =	simm.s32 @p0 $0x1  }
0x13: {  	[smem:$0x3FB3] =	sst s0;
	s0 =	simm.s32 @!p1 $0x0  }
0x14: {  	s2 =	sld [smem:$0x3F97];
	s0 =	simm.s32 @p1 $0x1  }
0x15: {  	[smem:$0x3FB4] =	sst s0;
	s0 =	simm.s32 @!p2 $0x0  }
0x16: {  	s3 =	sld [smem:$0x3FDB];
	s0 =	simm.s32 @p2 $0x1  }
0x17: {  	s4 =	simm.s32 $0x1BF5;
	[smem:$0x3FB6] =	sst s0  }
0x18: {  	s0 =	sld [smem:$0x3F99];
	_ =	swait.ge [sflag:s4], $0x0  }
0x19: {  	s7 =	sld [smem:$0x3F9A]  }
0x1a: {  	s8 =	sadd.s32 $0xFFFFE003, lr  }
0x1b: {  	s9 =	sadd.s32 $0xFFFFFEF7, lr;
	s5 =	simm.s32 $0xFFFFFFFF;
	p2 =	slt.u32 s8, $0xFFFFF086  }
0x1c: {  	p1 =	slt.u32 s9, $0xF7A;
	s5 =	simm.s32 @!p2 $0x0  }
0x1d: {  	s5 =	simm.s32 @p1 $0x1;
	p0 =	seq.s32 s7, s2  }
0x1e: {  	s7 =	smul.u32 @!p0 $0xF7A, s2;
	p2 =	seq.s32 @!p0 s5, $0x0  }
0x1f: {  	s9 =	smul.u32 $0xF7A, s1;
	s8 =	simm.s32 @!p0 $0x1BF5;
	p2 =	por !p2, p0  }
0x20: {  	[sflag:s8] =	ssyncset.s32 @!p0 $0xFFFFF086;
	s6 =	sadd.s32 @!p0 s3, s7;
	s7 =	simm.s32 @!p0 $0x108  }
0x21: {  	s3 =	sadd.s32 s3, s9;
	s6 =	sadd.s32 @!p0 $0x88, s6;
	s7 =	simm.s32 @p2 $0x1082  }
0x22: {  	[simem:s7], [sflag:s8] =	dma.local @!p0 [hbm:s6], $0xF7A  }
0x23: {  	s9 =	sor.u32 $0xD0000000, s2;
	s6 =	simm.s32 $0x108;
	_ =	swait.ge @!p0 [sflag:s8], $0x0  }
0x24: {  	s3 =	sadd.s32 $0x88, s3;
	s6 =	simm.s32 @!p1 $0x1082;
	[sflag:s4] =	ssyncset.s32 $0xFFFFF086  }
0x25: {  	[simem:s6], [sflag:s4] =	dma.local [hbm:s3], $0xF7A  }
0x26: {  	[smem:$0x3F9A] =	sst s1;
	(tag) =	ssettag s2;
	_ =	strace s9  }
0x27: {  	s1 =	sld [smem:$0x3FAA]  }
0x28: {  	s2 =	sld [smem:$0x3FAB]  }
0x29: {  	s4 =	sld [smem:$0x3FAD]  }
0x2a: {  	p0 =	seq.s32 s5, $0x0;
	s5 =	sld [smem:$0x3FAE]  }
0x2b: {  	s6 =	sld [smem:$0x3FAF]  }
0x2c: {  	s7 =	sld [smem:$0x3FB0]  }
0x2d: {  	s3 =	simm.s32 $0x108;
	s8 =	sld [smem:$0x3FB1]  }
0x2e: {  	s3 =	simm.s32 @!p0 $0x1082;
	s9 =	sld [smem:$0x3FB2]  }
0x2f: {  	lr =	sadd.s32 s0, s3;
	s0 =	sld [smem:$0x3FA9]  }
0x30: {  	s3 =	sld [smem:$0x3FAC]  }
0x31: {  	[smem:$0x3FB5] =	sst s10  }
0x32: {  	s10 =	sld [smem:$0x3FB3];
	_ =	sdelay $0x3  }
0x33: {  	p0 =	seq.s32 s10, $0x1;
	s10 =	sld [smem:$0x3FB5];
	_ =	sdelay $0x3  }
0x34: {  	[smem:$0x3FB5] =	sst s10  }
0x35: {  	s10 =	sld [smem:$0x3FB4];
	_ =	sdelay $0x3  }
0x36: {  	p1 =	seq.s32 s10, $0x1;
	s10 =	sld [smem:$0x3FB5];
	_ =	sdelay $0x3  }
0x37: {  	[smem:$0x3FB5] =	sst s10  }
0x38: {  	s10 =	sld [smem:$0x3FB6]  }
0x39: {  	_ = 	snop;
	(pc) =	sbr.ind lr, $3  }
0x3a: {  	_ = 	snop  }
0x3b: {  	_ = 	snop  }
0x3c: {  	p2 =	seq.s32 s10, $0x1;
	s10 =	sld [smem:$0x3FB5]  }
0x3d: {  	_ =	shalt  }
0x3e: {  	_ =	shalt  }
0x3f: {  	_ =	shalt  }
0x40: {  	_ =	shalt  }
0x41: {  	_ =	shalt  }
0x42: {  	_ =	shalt  }
0x43: {  	_ =	shalt  }
0x44: {  	_ =	shalt  }
0x45: {  	_ =	shalt  }
0x46: {  	_ =	shalt  }
0x47: {  	_ =	shalt  }
0x48: {  	_ =	shalt  }
0x49: {  	_ =	shalt  }
0x4a: {  	_ =	shalt  }
0x4b: {  	_ =	shalt  }
0x4c: {  	_ =	shalt  }
0x4d: {  	_ =	shalt  }
0x4e: {  	_ =	shalt  }
0x4f: {  	_ =	shalt  }
0x50: {  	_ =	shalt  }
0x51: {  	_ =	shalt  }
0x52: {  	_ =	shalt  }
0x53: {  	_ =	shalt  }
0x54: {  	_ =	shalt  }
0x55: {  	_ =	shalt  }
0x56: {  	_ =	shalt  }
0x57: {  	_ =	shalt  }
0x58: {  	_ =	shalt  }
0x59: {  	_ =	shalt  }
0x5a: {  	_ =	shalt  }
0x5b: {  	_ =	shalt  }
0x5c: {  	_ =	shalt  }
0x5d: {  	_ =	shalt  }
0x5e: {  	_ =	shalt  }
0x5f: {  	_ =	shalt  }
0x60: {  	_ =	shalt  }
0x61: {  	_ =	shalt  }
0x62: {  	_ =	shalt  }
0x63: {  	_ =	shalt  }
0x64: {  	_ =	shalt  }
0x65: {  	_ =	shalt  }
0x66: {  	_ =	shalt  }
0x67: {  	_ =	shalt  }
0x68: {  	_ =	shalt  }
0x69: {  	_ =	shalt  }
0x6a: {  	_ =	shalt  }
0x6b: {  	_ =	shalt  }
0x6c: {  	_ =	shalt  }
0x6d: {  	_ =	shalt  }
0x6e: {  	_ =	shalt  }
0x6f: {  	_ =	shalt  }
0x70: {  	_ =	shalt  }
0x71: {  	_ =	shalt  }
0x72: {  	_ =	shalt  }
0x73: {  	_ =	shalt  }
0x74: {  	_ =	shalt  }
0x75: {  	_ =	shalt  }
0x76: {  	_ =	shalt  }
0x77: {  	_ =	shalt  }
0x78: {  	_ =	shalt  }
0x79: {  	_ =	shalt  }
0x7a: {  	_ =	shalt  }
0x7b: {  	_ =	shalt  }
0x7c: {  	_ =	shalt  }
0x7d: {  	_ =	shalt  }
0x7e: {  	_ =	shalt  }
0x7f: {  	_ =	shalt  }
0x80: {  	_ =	shalt  }
0x81: {  	_ =	shalt  }
0x82: {  	_ =	shalt  }
0x83: {  	_ =	shalt  }
0x84: {  	_ =	shalt  }
0x85: {  	_ =	shalt  }
0x86: {  	_ =	shalt  }
0x87: {  	_ =	shalt  }
.Lfunc_end0:
.L_simem_size_0:
called_computation.1_lowered:
.L_overlay_start_0:
0x88: {  	s2 =	sld [smem:$0x3FD9]  }
0x89: {  	s3 =	sld [smem:$0x3FFE];
	_ =	sdelay $0x1  }
0x8a: {  	s1 =	srdreg.scid  }
0x8b: {  	s0 =	sand.u32 $0x1, s1  }
0x8c: {  	s17 =	sshll.u32 s0, $0xA;
	s2 =	sadd.s32 s3, s2  }
0x8d: {  	s2 =	sadd.s32 s2, s17  }
0x8e: {  	[smem:$0x3FC1] =	sst s2  }
0x8f: {  	_ = 	snop  }
0x90: {  	s2 =	sld [smem:$0x3FD0];
	(tm) =	ssettm $0x1  }
0x91: {  	s18 =	sld [smem:$0x3FFB];
	_ =	sdelay $0x3  }
0x92: {  	_ =	strace s18  }
0x93: {  	s3 =	sld [smem:$0x3FFC];
	_ =	sdelay $0x3  }
0x94: {  	_ =	strace s3  }
0x95: {  	s3 =	sld [smem:$0x3FFD];
	_ =	sdelay $0x3  }
0x96: {  	_ =	strace s3  }
0x97: {  	_ =	strace $0x8FFFFFFF  }
0x98: {  	s19 =	sld [smem:$0x3FDB];
	_ =	sdelay $0x1  }
0x99: {  	s4 =	simm.s32 $_scs_section_size  }
0x9a: {  	s5 =	simm.s32 $_size__tile_overlayer_lowered;
	s6 =	simm.s32 $_tile_overlayer_lowered  }
0x9b: {  	s22 =	simm.s32 $0x1BFF;
	s21 =	sshll.u32 s6, $0x1;
	s3 =	sadd.s32 s4, s19  }
0x9c: {  	s7 =	simm.s32 $0x0;
	s20 =	sshll.u32 s5, $0x1;
	s5 =	sadd.s32 s21, s3  }
0x9d: {  	[timem:s7], [sflag:s22] =	dma.local [hbm:s5], s20  }
0x9e: {  	_ =	swait.ge [sflag:s22], s20  }
0x9f: {  	s4 =	ssub.s32 $0x0, s20;
	[sflag:s22] =	ssyncset.done $0x0  }
0xa0: {  	[sflag:s22] =	ssyncadd.s32 s4;
	_ =	sdelay $0x1  }
0xa1: {  	s23 =	simm.s32 $0x1B8B  }
0xa2: {  	_ =	swait.ge [sflag:s23], $0x1  }
0xa3: {  	[sflag:s23] =	ssyncset.done $0x0  }
0xa4: {  	s25 =	simm.s32 $0x1B8E;
	s24 =	sld [smem:$0x3FFE];
	[sflag:s23] =	ssyncadd.s32 $0xFFFFFFFF  }
0xa5: {  	s26 =	simm.s32 $execute0_lowered;
	[smem:$0x3FD2] =	sst s25  }
0xa6: {  	s5 =	sshll.u32 s26, $0x1;
	_ =	strace $0x80000046;
	[dreg:$0x1] =	wrdreg $0xFFFFFFFF  }
0xa7: {  	s28 =	simm.s32 $_size_execute0_lowered;
	s3 =	sadd.s32 s3, s5;
	[dreg:$0x0] =	wrdreg $0x0  }
0xa8: {  	s5 =	sshll.u32 s28, $0x1;
	[dreg:$0x2] =	wrdreg s3  }
0xa9: {  	[dreg:$0x3] =	wrdreg s5  }
0xaa: {  	[dreg:$0x4] =	wrdreg $0xC0  }
0xab: {  	_ =	task [dreg:s7], $0x5FFFF  }
0xac: {  	[dreg:$0x1] =	wrdreg $0xFFFFFFFF  }
0xad: {  	[dreg:$0x0] =	wrdreg $0x60  }
0xae: {  	[dreg:$0x2] =	wrdreg s24  }
0xaf: {  	[dreg:$0x3] =	wrdreg s2  }
0xb0: {  	[dreg:$0x4] =	wrdreg $0x4B000  }
0xb1: {  	[dreg:$0x5] =	wrdreg $0x9  }
0xb2: {  	_ =	task.clear_ibuf [dreg:s7], $0x6FFFF;
	_ =	strace $0x90000046  }
0xb3: {  	s29 =	simm.s32 $0x9;
	_ =	strace $0x80000048  }
0xb4: {  	_ =	swait.ge [sflag:s29], $0x1  }
0xb5: {  	[sflag:s29] =	ssyncadd.s32 $0xFFFFFFFF  }
0xb6: {  	_ =	strace $0x90000048  }
0xb7: {  	_ =	sfence  }
0xb8: {  	s30 =	sld [smem:$0x0];
	_ =	sdelay $0x2  }
0xb9: {  	s31 =	sshll.u32 s1, $0xD;
	s1 =	sshrl.u32 s1, $0x2  }
0xba: {  	s3 =	sand.u32 $0x4000, s31;
	s1 =	sadd.s32 s1, s30  }
0xbb: {  	s0 =	sor.u32 s3, s0;
	s1 =	sshll.u32 s1, $0x11  }
0xbc: {  	s0 =	sor.u32 s1, s0  }
0xbd: {  	s0 =	sadd.s32 $0x8F2B, s0  }
0xbe: {  	[sflag:s0] =	ssyncadd.remote.s32 $0x1  }
0xbf: {  	_ =	sfence.sel $0xFFFF  }
0xc0: {  	[dreg:$0x0] =	wrdreg $0xFFFFFFFF;
	(pc) =	sbr.abs _section_cstart, $3  }
0xc1: {  	[dreg:$0x1] =	wrdreg $0xFFFFFFFF  }
0xc2: {  	_ =	task.clear_ibuf [dreg:s7], $0x2FFFF;
	_ =	strace $0x9FFFFFFF  }
0xc3: {  	(tm) =	ssettm $0x7FFFFFFF  }
tec
execute0_lowered:
.L_overlay_start_1:
0x0: {  	(tag) =	ssettag $0x1  }
0x1: {  	s0 =	rddreg [dreg:$0x0]  }
0x2: {  	s1 =	rddreg [dreg:$0x1];
	s3 =	srdreg.scid  }
0x3: {  	s8 =	stileid.u32;
	s2 =	rddreg [dreg:$0x2]  }
0x4: {  	s26 =	simm.s32 $0x1;
	s29 =	simm.s32 $0x60;
	s30 =	simm.s32 $0x4800  }
0x5: {  	s4 =	sand.u32 $0x1, s3;
	s5 =	sshll.u32 s8, $0x1;
	s6 =	smul.u32 $0x500, s8  }
0x6: {  	s3 =	simm.s32 $0x0;
	s8 =	smul.u32 $0xA00, s8;
	s5 =	sor.u32 s4, s5  }
0x7: {  	[smem:$0x7FF] =	sst s3;
	s7 =	ssub.s32 $0x2, s4;
	s4 =	sshll.u32 s4, $0x7  }
0x8: {  	s5 =	smul.u32 $0x900, s5;
	_ =	strace $0x80000047;
	s28 =	sshrl.u32 s7, $0x1  }
0x9: {  	s4 =	sor.u32 s4, s6;
	s31 =	sshrl.u32 s8, $0x2;
	s7 =	ssub.s32 s7, s28  }
0xa: {  	s6 =	sshrl.u32 s4, $0x3;
	s0 =	sadd.s32 s5, s0;
	s5 =	sadd.s32 s31, s2  }
0xb: {  	s6 =	sadd.s32 s1, s6;
	s7 =	smax.u32 s7, $0x1;
	s4 =	sadd.s32 $0x1E00, s0  }
0xc: {  	s8 =	sadd.s32 $0x1E80, s0;
	s9 =	sadd.s32 $0x1F00, s0;
	s10 =	sadd.s32 $0x1F80, s0  }
0xd: {  	s11 =	sadd.s32 $0x2000, s0;
	s12 =	sadd.s32 $0x2080, s0;
	s13 =	sadd.s32 $0x2100, s0  }
0xe: {  	s14 =	sadd.s32 $0x2180, s0;
	s15 =	sadd.s32 $0x2200, s0;
	s16 =	sadd.s32 $0x2280, s0  }
0xf: {  	s17 =	sadd.s32 $0x2300, s0;
	s18 =	sadd.s32 $0x2380, s0;
	s19 =	sadd.s32 $0x2400, s0  }
0x10: {  	s20 =	sadd.s32 $0x2480, s0;
	s21 =	sadd.s32 $0x2500, s0;
	s22 =	sadd.s32 $0x2580, s0  }
0x11: {  	v0 =	vimm.f32 $1.000000000e+00;
	v1 =	vimm.f32 $0.0e+00;
	s23 =	sadd.s32 $0x2600, s0;
	s24 =	sadd.s32 $0x2680, s0;
	s0 =	simm.s32 $0x0  }
.LBB2_1:
0x12: {  	[tilespmem:s3], [sflag:$0x1] =	stream.linear.gather [hbm4b:s4+s3], $0x300, $0x38;
	[tilespmem:$0x4D80] =	vst v63  }
0x13: {  	s1 =	simm.s32 $0x400  }
0x14: {  	[tilespmem:s1], [sflag:$0x1] =	stream.linear.gather [hbm4b:s8+s3], $0x300, $0x38;
	[tilespmem:$0x4D80] =	vst v63  }
0x15: {  	s25 =	simm.s32 $0x800  }
0x16: {  	[tilespmem:s25], [sflag:$0x1] =	stream.linear.gather [hbm4b:s9+s3], $0x300, $0x38;
	[tilespmem:$0x4D80] =	vst v63  }
0x17: {  	s31 =	simm.s32 $0xC00  }
0x18: {  	[tilespmem:s31], [sflag:$0x1] =	stream.linear.gather [hbm4b:s10+s3], $0x300, $0x38;
	[tilespmem:$0x4D80] =	vst v63  }
0x19: {  	s25 =	simm.s32 $0x1000  }
0x1a: {  	[tilespmem:s25], [sflag:$0x1] =	stream.linear.gather [hbm4b:s11+s3], $0x300, $0x38;
	[tilespmem:$0x4D80] =	vst v63  }
0x1b: {  	s31 =	simm.s32 $0x1400  }
0x1c: {  	[tilespmem:s31], [sflag:$0x1] =	stream.linear.gather [hbm4b:s12+s3], $0x300, $0x38;
	[tilespmem:$0x4D80] =	vst v63  }
0x1d: {  	s25 =	simm.s32 $0x1800  }
0x1e: {  	[tilespmem:s25], [sflag:$0x1] =	stream.linear.gather [hbm4b:s13+s3], $0x300, $0x38;
	[tilespmem:$0x4D80] =	vst v63  }
0x1f: {  	s31 =	simm.s32 $0x1C00  }
0x20: {  	[tilespmem:s31], [sflag:$0x1] =	stream.linear.gather [hbm4b:s14+s3], $0x300, $0x38;
	[tilespmem:$0x4D80] =	vst v63  }
0x21: {  	s25 =	simm.s32 $0x2000  }
0x22: {  	[tilespmem:s25], [sflag:$0x1] =	stream.linear.gather [hbm4b:s15+s3], $0x300, $0x38;
	[tilespmem:$0x4D80] =	vst v63  }
0x23: {  	s31 =	simm.s32 $0x2400  }
0x24: {  	[tilespmem:s31], [sflag:$0x1] =	stream.linear.gather [hbm4b:s16+s3], $0x300, $0x38;
	[tilespmem:$0x4D80] =	vst v63  }
0x25: {  	s25 =	simm.s32 $0x2800  }
0x26: {  	[tilespmem:s25], [sflag:$0x1] =	stream.linear.gather [hbm4b:s17+s3], $0x300, $0x38;
	[tilespmem:$0x4D80] =	vst v63  }
0x27: {  	s31 =	simm.s32 $0x2C00  }
0x28: {  	[tilespmem:s31], [sflag:$0x1] =	stream.linear.gather [hbm4b:s18+s3], $0x300, $0x38;
	[tilespmem:$0x4D80] =	vst v63  }
0x29: {  	s25 =	simm.s32 $0x3000  }
0x2a: {  	[tilespmem:s25], [sflag:$0x1] =	stream.linear.gather [hbm4b:s19+s3], $0x300, $0x38;
	[tilespmem:$0x4D80] =	vst v63  }
0x2b: {  	s31 =	simm.s32 $0x3400  }
0x2c: {  	[tilespmem:s31], [sflag:$0x1] =	stream.linear.gather [hbm4b:s20+s3], $0x300, $0x38;
	[tilespmem:$0x4D80] =	vst v63  }
0x2d: {  	s25 =	simm.s32 $0x3800  }
0x2e: {  	[tilespmem:s25], [sflag:$0x1] =	stream.linear.gather [hbm4b:s21+s3], $0x300, $0x38;
	[tilespmem:$0x4D80] =	vst v63  }
0x2f: {  	s31 =	simm.s32 $0x3C00  }
0x30: {  	[tilespmem:s31], [sflag:$0x1] =	stream.linear.gather [hbm4b:s22+s3], $0x300, $0x38;
	[tilespmem:$0x4D80] =	vst v63  }
0x31: {  	s25 =	simm.s32 $0x4000  }
0x32: {  	[tilespmem:s25], [sflag:$0x1] =	stream.linear.gather [hbm4b:s23+s3], $0x300, $0x38;
	[tilespmem:$0x4D80] =	vst v63  }
0x33: {  	s31 =	simm.s32 $0x4400  }
0x34: {  	[tilespmem:s31], [sflag:$0x1] =	stream.linear.gather [hbm4b:s24+s3], $0x300, $0x38;
	[tilespmem:$0x4D80] =	vst v63  }
0x35: {  	_ =	swait.ge [sflag:s26], $0x3600  }
0x36: {  	[sflag:s26] =	ssyncset.done $0x0  }
0x37: {  	[sflag:s26] =	ssyncadd.s32 $0xFFFFCA00  }
0x38: {  	[tilespmem:$0x4800] =	vst v0  }
0x39: {  	[tilespmem:$0x4810] =	vst v0  }
0x3a: {  	[tilespmem:$0x4820] =	vst v0  }
0x3b: {  	[tilespmem:$0x4830] =	vst v0  }
0x3c: {  	[tilespmem:$0x4840] =	vst v0  }
0x3d: {  	[tilespmem:$0x4850] =	vst v0  }
0x3e: {  	[tilespmem:$0x4880] =	vst v1  }
0x3f: {  	[tilespmem:$0x4890] =	vst v1  }
0x40: {  	[tilespmem:$0x48A0] =	vst v1  }
0x41: {  	[tilespmem:$0x48B0] =	vst v1  }
0x42: {  	[tilespmem:$0x48C0] =	vst v1  }
0x43: {  	[tilespmem:$0x48D0] =	vst v1  }
0x44: {  	[tilespmem:$0x48E0] =	vst v1  }
0x45: {  	[tilespmem:$0x48F0] =	vst v1  }
0x46: {  	[tilespmem:$0x4900] =	vst v1  }
0x47: {  	[tilespmem:$0x4910] =	vst v1  }
0x48: {  	[tilespmem:$0x4920] =	vst v1  }
0x49: {  	[tilespmem:$0x4930] =	vst v1  }
0x4a: {  	[tilespmem:$0x4940] =	vst v1  }
0x4b: {  	[tilespmem:$0x4950] =	vst v1  }
0x4c: {  	[tilespmem:$0x4960] =	vst v1  }
0x4d: {  	[tilespmem:$0x4970] =	vst v1  }
0x4e: {  	[tilespmem:$0x4980] =	vst v1  }
0x4f: {  	[tilespmem:$0x4990] =	vst v1  }
0x50: {  	[tilespmem:$0x49A0] =	vst v1  }
0x51: {  	[tilespmem:$0x49B0] =	vst v1  }
0x52: {  	[tilespmem:$0x49C0] =	vst v1  }
0x53: {  	[tilespmem:$0x49D0] =	vst v1  }
0x54: {  	[tilespmem:$0x49E0] =	vst v1  }
0x55: {  	[tilespmem:$0x49F0] =	vst v1  }
0x56: {  	[tilespmem:$0x4A00] =	vst v1  }
0x57: {  	[tilespmem:$0x4A10] =	vst v1  }
0x58: {  	[tilespmem:$0x4A20] =	vst v1  }
0x59: {  	[tilespmem:$0x4A30] =	vst v1  }
0x5a: {  	[tilespmem:$0x4A40] =	vst v1  }
0x5b: {  	[tilespmem:$0x4A50] =	vst v1  }
0x5c: {  	[tilespmem:$0x4A60] =	vst v1  }
0x5d: {  	[tilespmem:$0x4A70] =	vst v1  }
0x5e: {  	[tilespmem:$0x4A80] =	vst v1  }
0x5f: {  	[tilespmem:$0x4A90] =	vst v1  }
0x60: {  	[tilespmem:$0x4AA0] =	vst v1  }
0x61: {  	[tilespmem:$0x4AB0] =	vst v1  }
0x62: {  	[tilespmem:$0x4AC0] =	vst v1  }
0x63: {  	[tilespmem:$0x4AD0] =	vst v1  }
0x64: {  	[tilespmem:$0x4AE0] =	vst v1  }
0x65: {  	s25 =	simm.s32 $0x4880;
	[tilespmem:$0x4AF0] =	vst v1  }
0x66: {  	[spmem:s5] =	stream.linear.scatter [tilespmem:s25], [sflag:$0x1], $0x280, $0x38;
	[tilespmem:$0x4D80] =	vst v63  }
0x67: {  	_ =	swait.ge [sflag:s26], $0x280  }
0x68: {  	[sflag:s26] =	ssyncset.done $0x0  }
0x69: {  	[sflag:s26] =	ssyncadd.s32 $0xFFFFFD80  }
0x6a: {  	s25 =	simm.s32 $0x0;
	[bflag:$0x0] =	sbarrier.arrive $0xFFFF  }
0x6b: {  	[spmem:s2] =	stream.indirect.scatter.add.f32 [tilespmem:s30], [sflag:$0x1], $0x1, s25, s29, $0xb8;
	[tilespmem:$0x4D80] =	vst v63  }
0x6c: {  	_ =	swait.ge [sflag:s26], $0x60  }
0x6d: {  	[sflag:s26] =	ssyncset.done $0x0  }
0x6e: {  	s31 =	simm.s32 $0x80;
	[sflag:s26] =	ssyncadd.s32 $0xFFFFFFA0  }
0x6f: {  	[spmem:s2] =	stream.indirect.scatter.add.f32 [tilespmem:s30], [sflag:$0x1], $0x1, s31, s29, $0xb8;
	[tilespmem:$0x4D80] =	vst v63  }
0x70: {  	_ =	swait.ge [sflag:s26], $0x60  }
0x71: {  	[sflag:s26] =	ssyncset.done $0x0  }
0x72: {  	s1 =	simm.s32 $0x100;
	[sflag:s26] =	ssyncadd.s32 $0xFFFFFFA0  }
0x73: {  	[spmem:s2] =	stream.indirect.scatter.add.f32 [tilespmem:s30], [sflag:$0x1], $0x1, s1, s29, $0xb8;
	[tilespmem:$0x4D80] =	vst v63  }
0x74: {  	_ =	swait.ge [sflag:s26], $0x60  }
0x75: {  	[sflag:s26] =	ssyncset.done $0x0  }
0x76: {  	s31 =	simm.s32 $0x180;
	[sflag:s26] =	ssyncadd.s32 $0xFFFFFFA0  }
0x77: {  	[spmem:s2] =	stream.indirect.scatter.add.f32 [tilespmem:s30], [sflag:$0x1], $0x1, s31, s29, $0xb8;
	[tilespmem:$0x4D80] =	vst v63  }
0x78: {  	_ =	swait.ge [sflag:s26], $0x60  }
0x79: {  	[sflag:s26] =	ssyncset.done $0x0  }
0x7a: {  	s1 =	simm.s32 $0x200;
	[sflag:s26] =	ssyncadd.s32 $0xFFFFFFA0  }
0x7b: {  	[spmem:s2] =	stream.indirect.scatter.add.f32 [tilespmem:s30], [sflag:$0x1], $0x1, s1, s29, $0xb8;
	[tilespmem:$0x4D80] =	vst v63  }
0x7c: {  	_ =	swait.ge [sflag:s26], $0x60  }
0x7d: {  	[sflag:s26] =	ssyncset.done $0x0  }
0x7e: {  	s31 =	simm.s32 $0x280;
	[sflag:s26] =	ssyncadd.s32 $0xFFFFFFA0  }
0x7f: {  	[spmem:s2] =	stream.indirect.scatter.add.f32 [tilespmem:s30], [sflag:$0x1], $0x1, s31, s29, $0xb8;
	[tilespmem:$0x4D80] =	vst v63  }
0x80: {  	_ =	swait.ge [sflag:s26], $0x60  }
0x81: {  	s28 =	simm.s32 $0x2000;
	s25 =	simm.s32 $0x1000;
	[sflag:s26] =	ssyncset.done $0x0  }
.LBB2_2:
0x82: {  	s31 =	sshra.s32 s25, $0x2  }
0x83: {  	[sflag:s26] =	ssyncadd.s32 $0xFFFFFFA0;
	s25 =	smov.u32 s28;
	s1 =	sadd.s32 $0x1000, s28  }
0x84: {  	[spmem:s2] =	stream.indirect.scatter.add.f32 [tilespmem:s30], [sflag:$0x1], $0x1, s31, s29, $0xb8;
	[tilespmem:$0x4D80] =	vst v63  }
0x85: {  	p0 =	sne.s32 s28, $0x11000;
	_ =	swait.ge [sflag:s26], $0x60  }
0x86: {  	[sflag:s26] =	ssyncset.done $0x0  }
0x87: {  	s28 =	sadd.s32 $0x80, s31;
	[sflag:s26] =	ssyncadd.s32 $0xFFFFFFA0  }
0x88: {  	[spmem:s2] =	stream.indirect.scatter.add.f32 [tilespmem:s30], [sflag:$0x1], $0x1, s28, s29, $0xb8;
	[tilespmem:$0x4D80] =	vst v63  }
0x89: {  	_ =	swait.ge [sflag:s26], $0x60  }
0x8a: {  	[sflag:s26] =	ssyncset.done $0x0  }
0x8b: {  	s28 =	sadd.s32 $0x100, s31;
	[sflag:s26] =	ssyncadd.s32 $0xFFFFFFA0  }
0x8c: {  	[spmem:s2] =	stream.indirect.scatter.add.f32 [tilespmem:s30], [sflag:$0x1], $0x1, s28, s29, $0xb8;
	[tilespmem:$0x4D80] =	vst v63  }
0x8d: {  	_ =	swait.ge [sflag:s26], $0x60  }
0x8e: {  	[sflag:s26] =	ssyncset.done $0x0  }
0x8f: {  	s28 =	sadd.s32 $0x180, s31;
	[sflag:s26] =	ssyncadd.s32 $0xFFFFFFA0  }
0x90: {  	[spmem:s2] =	stream.indirect.scatter.add.f32 [tilespmem:s30], [sflag:$0x1], $0x1, s28, s29, $0xb8;
	[tilespmem:$0x4D80] =	vst v63  }
0x91: {  	_ =	swait.ge [sflag:s26], $0x60  }
0x92: {  	[sflag:s26] =	ssyncset.done $0x0  }
0x93: {  	s28 =	sadd.s32 $0x200, s31;
	[sflag:s26] =	ssyncadd.s32 $0xFFFFFFA0  }
0x94: {  	[spmem:s2] =	stream.indirect.scatter.add.f32 [tilespmem:s30], [sflag:$0x1], $0x1, s28, s29, $0xb8;
	[tilespmem:$0x4D80] =	vst v63  }
0x95: {  	_ =	swait.ge [sflag:s26], $0x60  }
.Ltmp0:
0x96: {  	[sflag:s26] =	ssyncset.done $0x0;
	(pc) =	sbr.rel @p0 .LBB2_2-.Ltmp0, $4  }
0x97: {  	s28 =	sadd.s32 $0x280, s31;
	[sflag:s26] =	ssyncadd.s32 $0xFFFFFFA0  }
0x98: {  	[spmem:s2] =	stream.indirect.scatter.add.f32 [tilespmem:s30], [sflag:$0x1], $0x1, s28, s29, $0xb8;
	[tilespmem:$0x4D80] =	vst v63  }
0x99: {  	_ =	swait.ge [sflag:s26], $0x60  }
0x9a: {  	s28 =	smov.u32 s1;
	[sflag:s26] =	ssyncset.done $0x0  }
0x9b: {  	s1 =	sshra.s32 s25, $0x2;
	[sflag:s26] =	ssyncadd.s32 $0xFFFFFFA0  }
0x9c: {  	[spmem:s2] =	stream.indirect.scatter.add.f32 [tilespmem:s30], [sflag:$0x1], $0x1, s1, s29, $0xb8;
	[tilespmem:$0x4D80] =	vst v63  }
0x9d: {  	_ =	swait.ge [sflag:s26], $0x60  }
0x9e: {  	[sflag:s26] =	ssyncset.done $0x0  }
0x9f: {  	s25 =	sadd.s32 $0x80, s1;
	[sflag:s26] =	ssyncadd.s32 $0xFFFFFFA0  }
0xa0: {  	[spmem:s2] =	stream.indirect.scatter.add.f32 [tilespmem:s30], [sflag:$0x1], $0x1, s25, s29, $0xb8;
	[tilespmem:$0x4D80] =	vst v63  }
0xa1: {  	_ =	swait.ge [sflag:s26], $0x60  }
0xa2: {  	[sflag:s26] =	ssyncset.done $0x0  }
0xa3: {  	s28 =	sadd.s32 $0x100, s1;
	[sflag:s26] =	ssyncadd.s32 $0xFFFFFFA0  }
0xa4: {  	[spmem:s2] =	stream.indirect.scatter.add.f32 [tilespmem:s30], [sflag:$0x1], $0x1, s28, s29, $0xb8;
	[tilespmem:$0x4D80] =	vst v63  }
0xa5: {  	_ =	swait.ge [sflag:s26], $0x60  }
0xa6: {  	[sflag:s26] =	ssyncset.done $0x0  }
0xa7: {  	s31 =	sadd.s32 $0x180, s1;
	[sflag:s26] =	ssyncadd.s32 $0xFFFFFFA0  }
0xa8: {  	[spmem:s2] =	stream.indirect.scatter.add.f32 [tilespmem:s30], [sflag:$0x1], $0x1, s31, s29, $0xb8;
	[tilespmem:$0x4D80] =	vst v63  }
0xa9: {  	_ =	swait.ge [sflag:s26], $0x60  }
0xaa: {  	[sflag:s26] =	ssyncset.done $0x0  }
0xab: {  	s28 =	sadd.s32 $0x200, s1;
	[sflag:s26] =	ssyncadd.s32 $0xFFFFFFA0  }
0xac: {  	[spmem:s2] =	stream.indirect.scatter.add.f32 [tilespmem:s30], [sflag:$0x1], $0x1, s28, s29, $0xb8;
	[tilespmem:$0x4D80] =	vst v63  }
0xad: {  	_ =	swait.ge [sflag:s26], $0x60  }
0xae: {  	[sflag:s26] =	ssyncset.done $0x0  }
0xaf: {  	s0 =	sadd.s32 $0x1, s0;
	s1 =	sadd.s32 $0x280, s1;
	[sflag:s26] =	ssyncadd.s32 $0xFFFFFFA0  }
0xb0: {  	[spmem:s2] =	stream.indirect.scatter.add.f32 [tilespmem:s30], [sflag:$0x1], $0x1, s1, s29, $0xb8;
	[tilespmem:$0x4D80] =	vst v63  }
0xb1: {  	p0 =	sne.s32 s0, s7;
	s25 =	sshrl.u32 s5, $0x3;
	_ =	swait.ge [sflag:s26], $0x60  }
0xb2: {  	s31 =	stileid.u32;
	s28 =	simm.s32 $0x20;
	[sflag:s26] =	ssyncset.done $0x0  }
0xb3: {  	s1 =	sshll.u32 s31, $0x6;
	s31 =	simm.s32 $0x10;
	[sflag:s26] =	ssyncadd.s32 $0xFFFFFFA0  }
.Ltmp1:
0xb4: {  	s1 =	sor.u32 $0x1C01, s1;
	[bflag:$0x0] =	sbarrier.arrive $0xFFFF;
	(pc) =	sbr.rel @p0 .LBB2_1-.Ltmp1, $4  }
0xb5: {  	[hbm:s6@s28], [sflag:s1] =	dma.strided [spmem:s25@s31], $0x50, s26, $0x10   }
0xb6: {  	_ =	swait.ge [sflag:s26], $0x50  }
0xb7: {  	[sflag:s26] =	ssyncset.done $0x0  }
0xb8: {  	[sflag:s26] =	ssyncadd.s32 $0xFFFFFFB0  }
0xb9: {  	_ =	sfence.sel $0x180000  }
0xba: {  	[bflag:$0x0] =	sbarrier.arrive $0xFFFF  }
0xbb: {  	_ =	strace $0x90000047  }
0xbc: {  	s0 =	stileid.u32;
	[bflag:$0x2] =	sbarrier.arrive $0xFFFF  }
0xbd: {  	p0 =	sne.s32 s0, $0x0;
	s0 =	rddreg [dreg:$0x3]  }
0xbe: {  	s0 =	sadd.s32 @!p0 $0x100000, s0  }
0xbf: {  	[sflag:s0] =	ssyncadd.tile.s32 @!p0 $0x1;
	_ =	shalt  }
.Lfunc_end2:
_tile_overlayer_lowered:
.L_overlay_start_2:
0xc0: {  	(tag) =	ssettag $0x2  }
0xc1: {  	s0 =	rddreg [dreg:$0x0];
	s2 =	stileid.u32  }
0xc2: {  	s1 =	rddreg [dreg:$0x1];
	p0 =	sne.s32 s2, $0x0  }
0xc3: {  	s3 =	rddreg [dreg:$0x2];
	[bflag:$0x3] =	sbarrier.arrive $0xFFFF;
	s2 =	simm.s32 @!p0 $0x1C01  }
0xc4: {  	[timem:s3], [sflag:s2] =	dma.local @!p0 [hbm:s0], s1  }
0xc5: {  	s0 =	simm.s32 @!p0 $0x1  }
0xc6: {  	_ =	swait.ge @!p0 [sflag:s0], s1  }
0xc7: {  	s1 =	ssub.s32 @!p0 $0x0, s1;
	[sflag:s0] =	ssyncset.done @!p0 $0x0  }
0xc8: {  	[sflag:s0] =	ssyncadd.s32 @!p0 s1  }
0xc9: {  	[bflag:$0x3] =	sbarrier.arrive $0xFFFF  }
0xca: {  	_ =	shalt  }

</sc_bundles>
